<compile_context>
chip_gen: v7x
topology: tpu7x:2x2x1
jax: 0.10.2.dev20260603
libtpu: 0.0.44.dev20260713+nightly
codegen_flags: <defaults>
</compile_context>

<pallas_src>
import functools

import jax
import jax.numpy as jnp
from jax import lax
from jax.experimental import pallas as pl
from jax.experimental.pallas import tpu as pltpu
from jax.experimental.pallas import tpu_sc as plsc

B = 4096
L = 200
DIM = 32
OOV = 512
NCOV = 8
NX = 24
HID = 512
NTOP = 64
VOCAB1 = 1000001

NC, NS = 2, 16
NW = NC * NS
RPW = B // NW
IDX0, IDX1 = 128, L - 128

TPW = 16384
NBLK = (VOCAB1 + TPW - 1) // TPW
NROWS = NBLK * TPW
CH = TPW // 8

SMALL = 1 + NCOV + DIM + NX
SPAD = 128
TILE = 512


def _repack_body(in_ref, out_ref):
    g = pl.program_id(0)
    xh = jnp.concatenate(
        [in_ref[0:16, CH * p:CH * (p + 1)] for p in range(8)], axis=0)
    xl = jnp.concatenate(
        [in_ref[16:32, CH * p:CH * (p + 1)] for p in range(8)], axis=0)
    col = lax.broadcasted_iota(jnp.int32, (128, CH), 1)
    p_in = lax.broadcasted_iota(jnp.int32, (128, CH), 0) // 16
    tok = g * TPW + p_in * CH + col
    valid = tok < VOCAB1
    xh = jnp.where(valid, xh, 0.0)
    xl = jnp.where(valid, xl, 0.0)

    row = lax.broadcasted_iota(jnp.int32, (128, 128), 0)
    lcol = lax.broadcasted_iota(jnp.int32, (128, 128), 1)
    eye = (row == lcol).astype(jnp.float32)
    a = lax.dot_general(xh, eye, (((0,), (0,)), ((), ())),
                        preferred_element_type=jnp.float32)
    bm = lax.dot_general(xl, eye, (((0,), (0,)), ((), ())),
                         preferred_element_type=jnp.float32)
    ua = lax.bitcast_convert_type(a, jnp.int32)
    ub = lax.bitcast_convert_type(bm, jnp.int32)
    hi = (ua + jnp.int32(0x8000)) & jnp.int32(-65536)
    lo = lax.shift_right_logical(ub + jnp.int32(0x8000), 16)
    out_ref[...] = lax.bitcast_convert_type(hi | lo, jnp.float32)


def _repack_tc(tblT):
    return pl.pallas_call(
        _repack_body,
        grid=(NBLK,),
        in_specs=[pl.BlockSpec((32, TPW), lambda g: (0, g))],
        out_specs=pl.BlockSpec((CH, 128), lambda g: (g, 0)),
        out_shape=jax.ShapeDtypeStruct((NBLK * CH, 128), jnp.float32),
        compiler_params=pltpu.CompilerParams(
            fuse_transposed_lhs_in_matmul=True),
    )(tblT)


def _dan_body(iv_hbm, table_hbm, out_hbm, idx_v, rows_v, out_v,
              sem0, sem1, sem2, sem3):
    wid = lax.axis_index("s") * NC + lax.axis_index("c")
    base = wid * (RPW * L)
    pltpu.sync_copy(iv_hbm.at[pl.ds(base, RPW * L)], idx_v.at[pl.ds(0, RPW * L)])

    ch_shift = CH.bit_length() - 1

    def xform(k, carry):
        t = idx_v[pl.ds(16 * k, 16)]
        row = ((t & jnp.int32(~(TPW - 1)))
               + ((t & jnp.int32(CH - 1)) << 3)
               + ((t >> ch_shift) & jnp.int32(7)))
        idx_v[pl.ds(16 * k, 16)] = row
        return carry

    lax.fori_loop(0, (RPW * L) // 16, xform, 0, unroll=8)

    def gather_descs(r, slot_ref, sem):
        off = r * L
        d0 = pltpu.make_async_copy(
            table_hbm.at[idx_v.at[pl.ds(off, IDX0)]],
            slot_ref.at[pl.ds(0, IDX0)], sem)
        d1 = pltpu.make_async_copy(
            table_hbm.at[idx_v.at[pl.ds(off + IDX0, IDX1)]],
            slot_ref.at[pl.ds(IDX0, IDX1)], sem)
        return d0, d1

    def issue(r, slot_ref, sem):
        d0, d1 = gather_descs(r, slot_ref, sem)
        d0.start()
        d1.start()

    lanes = lax.iota(jnp.int32, 16)

    def process(r, slot_ref, sem):
        d0, d1 = gather_descs(r, slot_ref, sem)
        d0.wait()
        d1.wait()
        ivoff = r * L
        accc = jnp.zeros((16,), jnp.int32)
        for k in range(12):
            v = idx_v[pl.ds(ivoff + 16 * k, 16)]
            accc = accc + plsc.all_reduce_population_count(v > 0)
        v = idx_v[pl.ds(ivoff + 192, 16)]
        accc = accc + plsc.all_reduce_population_count(
            (v > 0) & (lanes < L - 192))
        inv = 1.0 / jnp.maximum(accc.astype(jnp.float32), 1.0)

        def add_row(j, accs):
            a0, a1 = accs
            w = plsc.bitcast(slot_ref[j, pl.ds(0, 16)], jnp.int32)
            a0 = a0 + plsc.bitcast(w & jnp.int32(-65536), jnp.float32)
            a1 = a1 + plsc.bitcast(w << 16, jnp.float32)
            return (a0, a1)

        acc0 = jnp.zeros((16,), jnp.float32)
        acc1 = jnp.zeros((16,), jnp.float32)
        acc0, acc1 = lax.fori_loop(0, L, add_row, (acc0, acc1), unroll=8)
        out_v[r, pl.ds(0, 16)] = acc0 * inv
        out_v[r, pl.ds(16, 16)] = acc1 * inv

    sems = (sem0, sem1, sem2, sem3)
    for j in range(4):
        issue(j, rows_v.at[j], sems[j])

    def quad_body(i, carry):
        r0 = 4 * i
        for j in range(4):
            process(r0 + j, rows_v.at[j], sems[j])

            @pl.when(r0 + j + 4 < RPW)
            def _():
                issue(r0 + j + 4, rows_v.at[j], sems[j])

        return carry

    lax.fori_loop(0, RPW // 4, quad_body, 0)
    pltpu.sync_copy(out_v, out_hbm.at[pl.ds(wid * RPW, RPW)])


@functools.cache
def _get_dan_sc():
    return pl.kernel(
        _dan_body,
        out_type=jax.ShapeDtypeStruct((B, DIM), jnp.float32),
        mesh=plsc.VectorSubcoreMesh(core_axis_name="c", subcore_axis_name="s",
                                    num_cores=NC, num_subcores=NS),
        compiler_params=pltpu.CompilerParams(needs_layout_passes=False,
                                             use_tc_tiling_on_sc=False),
        scratch_types=[
            pltpu.VMEM((RPW * L + 8,), jnp.int32),
            pltpu.VMEM((4, L, DIM // 2), jnp.float32),
            pltpu.VMEM((RPW, DIM), jnp.float32),
            pltpu.SemaphoreType.DMA,
            pltpu.SemaphoreType.DMA,
            pltpu.SemaphoreType.DMA,
            pltpu.SemaphoreType.DMA,
        ],
    )


def _mlp_body(oov_ref, small_ref, w1a_ref, w1b_ref, b1_ref, w2_ref, b2_ref,
              out_ref):
    small = small_ref[...]
    col = lax.broadcasted_iota(jnp.int32, small.shape, 1)
    small = jnp.where(col == 0, jnp.log1p(small), small)
    x = jnp.dot(oov_ref[...], w1a_ref[...], preferred_element_type=jnp.float32)
    x = x + jnp.dot(small, w1b_ref[...], preferred_element_type=jnp.float32)
    h = jnp.maximum(x + b1_ref[...], 0.0)
    out_ref[...] = (
        lax.dot_general(w2_ref[...], h, (((0,), (1,)), ((), ())),
                        preferred_element_type=jnp.float32)
        + b2_ref[...])


def _mlp_tc(oov, small, w1a, w1b, b1, w2, b2):
    grid = (B // TILE,)
    return pl.pallas_call(
        _mlp_body,
        grid=grid,
        in_specs=[
            pl.BlockSpec((TILE, OOV), lambda i: (i, 0)),
            pl.BlockSpec((TILE, SPAD), lambda i: (i, 0)),
            pl.BlockSpec((OOV, HID), lambda i: (0, 0)),
            pl.BlockSpec((SPAD, HID), lambda i: (0, 0)),
            pl.BlockSpec((1, HID), lambda i: (0, 0)),
            pl.BlockSpec((HID, NTOP), lambda i: (0, 0)),
            pl.BlockSpec((NTOP, 1), lambda i: (0, 0)),
        ],
        out_specs=pl.BlockSpec((NTOP, TILE), lambda i: (0, i)),
        out_shape=jax.ShapeDtypeStruct((NTOP, B), jnp.float32),
    )(oov, small, w1a, w1b, b1, w2, b2)


def kernel(oov, read_depth, covariates, extra_features, emb_table, W1, b1,
           W2, b2, iv):
    packed = _repack_tc(emb_table.T)
    packed_rows = packed.reshape(-1).reshape(NROWS, DIM // 2)
    ivf = iv.reshape(-1).astype(jnp.int32)
    iv_rep = _get_dan_sc()(ivf, packed_rows)
    small = jnp.concatenate(
        [read_depth, covariates, iv_rep, extra_features], axis=1)
    small = jnp.pad(small, ((0, 0), (0, SPAD - SMALL)))
    w1a = W1[:OOV]
    w1b = jnp.pad(W1[OOV:], ((0, SPAD - SMALL), (0, 0)))
    out_t = _mlp_tc(oov, small, w1a, w1b, b1.reshape(1, -1), W2,
                    b2.reshape(-1, 1))
    return out_t.T

# --- scband reference (transcript-rebuilt; emitter-appended) ---
"""Pipeline reference for scband-mixed-embedding-encoder-33337536152162 (READ-ONLY COPY).

The authoritative reference and input builder live on the scoring server;
editing this copy changes nothing except your own understanding.
"""

import jax, jax.numpy as jnp
import numpy as np

B = 4096
L = 200
VOCAB = 1000000
DIM = 32
OOV = 512
NX = 24
NCOV = 8
HID = 512
NTOP = 64


def setup_inputs(seed: int = 0):
    key = jax.random.key(seed)
    ks = jax.random.split(key, 10)
    iv = jax.random.randint(ks[0], (B, L), 0, VOCAB + 1)
    oov = jax.random.normal(ks[1], (B, OOV), dtype=jnp.float32)
    read_depth = jax.random.uniform(ks[2], (B, 1), dtype=jnp.float32) * 1000.0 + 1.0
    covariates = jax.random.normal(ks[3], (B, NCOV), dtype=jnp.float32)
    extra_features = jax.random.normal(ks[4], (B, NX), dtype=jnp.float32)
    # pretrained embedding table with padding row 0 (padded_embedding_matrix.T)
    emb_table = jax.random.normal(ks[5], (VOCAB + 1, DIM), dtype=jnp.float32) * 0.02
    emb_table = emb_table.at[0].set(0.0)
    in_dim = OOV + 1 + NCOV + DIM + NX
    W1 = jax.random.normal(ks[6], (in_dim, HID), dtype=jnp.float32) * 0.02
    b1 = jnp.zeros((HID,), dtype=jnp.float32)
    W2 = jax.random.normal(ks[7], (HID, NTOP), dtype=jnp.float32) * 0.02
    b2 = jnp.zeros((NTOP,), dtype=jnp.float32)
    return {"oov": oov, "read_depth": read_depth, "covariates": covariates,
            "extra_features": extra_features, "emb_table": emb_table,
            "W1": W1, "b1": b1, "W2": W2, "b2": b2, "iv": iv}


def _apply_dan(emb_table, iv):
    # Deep-averaging network over non-padding (idx>0) token embeddings.
    emb = jnp.take(emb_table, iv, axis=0)            # [B, L, DIM] gather
    mask = (iv > 0).astype(jnp.float32)[..., None]   # padding_idx = 0
    summed = (emb * mask).sum(axis=1)
    counts = jnp.clip(mask.sum(axis=1), 1.0, None)
    return summed / counts                           # [B, DIM]


def _base_encoder(oov, read_depth, covariates, iv_feat, W1, b1, W2, b2):
    x = jnp.concatenate([oov, jnp.log1p(read_depth), covariates, iv_feat], axis=1)
    h = jax.nn.relu(x @ W1 + b1)
    return h @ W2 + b2


def reference(oov, read_depth, covariates, extra_features, emb_table, W1, b1, W2, b2, iv):
    # split_X: embed in-vocab ids via DAN, concat with extra features
    iv_rep = _apply_dan(emb_table, iv)
    iv_feat = jnp.concatenate([iv_rep, extra_features], axis=1)
    return _base_encoder(oov, read_depth, covariates, iv_feat, W1, b1, W2, b2)

if __name__ == "__main__":
    import jax
    _d = setup_inputs()
    print(jax.jit(kernel)(*tuple(_d.values())))

</pallas_src>

<mosaic_0001>
#map = affine_map<(d0, d1) -> (0)>
#map1 = affine_map<(d0, d1) -> (0, 0)>
module attributes {stable_mosaic.version = 14 : i64} {
  func.func @_dan_body(%arg0: i32, %arg1: i32, %arg2: memref<819200xi32, #tpu.memory_space<hbm>>, %arg3: memref<1015808x16xf32, #tpu.memory_space<hbm>>, %arg4: memref<4096x32xf32, #tpu.memory_space<hbm>>, %arg5: memref<25608xi32, #tpu.memory_space<vmem>>, %arg6: memref<4x200x16xf32, #tpu.memory_space<vmem>>, %arg7: memref<128x32xf32, #tpu.memory_space<vmem>>, %arg8: memref<!tpu.dma_semaphore, #tpu.memory_space<semaphore_mem>>, %arg9: memref<!tpu.dma_semaphore, #tpu.memory_space<semaphore_mem>>, %arg10: memref<!tpu.dma_semaphore, #tpu.memory_space<semaphore_mem>>, %arg11: memref<!tpu.dma_semaphore, #tpu.memory_space<semaphore_mem>>) attributes {dimension_semantics = [#tpu.dimension_semantics<core_parallel>, #tpu.dimension_semantics<subcore_parallel>], iteration_bounds = array<i64: 2, 16>, scalar_prefetch = 0 : i64, scratch_operands = 7 : i64, tpu.core_type = #tpu.core_type<sc_vector_subcore>, window_params = [{transform_indices = #map}, {transform_indices = #map1}, {transform_indices = #map1}]} {
    %mul3A = arith.constant 2 : i32
    %mul3A_0 = arith.muli %arg1, %mul3A : i32
    %add3A = arith.addi %mul3A_0, %arg0 : i32
    %mul3A_1 = arith.constant 25600 : i32
    %mul3A_2 = arith.muli %add3A, %mul3A_1 : i32
    "tpu.region"() ({
      %run_scoped3A = tpu.sem_alloc : memref<!tpu.dma_semaphore, #tpu.memory_space<semaphore_mem>>
      %dma_start3A_119 = arith.constant 0 : i32
      %dma_start3A_120 = tpu.memref_slice %arg5[%dma_start3A_119] : memref<25608xi32, #tpu.memory_space<vmem>> -> memref<25600xi32, #tpu.memory_space<vmem>>
      %dma_start3A_121 = tpu.memref_slice %arg2[%mul3A_2] : memref<819200xi32, #tpu.memory_space<hbm>> -> memref<25600xi32, #tpu.memory_space<hbm>>
      %dma_start3A_122 = arith.constant 0 : i32
      %dma_start3A_123 = tpu.memref_slice %arg5[%dma_start3A_122] : memref<25608xi32, #tpu.memory_space<vmem>> -> memref<25600xi32, #tpu.memory_space<vmem>>
      %dma_start3A_124 = tpu.memref_slice %arg2[%mul3A_2] : memref<819200xi32, #tpu.memory_space<hbm>> -> memref<25600xi32, #tpu.memory_space<hbm>>
      tpu.enqueue_dma source(%dma_start3A_124 : memref<25600xi32, #tpu.memory_space<hbm>>) target(%dma_start3A_123 : memref<25600xi32, #tpu.memory_space<vmem>>) target_semaphore(%run_scoped3A : memref<!tpu.dma_semaphore, #tpu.memory_space<semaphore_mem>>)
      %dma_wait3A = arith.constant 0 : i32
      %dma_wait3A_125 = tpu.memref_slice %arg5[%dma_wait3A] : memref<25608xi32, #tpu.memory_space<vmem>> -> memref<25600xi32, #tpu.memory_space<vmem>>
      %dma_wait3A_126 = tpu.memref_slice %arg2[%mul3A_2] : memref<819200xi32, #tpu.memory_space<hbm>> -> memref<25600xi32, #tpu.memory_space<hbm>>
      %dma_wait3A_127 = arith.constant 0 : i32
      %dma_wait3A_128 = tpu.memref_slice %arg5[%dma_wait3A_127] : memref<25608xi32, #tpu.memory_space<vmem>> -> memref<25600xi32, #tpu.memory_space<vmem>>
      %dma_wait3A_129 = tpu.memref_slice %arg2[%mul3A_2] : memref<819200xi32, #tpu.memory_space<hbm>> -> memref<25600xi32, #tpu.memory_space<hbm>>
      tpu.wait_dma2 semaphore(%run_scoped3A : memref<!tpu.dma_semaphore, #tpu.memory_space<semaphore_mem>>) src(%dma_wait3A_129 : memref<25600xi32, #tpu.memory_space<hbm>>) dst(%dma_wait3A_128 : memref<25600xi32, #tpu.memory_space<vmem>>)
      tpu.yield
    }) : () -> ()
    %scan3A = arith.constant 0 : i32
    %scan3A_3 = arith.constant 0 : i32
    %scan3A_4 = arith.constant 1600 : i32
    %scan3A_5 = arith.addi %scan3A_3, %scan3A_4 : i32
    %scan3A_6 = arith.constant 8 : i32
    scf.for %scan3A_119 = %scan3A_3 to %scan3A_5 step %scan3A_6  : i32 {
      %mul3A_120 = arith.constant 16 : i32
      %mul3A_121 = arith.muli %mul3A_120, %scan3A_119 : i32
      %get3A = arith.index_cast %mul3A_121 : i32 to index
      %get3A_122 = tpu.vector_load %arg5[%get3A] {strides = array<i32>} : memref<25608xi32, #tpu.memory_space<vmem>>, vector<16xi32>,
      %and3A = arith.constant -16384 : i32
      %and3A_123 = vector.broadcast %and3A : i32 to vector<16xi32>
      %and3A_124 = arith.andi %get3A_122, %and3A_123 : vector<16xi32>
      %and3A_125 = arith.constant 2047 : i32
      %and3A_126 = vector.broadcast %and3A_125 : i32 to vector<16xi32>
      %and3A_127 = arith.andi %get3A_122, %and3A_126 : vector<16xi32>
      %shift_left3A = arith.constant 3 : i32
      %shift_left3A_128 = vector.broadcast %shift_left3A : i32 to vector<16xi32>
      %shift_left3A_129 = arith.shli %and3A_127, %shift_left3A_128 : vector<16xi32>
      %add3A_130 = arith.addi %and3A_124, %shift_left3A_129 : vector<16xi32>
      %shift_right_arithmetic3A = arith.constant 11 : i32
      %shift_right_arithmetic3A_131 = vector.broadcast %shift_right_arithmetic3A : i32 to vector<16xi32>
      %shift_right_arithmetic3A_132 = arith.shrsi %get3A_122, %shift_right_arithmetic3A_131 : vector<16xi32>
      %and3A_133 = arith.constant 7 : i32
      %and3A_134 = vector.broadcast %and3A_133 : i32 to vector<16xi32>
      %and3A_135 = arith.andi %shift_right_arithmetic3A_132, %and3A_134 : vector<16xi32>
      %add3A_136 = arith.addi %add3A_130, %and3A_135 : vector<16xi32>
      %mul3A_137 = arith.constant 16 : i32
      %mul3A_138 = arith.muli %mul3A_137, %scan3A_119 : i32
      %swap3A = arith.index_cast %mul3A_138 : i32 to index
      %swap3A_139 = tpu.vector_load %arg5[%swap3A] {strides = array<i32>} : memref<25608xi32, #tpu.memory_space<vmem>>, vector<16xi32>,
      tpu.vector_store %arg5[%swap3A], %add3A_136 {strides = array<i32>} : memref<25608xi32, #tpu.memory_space<vmem>>, vector<16xi32>,
      %scan3A_140 = arith.constant 1 : i32
      %scan3A_141 = arith.addi %scan3A_119, %scan3A_140 : i32
      %mul3A_142 = arith.constant 16 : i32
      %mul3A_143 = arith.muli %mul3A_142, %scan3A_141 : i32
      %get3A_144 = arith.index_cast %mul3A_143 : i32 to index
      %get3A_145 = tpu.vector_load %arg5[%get3A_144] {strides = array<i32>} : memref<25608xi32, #tpu.memory_space<vmem>>, vector<16xi32>,
      %and3A_146 = arith.constant -16384 : i32
      %and3A_147 = vector.broadcast %and3A_146 : i32 to vector<16xi32>
      %and3A_148 = arith.andi %get3A_145, %and3A_147 : vector<16xi32>
      %and3A_149 = arith.constant 2047 : i32
      %and3A_150 = vector.broadcast %and3A_149 : i32 to vector<16xi32>
      %and3A_151 = arith.andi %get3A_145, %and3A_150 : vector<16xi32>
      %shift_left3A_152 = arith.constant 3 : i32
      %shift_left3A_153 = vector.broadcast %shift_left3A_152 : i32 to vector<16xi32>
      %shift_left3A_154 = arith.shli %and3A_151, %shift_left3A_153 : vector<16xi32>
      %add3A_155 = arith.addi %and3A_148, %shift_left3A_154 : vector<16xi32>
      %shift_right_arithmetic3A_156 = arith.constant 11 : i32
      %shift_right_arithmetic3A_157 = vector.broadcast %shift_right_arithmetic3A_156 : i32 to vector<16xi32>
      %shift_right_arithmetic3A_158 = arith.shrsi %get3A_145, %shift_right_arithmetic3A_157 : vector<16xi32>
      %and3A_159 = arith.constant 7 : i32
      %and3A_160 = vector.broadcast %and3A_159 : i32 to vector<16xi32>
      %and3A_161 = arith.andi %shift_right_arithmetic3A_158, %and3A_160 : vector<16xi32>
      %add3A_162 = arith.addi %add3A_155, %and3A_161 : vector<16xi32>
      %mul3A_163 = arith.constant 16 : i32
      %mul3A_164 = arith.muli %mul3A_163, %scan3A_141 : i32
      %swap3A_165 = arith.index_cast %mul3A_164 : i32 to index
      %swap3A_166 = tpu.vector_load %arg5[%swap3A_165] {strides = array<i32>} : memref<25608xi32, #tpu.memory_space<vmem>>, vector<16xi32>,
      tpu.vector_store %arg5[%swap3A_165], %add3A_162 {strides = array<i32>} : memref<25608xi32, #tpu.memory_space<vmem>>, vector<16xi32>,
      %scan3A_167 = arith.constant 2 : i32
      %scan3A_168 = arith.addi %scan3A_119, %scan3A_167 : i32
      %mul3A_169 = arith.constant 16 : i32
      %mul3A_170 = arith.muli %mul3A_169, %scan3A_168 : i32
      %get3A_171 = arith.index_cast %mul3A_170 : i32 to index
      %get3A_172 = tpu.vector_load %arg5[%get3A_171] {strides = array<i32>} : memref<25608xi32, #tpu.memory_space<vmem>>, vector<16xi32>,
      %and3A_173 = arith.constant -16384 : i32
      %and3A_174 = vector.broadcast %and3A_173 : i32 to vector<16xi32>
      %and3A_175 = arith.andi %get3A_172, %and3A_174 : vector<16xi32>
      %and3A_176 = arith.constant 2047 : i32
      %and3A_177 = vector.broadcast %and3A_176 : i32 to vector<16xi32>
      %and3A_178 = arith.andi %get3A_172, %and3A_177 : vector<16xi32>
      %shift_left3A_179 = arith.constant 3 : i32
      %shift_left3A_180 = vector.broadcast %shift_left3A_179 : i32 to vector<16xi32>
      %shift_left3A_181 = arith.shli %and3A_178, %shift_left3A_180 : vector<16xi32>
      %add3A_182 = arith.addi %and3A_175, %shift_left3A_181 : vector<16xi32>
      %shift_right_arithmetic3A_183 = arith.constant 11 : i32
      %shift_right_arithmetic3A_184 = vector.broadcast %shift_right_arithmetic3A_183 : i32 to vector<16xi32>
      %shift_right_arithmetic3A_185 = arith.shrsi %get3A_172, %shift_right_arithmetic3A_184 : vector<16xi32>
      %and3A_186 = arith.constant 7 : i32
      %and3A_187 = vector.broadcast %and3A_186 : i32 to vector<16xi32>
      %and3A_188 = arith.andi %shift_right_arithmetic3A_185, %and3A_187 : vector<16xi32>
      %add3A_189 = arith.addi %add3A_182, %and3A_188 : vector<16xi32>
      %mul3A_190 = arith.constant 16 : i32
      %mul3A_191 = arith.muli %mul3A_190, %scan3A_168 : i32
      %swap3A_192 = arith.index_cast %mul3A_191 : i32 to index
      %swap3A_193 = tpu.vector_load %arg5[%swap3A_192] {strides = array<i32>} : memref<25608xi32, #tpu.memory_space<vmem>>, vector<16xi32>,
      tpu.vector_store %arg5[%swap3A_192], %add3A_189 {strides = array<i32>} : memref<25608xi32, #tpu.memory_space<vmem>>, vector<16xi32>,
      %scan3A_194 = arith.constant 3 : i32
      %scan3A_195 = arith.addi %scan3A_119, %scan3A_194 : i32
      %mul3A_196 = arith.constant 16 : i32
      %mul3A_197 = arith.muli %mul3A_196, %scan3A_195 : i32
      %get3A_198 = arith.index_cast %mul3A_197 : i32 to index
      %get3A_199 = tpu.vector_load %arg5[%get3A_198] {strides = array<i32>} : memref<25608xi32, #tpu.memory_space<vmem>>, vector<16xi32>,
      %and3A_200 = arith.constant -16384 : i32
      %and3A_201 = vector.broadcast %and3A_200 : i32 to vector<16xi32>
      %and3A_202 = arith.andi %get3A_199, %and3A_201 : vector<16xi32>
      %and3A_203 = arith.constant 2047 : i32
      %and3A_204 = vector.broadcast %and3A_203 : i32 to vector<16xi32>
      %and3A_205 = arith.andi %get3A_199, %and3A_204 : vector<16xi32>
      %shift_left3A_206 = arith.constant 3 : i32
      %shift_left3A_207 = vector.broadcast %shift_left3A_206 : i32 to vector<16xi32>
      %shift_left3A_208 = arith.shli %and3A_205, %shift_left3A_207 : vector<16xi32>
      %add3A_209 = arith.addi %and3A_202, %shift_left3A_208 : vector<16xi32>
      %shift_right_arithmetic3A_210 = arith.constant 11 : i32
      %shift_right_arithmetic3A_211 = vector.broadcast %shift_right_arithmetic3A_210 : i32 to vector<16xi32>
      %shift_right_arithmetic3A_212 = arith.shrsi %get3A_199, %shift_right_arithmetic3A_211 : vector<16xi32>
      %and3A_213 = arith.constant 7 : i32
      %and3A_214 = vector.broadcast %and3A_213 : i32 to vector<16xi32>
      %and3A_215 = arith.andi %shift_right_arithmetic3A_212, %and3A_214 : vector<16xi32>
      %add3A_216 = arith.addi %add3A_209, %and3A_215 : vector<16xi32>
      %mul3A_217 = arith.constant 16 : i32
      %mul3A_218 = arith.muli %mul3A_217, %scan3A_195 : i32
      %swap3A_219 = arith.index_cast %mul3A_218 : i32 to index
      %swap3A_220 = tpu.vector_load %arg5[%swap3A_219] {strides = array<i32>} : memref<25608xi32, #tpu.memory_space<vmem>>, vector<16xi32>,
      tpu.vector_store %arg5[%swap3A_219], %add3A_216 {strides = array<i32>} : memref<25608xi32, #tpu.memory_space<vmem>>, vector<16xi32>,
      %scan3A_221 = arith.constant 4 : i32
      %scan3A_222 = arith.addi %scan3A_119, %scan3A_221 : i32
      %mul3A_223 = arith.constant 16 : i32
      %mul3A_224 = arith.muli %mul3A_223, %scan3A_222 : i32
      %get3A_225 = arith.index_cast %mul3A_224 : i32 to index
      %get3A_226 = tpu.vector_load %arg5[%get3A_225] {strides = array<i32>} : memref<25608xi32, #tpu.memory_space<vmem>>, vector<16xi32>,
      %and3A_227 = arith.constant -16384 : i32
      %and3A_228 = vector.broadcast %and3A_227 : i32 to vector<16xi32>
      %and3A_229 = arith.andi %get3A_226, %and3A_228 : vector<16xi32>
      %and3A_230 = arith.constant 2047 : i32
      %and3A_231 = vector.broadcast %and3A_230 : i32 to vector<16xi32>
      %and3A_232 = arith.andi %get3A_226, %and3A_231 : vector<16xi32>
      %shift_left3A_233 = arith.constant 3 : i32
      %shift_left3A_234 = vector.broadcast %shift_left3A_233 : i32 to vector<16xi32>
      %shift_left3A_235 = arith.shli %and3A_232, %shift_left3A_234 : vector<16xi32>
      %add3A_236 = arith.addi %and3A_229, %shift_left3A_235 : vector<16xi32>
      %shift_right_arithmetic3A_237 = arith.constant 11 : i32
      %shift_right_arithmetic3A_238 = vector.broadcast %shift_right_arithmetic3A_237 : i32 to vector<16xi32>
      %shift_right_arithmetic3A_239 = arith.shrsi %get3A_226, %shift_right_arithmetic3A_238 : vector<16xi32>
      %and3A_240 = arith.constant 7 : i32
      %and3A_241 = vector.broadcast %and3A_240 : i32 to vector<16xi32>
      %and3A_242 = arith.andi %shift_right_arithmetic3A_239, %and3A_241 : vector<16xi32>
      %add3A_243 = arith.addi %add3A_236, %and3A_242 : vector<16xi32>
      %mul3A_244 = arith.constant 16 : i32
      %mul3A_245 = arith.muli %mul3A_244, %scan3A_222 : i32
      %swap3A_246 = arith.index_cast %mul3A_245 : i32 to index
      %swap3A_247 = tpu.vector_load %arg5[%swap3A_246] {strides = array<i32>} : memref<25608xi32, #tpu.memory_space<vmem>>, vector<16xi32>,
      tpu.vector_store %arg5[%swap3A_246], %add3A_243 {strides = array<i32>} : memref<25608xi32, #tpu.memory_space<vmem>>, vector<16xi32>,
      %scan3A_248 = arith.constant 5 : i32
      %scan3A_249 = arith.addi %scan3A_119, %scan3A_248 : i32
      %mul3A_250 = arith.constant 16 : i32
      %mul3A_251 = arith.muli %mul3A_250, %scan3A_249 : i32
      %get3A_252 = arith.index_cast %mul3A_251 : i32 to index
      %get3A_253 = tpu.vector_load %arg5[%get3A_252] {strides = array<i32>} : memref<25608xi32, #tpu.memory_space<vmem>>, vector<16xi32>,
      %and3A_254 = arith.constant -16384 : i32
      %and3A_255 = vector.broadcast %and3A_254 : i32 to vector<16xi32>
      %and3A_256 = arith.andi %get3A_253, %and3A_255 : vector<16xi32>
      %and3A_257 = arith.constant 2047 : i32
      %and3A_258 = vector.broadcast %and3A_257 : i32 to vector<16xi32>
      %and3A_259 = arith.andi %get3A_253, %and3A_258 : vector<16xi32>
      %shift_left3A_260 = arith.constant 3 : i32
      %shift_left3A_261 = vector.broadcast %shift_left3A_260 : i32 to vector<16xi32>
      %shift_left3A_262 = arith.shli %and3A_259, %shift_left3A_261 : vector<16xi32>
      %add3A_263 = arith.addi %and3A_256, %shift_left3A_262 : vector<16xi32>
      %shift_right_arithmetic3A_264 = arith.constant 11 : i32
      %shift_right_arithmetic3A_265 = vector.broadcast %shift_right_arithmetic3A_264 : i32 to vector<16xi32>
      %shift_right_arithmetic3A_266 = arith.shrsi %get3A_253, %shift_right_arithmetic3A_265 : vector<16xi32>
      %and3A_267 = arith.constant 7 : i32
      %and3A_268 = vector.broadcast %and3A_267 : i32 to vector<16xi32>
      %and3A_269 = arith.andi %shift_right_arithmetic3A_266, %and3A_268 : vector<16xi32>
      %add3A_270 = arith.addi %add3A_263, %and3A_269 : vector<16xi32>
      %mul3A_271 = arith.constant 16 : i32
      %mul3A_272 = arith.muli %mul3A_271, %scan3A_249 : i32
      %swap3A_273 = arith.index_cast %mul3A_272 : i32 to index
      %swap3A_274 = tpu.vector_load %arg5[%swap3A_273] {strides = array<i32>} : memref<25608xi32, #tpu.memory_space<vmem>>, vector<16xi32>,
      tpu.vector_store %arg5[%swap3A_273], %add3A_270 {strides = array<i32>} : memref<25608xi32, #tpu.memory_space<vmem>>, vector<16xi32>,
      %scan3A_275 = arith.constant 6 : i32
      %scan3A_276 = arith.addi %scan3A_119, %scan3A_275 : i32
      %mul3A_277 = arith.constant 16 : i32
      %mul3A_278 = arith.muli %mul3A_277, %scan3A_276 : i32
      %get3A_279 = arith.index_cast %mul3A_278 : i32 to index
      %get3A_280 = tpu.vector_load %arg5[%get3A_279] {strides = array<i32>} : memref<25608xi32, #tpu.memory_space<vmem>>, vector<16xi32>,
      %and3A_281 = arith.constant -16384 : i32
      %and3A_282 = vector.broadcast %and3A_281 : i32 to vector<16xi32>
      %and3A_283 = arith.andi %get3A_280, %and3A_282 : vector<16xi32>
      %and3A_284 = arith.constant 2047 : i32
      %and3A_285 = vector.broadcast %and3A_284 : i32 to vector<16xi32>
      %and3A_286 = arith.andi %get3A_280, %and3A_285 : vector<16xi32>
      %shift_left3A_287 = arith.constant 3 : i32
      %shift_left3A_288 = vector.broadcast %shift_left3A_287 : i32 to vector<16xi32>
      %shift_left3A_289 = arith.shli %and3A_286, %shift_left3A_288 : vector<16xi32>
      %add3A_290 = arith.addi %and3A_283, %shift_left3A_289 : vector<16xi32>
      %shift_right_arithmetic3A_291 = arith.constant 11 : i32
      %shift_right_arithmetic3A_292 = vector.broadcast %shift_right_arithmetic3A_291 : i32 to vector<16xi32>
      %shift_right_arithmetic3A_293 = arith.shrsi %get3A_280, %shift_right_arithmetic3A_292 : vector<16xi32>
      %and3A_294 = arith.constant 7 : i32
      %and3A_295 = vector.broadcast %and3A_294 : i32 to vector<16xi32>
      %and3A_296 = arith.andi %shift_right_arithmetic3A_293, %and3A_295 : vector<16xi32>
      %add3A_297 = arith.addi %add3A_290, %and3A_296 : vector<16xi32>
      %mul3A_298 = arith.constant 16 : i32
      %mul3A_299 = arith.muli %mul3A_298, %scan3A_276 : i32
      %swap3A_300 = arith.index_cast %mul3A_299 : i32 to index
      %swap3A_301 = tpu.vector_load %arg5[%swap3A_300] {strides = array<i32>} : memref<25608xi32, #tpu.memory_space<vmem>>, vector<16xi32>,
      tpu.vector_store %arg5[%swap3A_300], %add3A_297 {strides = array<i32>} : memref<25608xi32, #tpu.memory_space<vmem>>, vector<16xi32>,
      %scan3A_302 = arith.constant 7 : i32
      %scan3A_303 = arith.addi %scan3A_119, %scan3A_302 : i32
      %mul3A_304 = arith.constant 16 : i32
      %mul3A_305 = arith.muli %mul3A_304, %scan3A_303 : i32
      %get3A_306 = arith.index_cast %mul3A_305 : i32 to index
      %get3A_307 = tpu.vector_load %arg5[%get3A_306] {strides = array<i32>} : memref<25608xi32, #tpu.memory_space<vmem>>, vector<16xi32>,
      %and3A_308 = arith.constant -16384 : i32
      %and3A_309 = vector.broadcast %and3A_308 : i32 to vector<16xi32>
      %and3A_310 = arith.andi %get3A_307, %and3A_309 : vector<16xi32>
      %and3A_311 = arith.constant 2047 : i32
      %and3A_312 = vector.broadcast %and3A_311 : i32 to vector<16xi32>
      %and3A_313 = arith.andi %get3A_307, %and3A_312 : vector<16xi32>
      %shift_left3A_314 = arith.constant 3 : i32
      %shift_left3A_315 = vector.broadcast %shift_left3A_314 : i32 to vector<16xi32>
      %shift_left3A_316 = arith.shli %and3A_313, %shift_left3A_315 : vector<16xi32>
      %add3A_317 = arith.addi %and3A_310, %shift_left3A_316 : vector<16xi32>
      %shift_right_arithmetic3A_318 = arith.constant 11 : i32
      %shift_right_arithmetic3A_319 = vector.broadcast %shift_right_arithmetic3A_318 : i32 to vector<16xi32>
      %shift_right_arithmetic3A_320 = arith.shrsi %get3A_307, %shift_right_arithmetic3A_319 : vector<16xi32>
      %and3A_321 = arith.constant 7 : i32
      %and3A_322 = vector.broadcast %and3A_321 : i32 to vector<16xi32>
      %and3A_323 = arith.andi %shift_right_arithmetic3A_320, %and3A_322 : vector<16xi32>
      %add3A_324 = arith.addi %add3A_317, %and3A_323 : vector<16xi32>
      %mul3A_325 = arith.constant 16 : i32
      %mul3A_326 = arith.muli %mul3A_325, %scan3A_303 : i32
      %swap3A_327 = arith.index_cast %mul3A_326 : i32 to index
      %swap3A_328 = tpu.vector_load %arg5[%swap3A_327] {strides = array<i32>} : memref<25608xi32, #tpu.memory_space<vmem>>, vector<16xi32>,
      tpu.vector_store %arg5[%swap3A_327], %add3A_324 {strides = array<i32>} : memref<25608xi32, #tpu.memory_space<vmem>>, vector<16xi32>,
    }
    %scan3A_7 = arith.constant 1600 : i32
    %iota3A = tpu.iota {dimensions = array<i32: 0>} : vector<16xi32>
    %dma_start3A = arith.constant 0 : i32
    %dma_start3A_8 = arith.constant 0 : i32
    %dma_start3A_9 = arith.constant 0 : i32
    %dma_start3A_10 = tpu.memref_slice %arg6[%dma_start3A, %dma_start3A_8, %dma_start3A_9] : memref<4x200x16xf32, #tpu.memory_space<vmem>> -> memref<1x200x16xf32, #tpu.memory_space<vmem>>
    %dma_start3A_11 = tpu.memref_squeeze %dma_start3A_10 : memref<1x200x16xf32, #tpu.memory_space<vmem>> -> memref<200x16xf32, #tpu.memory_space<vmem>>
    %dma_start3A_12 = arith.constant 0 : i32
    %dma_start3A_13 = arith.constant 0 : i32
    %dma_start3A_14 = tpu.memref_slice %dma_start3A_11[%dma_start3A_12, %dma_start3A_13] : memref<200x16xf32, #tpu.memory_space<vmem>> -> memref<128x16xf32, #tpu.memory_space<vmem>>
    %dma_start3A_15 = arith.constant 0 : i32
    %dma_start3A_16 = tpu.memref_slice %arg5[%dma_start3A_15] : memref<25608xi32, #tpu.memory_space<vmem>> -> memref<128xi32, #tpu.memory_space<vmem>>
    %dma_start3A_17 = arith.constant 0 : i32
    %dma_start3A_18 = arith.constant 0 : i32
    %dma_start3A_19 = tpu.memref_slice %arg3[%dma_start3A_17, %dma_start3A_18] : memref<1015808x16xf32, #tpu.memory_space<hbm>> -> memref<1015808x16xf32, #tpu.memory_space<hbm>>
    tpu.enqueue_indirect_dma source(%dma_start3A_19 : memref<1015808x16xf32, #tpu.memory_space<hbm>>) target(%dma_start3A_14 : memref<128x16xf32, #tpu.memory_space<vmem>>) offsets(%dma_start3A_16 : memref<128xi32, #tpu.memory_space<vmem>>) semaphore(%arg8 : memref<!tpu.dma_semaphore, #tpu.memory_space<semaphore_mem>>)
    %dma_start3A_20 = arith.constant 0 : i32
    %dma_start3A_21 = arith.constant 0 : i32
    %dma_start3A_22 = arith.constant 0 : i32
    %dma_start3A_23 = tpu.memref_slice %arg6[%dma_start3A_20, %dma_start3A_21, %dma_start3A_22] : memref<4x200x16xf32, #tpu.memory_space<vmem>> -> memref<1x200x16xf32, #tpu.memory_space<vmem>>
    %dma_start3A_24 = tpu.memref_squeeze %dma_start3A_23 : memref<1x200x16xf32, #tpu.memory_space<vmem>> -> memref<200x16xf32, #tpu.memory_space<vmem>>
    %dma_start3A_25 = arith.constant 128 : i32
    %dma_start3A_26 = arith.constant 0 : i32
    %dma_start3A_27 = tpu.memref_slice %dma_start3A_24[%dma_start3A_25, %dma_start3A_26] : memref<200x16xf32, #tpu.memory_space<vmem>> -> memref<72x16xf32, #tpu.memory_space<vmem>>
    %dma_start3A_28 = arith.constant 128 : i32
    %dma_start3A_29 = tpu.memref_slice %arg5[%dma_start3A_28] : memref<25608xi32, #tpu.memory_space<vmem>> -> memref<72xi32, #tpu.memory_space<vmem>>
    %dma_start3A_30 = arith.constant 0 : i32
    %dma_start3A_31 = arith.constant 0 : i32
    %dma_start3A_32 = tpu.memref_slice %arg3[%dma_start3A_30, %dma_start3A_31] : memref<1015808x16xf32, #tpu.memory_space<hbm>> -> memref<1015808x16xf32, #tpu.memory_space<hbm>>
    tpu.enqueue_indirect_dma source(%dma_start3A_32 : memref<1015808x16xf32, #tpu.memory_space<hbm>>) target(%dma_start3A_27 : memref<72x16xf32, #tpu.memory_space<vmem>>) offsets(%dma_start3A_29 : memref<72xi32, #tpu.memory_space<vmem>>) semaphore(%arg8 : memref<!tpu.dma_semaphore, #tpu.memory_space<semaphore_mem>>)
    %dma_start3A_33 = arith.constant 1 : i32
    %dma_start3A_34 = arith.constant 0 : i32
    %dma_start3A_35 = arith.constant 0 : i32
    %dma_start3A_36 = tpu.memref_slice %arg6[%dma_start3A_33, %dma_start3A_34, %dma_start3A_35] : memref<4x200x16xf32, #tpu.memory_space<vmem>> -> memref<1x200x16xf32, #tpu.memory_space<vmem>>
    %dma_start3A_37 = tpu.memref_squeeze %dma_start3A_36 : memref<1x200x16xf32, #tpu.memory_space<vmem>> -> memref<200x16xf32, #tpu.memory_space<vmem>>
    %dma_start3A_38 = arith.constant 0 : i32
    %dma_start3A_39 = arith.constant 0 : i32
    %dma_start3A_40 = tpu.memref_slice %dma_start3A_37[%dma_start3A_38, %dma_start3A_39] : memref<200x16xf32, #tpu.memory_space<vmem>> -> memref<128x16xf32, #tpu.memory_space<vmem>>
    %dma_start3A_41 = arith.constant 200 : i32
    %dma_start3A_42 = tpu.memref_slice %arg5[%dma_start3A_41] : memref<25608xi32, #tpu.memory_space<vmem>> -> memref<128xi32, #tpu.memory_space<vmem>>
    %dma_start3A_43 = arith.constant 0 : i32
    %dma_start3A_44 = arith.constant 0 : i32
    %dma_start3A_45 = tpu.memref_slice %arg3[%dma_start3A_43, %dma_start3A_44] : memref<1015808x16xf32, #tpu.memory_space<hbm>> -> memref<1015808x16xf32, #tpu.memory_space<hbm>>
    tpu.enqueue_indirect_dma source(%dma_start3A_45 : memref<1015808x16xf32, #tpu.memory_space<hbm>>) target(%dma_start3A_40 : memref<128x16xf32, #tpu.memory_space<vmem>>) offsets(%dma_start3A_42 : memref<128xi32, #tpu.memory_space<vmem>>) semaphore(%arg9 : memref<!tpu.dma_semaphore, #tpu.memory_space<semaphore_mem>>)
    %dma_start3A_46 = arith.constant 1 : i32
    %dma_start3A_47 = arith.constant 0 : i32
    %dma_start3A_48 = arith.constant 0 : i32
    %dma_start3A_49 = tpu.memref_slice %arg6[%dma_start3A_46, %dma_start3A_47, %dma_start3A_48] : memref<4x200x16xf32, #tpu.memory_space<vmem>> -> memref<1x200x16xf32, #tpu.memory_space<vmem>>
    %dma_start3A_50 = tpu.memref_squeeze %dma_start3A_49 : memref<1x200x16xf32, #tpu.memory_space<vmem>> -> memref<200x16xf32, #tpu.memory_space<vmem>>
    %dma_start3A_51 = arith.constant 128 : i32
    %dma_start3A_52 = arith.constant 0 : i32
    %dma_start3A_53 = tpu.memref_slice %dma_start3A_50[%dma_start3A_51, %dma_start3A_52] : memref<200x16xf32, #tpu.memory_space<vmem>> -> memref<72x16xf32, #tpu.memory_space<vmem>>
    %dma_start3A_54 = arith.constant 328 : i32
    %dma_start3A_55 = tpu.memref_slice %arg5[%dma_start3A_54] : memref<25608xi32, #tpu.memory_space<vmem>> -> memref<72xi32, #tpu.memory_space<vmem>>
    %dma_start3A_56 = arith.constant 0 : i32
    %dma_start3A_57 = arith.constant 0 : i32
    %dma_start3A_58 = tpu.memref_slice %arg3[%dma_start3A_56, %dma_start3A_57] : memref<1015808x16xf32, #tpu.memory_space<hbm>> -> memref<1015808x16xf32, #tpu.memory_space<hbm>>
    tpu.enqueue_indirect_dma source(%dma_start3A_58 : memref<1015808x16xf32, #tpu.memory_space<hbm>>) target(%dma_start3A_53 : memref<72x16xf32, #tpu.memory_space<vmem>>) offsets(%dma_start3A_55 : memref<72xi32, #tpu.memory_space<vmem>>) semaphore(%arg9 : memref<!tpu.dma_semaphore, #tpu.memory_space<semaphore_mem>>)
    %dma_start3A_59 = arith.constant 2 : i32
    %dma_start3A_60 = arith.constant 0 : i32
    %dma_start3A_61 = arith.constant 0 : i32
    %dma_start3A_62 = tpu.memref_slice %arg6[%dma_start3A_59, %dma_start3A_60, %dma_start3A_61] : memref<4x200x16xf32, #tpu.memory_space<vmem>> -> memref<1x200x16xf32, #tpu.memory_space<vmem>>
    %dma_start3A_63 = tpu.memref_squeeze %dma_start3A_62 : memref<1x200x16xf32, #tpu.memory_space<vmem>> -> memref<200x16xf32, #tpu.memory_space<vmem>>
    %dma_start3A_64 = arith.constant 0 : i32
    %dma_start3A_65 = arith.constant 0 : i32
    %dma_start3A_66 = tpu.memref_slice %dma_start3A_63[%dma_start3A_64, %dma_start3A_65] : memref<200x16xf32, #tpu.memory_space<vmem>> -> memref<128x16xf32, #tpu.memory_space<vmem>>
    %dma_start3A_67 = arith.constant 400 : i32
    %dma_start3A_68 = tpu.memref_slice %arg5[%dma_start3A_67] : memref<25608xi32, #tpu.memory_space<vmem>> -> memref<128xi32, #tpu.memory_space<vmem>>
    %dma_start3A_69 = arith.constant 0 : i32
    %dma_start3A_70 = arith.constant 0 : i32
    %dma_start3A_71 = tpu.memref_slice %arg3[%dma_start3A_69, %dma_start3A_70] : memref<1015808x16xf32, #tpu.memory_space<hbm>> -> memref<1015808x16xf32, #tpu.memory_space<hbm>>
    tpu.enqueue_indirect_dma source(%dma_start3A_71 : memref<1015808x16xf32, #tpu.memory_space<hbm>>) target(%dma_start3A_66 : memref<128x16xf32, #tpu.memory_space<vmem>>) offsets(%dma_start3A_68 : memref<128xi32, #tpu.memory_space<vmem>>) semaphore(%arg10 : memref<!tpu.dma_semaphore, #tpu.memory_space<semaphore_mem>>)
    %dma_start3A_72 = arith.constant 2 : i32
    %dma_start3A_73 = arith.constant 0 : i32
    %dma_start3A_74 = arith.constant 0 : i32
    %dma_start3A_75 = tpu.memref_slice %arg6[%dma_start3A_72, %dma_start3A_73, %dma_start3A_74] : memref<4x200x16xf32, #tpu.memory_space<vmem>> -> memref<1x200x16xf32, #tpu.memory_space<vmem>>
    %dma_start3A_76 = tpu.memref_squeeze %dma_start3A_75 : memref<1x200x16xf32, #tpu.memory_space<vmem>> -> memref<200x16xf32, #tpu.memory_space<vmem>>
    %dma_start3A_77 = arith.constant 128 : i32
    %dma_start3A_78 = arith.constant 0 : i32
    %dma_start3A_79 = tpu.memref_slice %dma_start3A_76[%dma_start3A_77, %dma_start3A_78] : memref<200x16xf32, #tpu.memory_space<vmem>> -> memref<72x16xf32, #tpu.memory_space<vmem>>
    %dma_start3A_80 = arith.constant 528 : i32
    %dma_start3A_81 = tpu.memref_slice %arg5[%dma_start3A_80] : memref<25608xi32, #tpu.memory_space<vmem>> -> memref<72xi32, #tpu.memory_space<vmem>>
    %dma_start3A_82 = arith.constant 0 : i32
    %dma_start3A_83 = arith.constant 0 : i32
    %dma_start3A_84 = tpu.memref_slice %arg3[%dma_start3A_82, %dma_start3A_83] : memref<1015808x16xf32, #tpu.memory_space<hbm>> -> memref<1015808x16xf32, #tpu.memory_space<hbm>>
    tpu.enqueue_indirect_dma source(%dma_start3A_84 : memref<1015808x16xf32, #tpu.memory_space<hbm>>) target(%dma_start3A_79 : memref<72x16xf32, #tpu.memory_space<vmem>>) offsets(%dma_start3A_81 : memref<72xi32, #tpu.memory_space<vmem>>) semaphore(%arg10 : memref<!tpu.dma_semaphore, #tpu.memory_space<semaphore_mem>>)
    %dma_start3A_85 = arith.constant 3 : i32
    %dma_start3A_86 = arith.constant 0 : i32
    %dma_start3A_87 = arith.constant 0 : i32
    %dma_start3A_88 = tpu.memref_slice %arg6[%dma_start3A_85, %dma_start3A_86, %dma_start3A_87] : memref<4x200x16xf32, #tpu.memory_space<vmem>> -> memref<1x200x16xf32, #tpu.memory_space<vmem>>
    %dma_start3A_89 = tpu.memref_squeeze %dma_start3A_88 : memref<1x200x16xf32, #tpu.memory_space<vmem>> -> memref<200x16xf32, #tpu.memory_space<vmem>>
    %dma_start3A_90 = arith.constant 0 : i32
    %dma_start3A_91 = arith.constant 0 : i32
    %dma_start3A_92 = tpu.memref_slice %dma_start3A_89[%dma_start3A_90, %dma_start3A_91] : memref<200x16xf32, #tpu.memory_space<vmem>> -> memref<128x16xf32, #tpu.memory_space<vmem>>
    %dma_start3A_93 = arith.constant 600 : i32
    %dma_start3A_94 = tpu.memref_slice %arg5[%dma_start3A_93] : memref<25608xi32, #tpu.memory_space<vmem>> -> memref<128xi32, #tpu.memory_space<vmem>>
    %dma_start3A_95 = arith.constant 0 : i32
    %dma_start3A_96 = arith.constant 0 : i32
    %dma_start3A_97 = tpu.memref_slice %arg3[%dma_start3A_95, %dma_start3A_96] : memref<1015808x16xf32, #tpu.memory_space<hbm>> -> memref<1015808x16xf32, #tpu.memory_space<hbm>>
    tpu.enqueue_indirect_dma source(%dma_start3A_97 : memref<1015808x16xf32, #tpu.memory_space<hbm>>) target(%dma_start3A_92 : memref<128x16xf32, #tpu.memory_space<vmem>>) offsets(%dma_start3A_94 : memref<128xi32, #tpu.memory_space<vmem>>) semaphore(%arg11 : memref<!tpu.dma_semaphore, #tpu.memory_space<semaphore_mem>>)
    %dma_start3A_98 = arith.constant 3 : i32
    %dma_start3A_99 = arith.constant 0 : i32
    %dma_start3A_100 = arith.constant 0 : i32
    %dma_start3A_101 = tpu.memref_slice %arg6[%dma_start3A_98, %dma_start3A_99, %dma_start3A_100] : memref<4x200x16xf32, #tpu.memory_space<vmem>> -> memref<1x200x16xf32, #tpu.memory_space<vmem>>
    %dma_start3A_102 = tpu.memref_squeeze %dma_start3A_101 : memref<1x200x16xf32, #tpu.memory_space<vmem>> -> memref<200x16xf32, #tpu.memory_space<vmem>>
    %dma_start3A_103 = arith.constant 128 : i32
    %dma_start3A_104 = arith.constant 0 : i32
    %dma_start3A_105 = tpu.memref_slice %dma_start3A_102[%dma_start3A_103, %dma_start3A_104] : memref<200x16xf32, #tpu.memory_space<vmem>> -> memref<72x16xf32, #tpu.memory_space<vmem>>
    %dma_start3A_106 = arith.constant 728 : i32
    %dma_start3A_107 = tpu.memref_slice %arg5[%dma_start3A_106] : memref<25608xi32, #tpu.memory_space<vmem>> -> memref<72xi32, #tpu.memory_space<vmem>>
    %dma_start3A_108 = arith.constant 0 : i32
    %dma_start3A_109 = arith.constant 0 : i32
    %dma_start3A_110 = tpu.memref_slice %arg3[%dma_start3A_108, %dma_start3A_109] : memref<1015808x16xf32, #tpu.memory_space<hbm>> -> memref<1015808x16xf32, #tpu.memory_space<hbm>>
    tpu.enqueue_indirect_dma source(%dma_start3A_110 : memref<1015808x16xf32, #tpu.memory_space<hbm>>) target(%dma_start3A_105 : memref<72x16xf32, #tpu.memory_space<vmem>>) offsets(%dma_start3A_107 : memref<72xi32, #tpu.memory_space<vmem>>) semaphore(%arg11 : memref<!tpu.dma_semaphore, #tpu.memory_space<semaphore_mem>>)
    %scan3A_111 = arith.constant 0 : i32
    %scan3A_112 = arith.constant 0 : i32
    %scan3A_113 = arith.constant 32 : i32
    %scan3A_114 = arith.addi %scan3A_112, %scan3A_113 : i32
    %scan3A_115 = arith.constant 1 : i32
    scf.for %scan3A_119 = %scan3A_112 to %scan3A_114 step %scan3A_115  : i32 {
      %mul3A_120 = arith.constant 4 : i32
      %mul3A_121 = arith.muli %mul3A_120, %scan3A_119 : i32
      %add3A_122 = arith.constant 0 : i32
      %add3A_123 = arith.addi %mul3A_121, %add3A_122 : i32
      %mul3A_124 = arith.constant 200 : i32
      %mul3A_125 = arith.muli %add3A_123, %mul3A_124 : i32
      %add3A_126 = arith.constant 128 : i32
      %add3A_127 = arith.addi %mul3A_125, %add3A_126 : i32
      %dma_wait3A = arith.constant 0 : i32
      %dma_wait3A_128 = arith.constant 0 : i32
      %dma_wait3A_129 = arith.constant 0 : i32
      %dma_wait3A_130 = tpu.memref_slice %arg6[%dma_wait3A, %dma_wait3A_128, %dma_wait3A_129] : memref<4x200x16xf32, #tpu.memory_space<vmem>> -> memref<1x200x16xf32, #tpu.memory_space<vmem>>
      %dma_wait3A_131 = tpu.memref_squeeze %dma_wait3A_130 : memref<1x200x16xf32, #tpu.memory_space<vmem>> -> memref<200x16xf32, #tpu.memory_space<vmem>>
      %dma_wait3A_132 = arith.constant 0 : i32
      %dma_wait3A_133 = arith.constant 0 : i32
      %dma_wait3A_134 = tpu.memref_slice %dma_wait3A_131[%dma_wait3A_132, %dma_wait3A_133] : memref<200x16xf32, #tpu.memory_space<vmem>> -> memref<128x16xf32, #tpu.memory_space<vmem>>
      %dma_wait3A_135 = tpu.memref_slice %arg5[%mul3A_125] : memref<25608xi32, #tpu.memory_space<vmem>> -> memref<128xi32, #tpu.memory_space<vmem>>
      %dma_wait3A_136 = arith.constant 0 : i32
      %dma_wait3A_137 = arith.constant 0 : i32
      %dma_wait3A_138 = tpu.memref_slice %arg3[%dma_wait3A_136, %dma_wait3A_137] : memref<1015808x16xf32, #tpu.memory_space<hbm>> -> memref<1015808x16xf32, #tpu.memory_space<hbm>>
      tpu.wait_indirect_dma semaphore(%arg8 : memref<!tpu.dma_semaphore, #tpu.memory_space<semaphore_mem>>) src(%dma_wait3A_138 : memref<1015808x16xf32, #tpu.memory_space<hbm>>) dst(%dma_wait3A_134 : memref<128x16xf32, #tpu.memory_space<vmem>>)
      %dma_wait3A_139 = arith.constant 0 : i32
      %dma_wait3A_140 = arith.constant 0 : i32
      %dma_wait3A_141 = arith.constant 0 : i32
      %dma_wait3A_142 = tpu.memref_slice %arg6[%dma_wait3A_139, %dma_wait3A_140, %dma_wait3A_141] : memref<4x200x16xf32, #tpu.memory_space<vmem>> -> memref<1x200x16xf32, #tpu.memory_space<vmem>>
      %dma_wait3A_143 = tpu.memref_squeeze %dma_wait3A_142 : memref<1x200x16xf32, #tpu.memory_space<vmem>> -> memref<200x16xf32, #tpu.memory_space<vmem>>
      %dma_wait3A_144 = arith.constant 128 : i32
      %dma_wait3A_145 = arith.constant 0 : i32
      %dma_wait3A_146 = tpu.memref_slice %dma_wait3A_143[%dma_wait3A_144, %dma_wait3A_145] : memref<200x16xf32, #tpu.memory_space<vmem>> -> memref<72x16xf32, #tpu.memory_space<vmem>>
      %dma_wait3A_147 = tpu.memref_slice %arg5[%add3A_127] : memref<25608xi32, #tpu.memory_space<vmem>> -> memref<72xi32, #tpu.memory_space<vmem>>
      %dma_wait3A_148 = arith.constant 0 : i32
      %dma_wait3A_149 = arith.constant 0 : i32
      %dma_wait3A_150 = tpu.memref_slice %arg3[%dma_wait3A_148, %dma_wait3A_149] : memref<1015808x16xf32, #tpu.memory_space<hbm>> -> memref<1015808x16xf32, #tpu.memory_space<hbm>>
      tpu.wait_indirect_dma semaphore(%arg8 : memref<!tpu.dma_semaphore, #tpu.memory_space<semaphore_mem>>) src(%dma_wait3A_150 : memref<1015808x16xf32, #tpu.memory_space<hbm>>) dst(%dma_wait3A_146 : memref<72x16xf32, #tpu.memory_space<vmem>>)
      %mul3A_151 = arith.constant 200 : i32
      %mul3A_152 = arith.muli %add3A_123, %mul3A_151 : i32
      %broadcast_in_dim3A = arith.constant 0 : i32
      %broadcast_in_dim3A_153 = vector.broadcast %broadcast_in_dim3A : i32 to vector<16xi32>
      %add3A_154 = arith.constant 0 : i32
      %add3A_155 = arith.addi %mul3A_152, %add3A_154 : i32
      %get3A = arith.index_cast %add3A_155 : i32 to index
      %get3A_156 = tpu.vector_load %arg5[%get3A] {strides = array<i32>} : memref<25608xi32, #tpu.memory_space<vmem>>, vector<16xi32>,
      %gt3A = arith.constant 0 : i32
      %gt3A_157 = vector.broadcast %gt3A : i32 to vector<16xi32>
      %gt3A_158 = arith.cmpi sgt, %get3A_156, %gt3A_157 : vector<16xi32>
      %all_reduce_population_count3A = tpu.all_reduce %gt3A_158 {dim = 0 : i64, kind = #tpu.reduction_kind<sum>} : vector<16xi1> -> vector<16xi32>
      %add3A_159 = arith.addi %broadcast_in_dim3A_153, %all_reduce_population_count3A : vector<16xi32>
      %add3A_160 = arith.constant 16 : i32
      %add3A_161 = arith.addi %mul3A_152, %add3A_160 : i32
      %get3A_162 = arith.index_cast %add3A_161 : i32 to index
      %get3A_163 = tpu.vector_load %arg5[%get3A_162] {strides = array<i32>} : memref<25608xi32, #tpu.memory_space<vmem>>, vector<16xi32>,
      %gt3A_164 = arith.constant 0 : i32
      %gt3A_165 = vector.broadcast %gt3A_164 : i32 to vector<16xi32>
      %gt3A_166 = arith.cmpi sgt, %get3A_163, %gt3A_165 : vector<16xi32>
      %all_reduce_population_count3A_167 = tpu.all_reduce %gt3A_166 {dim = 0 : i64, kind = #tpu.reduction_kind<sum>} : vector<16xi1> -> vector<16xi32>
      %add3A_168 = arith.addi %add3A_159, %all_reduce_population_count3A_167 : vector<16xi32>
      %add3A_169 = arith.constant 32 : i32
      %add3A_170 = arith.addi %mul3A_152, %add3A_169 : i32
      %get3A_171 = arith.index_cast %add3A_170 : i32 to index
      %get3A_172 = tpu.vector_load %arg5[%get3A_171] {strides = array<i32>} : memref<25608xi32, #tpu.memory_space<vmem>>, vector<16xi32>,
      %gt3A_173 = arith.constant 0 : i32
      %gt3A_174 = vector.broadcast %gt3A_173 : i32 to vector<16xi32>
      %gt3A_175 = arith.cmpi sgt, %get3A_172, %gt3A_174 : vector<16xi32>
      %all_reduce_population_count3A_176 = tpu.all_reduce %gt3A_175 {dim = 0 : i64, kind = #tpu.reduction_kind<sum>} : vector<16xi1> -> vector<16xi32>
      %add3A_177 = arith.addi %add3A_168, %all_reduce_population_count3A_176 : vector<16xi32>
      %add3A_178 = arith.constant 48 : i32
      %add3A_179 = arith.addi %mul3A_152, %add3A_178 : i32
      %get3A_180 = arith.index_cast %add3A_179 : i32 to index
      %get3A_181 = tpu.vector_load %arg5[%get3A_180] {strides = array<i32>} : memref<25608xi32, #tpu.memory_space<vmem>>, vector<16xi32>,
      %gt3A_182 = arith.constant 0 : i32
      %gt3A_183 = vector.broadcast %gt3A_182 : i32 to vector<16xi32>
      %gt3A_184 = arith.cmpi sgt, %get3A_181, %gt3A_183 : vector<16xi32>
      %all_reduce_population_count3A_185 = tpu.all_reduce %gt3A_184 {dim = 0 : i64, kind = #tpu.reduction_kind<sum>} : vector<16xi1> -> vector<16xi32>
      %add3A_186 = arith.addi %add3A_177, %all_reduce_population_count3A_185 : vector<16xi32>
      %add3A_187 = arith.constant 64 : i32
      %add3A_188 = arith.addi %mul3A_152, %add3A_187 : i32
      %get3A_189 = arith.index_cast %add3A_188 : i32 to index
      %get3A_190 = tpu.vector_load %arg5[%get3A_189] {strides = array<i32>} : memref<25608xi32, #tpu.memory_space<vmem>>, vector<16xi32>,
      %gt3A_191 = arith.constant 0 : i32
      %gt3A_192 = vector.broadcast %gt3A_191 : i32 to vector<16xi32>
      %gt3A_193 = arith.cmpi sgt, %get3A_190, %gt3A_192 : vector<16xi32>
      %all_reduce_population_count3A_194 = tpu.all_reduce %gt3A_193 {dim = 0 : i64, kind = #tpu.reduction_kind<sum>} : vector<16xi1> -> vector<16xi32>
      %add3A_195 = arith.addi %add3A_186, %all_reduce_population_count3A_194 : vector<16xi32>
      %add3A_196 = arith.constant 80 : i32
      %add3A_197 = arith.addi %mul3A_152, %add3A_196 : i32
      %get3A_198 = arith.index_cast %add3A_197 : i32 to index
      %get3A_199 = tpu.vector_load %arg5[%get3A_198] {strides = array<i32>} : memref<25608xi32, #tpu.memory_space<vmem>>, vector<16xi32>,
      %gt3A_200 = arith.constant 0 : i32
      %gt3A_201 = vector.broadcast %gt3A_200 : i32 to vector<16xi32>
      %gt3A_202 = arith.cmpi sgt, %get3A_199, %gt3A_201 : vector<16xi32>
      %all_reduce_population_count3A_203 = tpu.all_reduce %gt3A_202 {dim = 0 : i64, kind = #tpu.reduction_kind<sum>} : vector<16xi1> -> vector<16xi32>
      %add3A_204 = arith.addi %add3A_195, %all_reduce_population_count3A_203 : vector<16xi32>
      %add3A_205 = arith.constant 96 : i32
      %add3A_206 = arith.addi %mul3A_152, %add3A_205 : i32
      %get3A_207 = arith.index_cast %add3A_206 : i32 to index
      %get3A_208 = tpu.vector_load %arg5[%get3A_207] {strides = array<i32>} : memref<25608xi32, #tpu.memory_space<vmem>>, vector<16xi32>,
      %gt3A_209 = arith.constant 0 : i32
      %gt3A_210 = vector.broadcast %gt3A_209 : i32 to vector<16xi32>
      %gt3A_211 = arith.cmpi sgt, %get3A_208, %gt3A_210 : vector<16xi32>
      %all_reduce_population_count3A_212 = tpu.all_reduce %gt3A_211 {dim = 0 : i64, kind = #tpu.reduction_kind<sum>} : vector<16xi1> -> vector<16xi32>
      %add3A_213 = arith.addi %add3A_204, %all_reduce_population_count3A_212 : vector<16xi32>
      %add3A_214 = arith.constant 112 : i32
      %add3A_215 = arith.addi %mul3A_152, %add3A_214 : i32
      %get3A_216 = arith.index_cast %add3A_215 : i32 to index
      %get3A_217 = tpu.vector_load %arg5[%get3A_216] {strides = array<i32>} : memref<25608xi32, #tpu.memory_space<vmem>>, vector<16xi32>,
      %gt3A_218 = arith.constant 0 : i32
      %gt3A_219 = vector.broadcast %gt3A_218 : i32 to vector<16xi32>
      %gt3A_220 = arith.cmpi sgt, %get3A_217, %gt3A_219 : vector<16xi32>
      %all_reduce_population_count3A_221 = tpu.all_reduce %gt3A_220 {dim = 0 : i64, kind = #tpu.reduction_kind<sum>} : vector<16xi1> -> vector<16xi32>
      %add3A_222 = arith.addi %add3A_213, %all_reduce_population_count3A_221 : vector<16xi32>
      %add3A_223 = arith.constant 128 : i32
      %add3A_224 = arith.addi %mul3A_152, %add3A_223 : i32
      %get3A_225 = arith.index_cast %add3A_224 : i32 to index
      %get3A_226 = tpu.vector_load %arg5[%get3A_225] {strides = array<i32>} : memref<25608xi32, #tpu.memory_space<vmem>>, vector<16xi32>,
      %gt3A_227 = arith.constant 0 : i32
      %gt3A_228 = vector.broadcast %gt3A_227 : i32 to vector<16xi32>
      %gt3A_229 = arith.cmpi sgt, %get3A_226, %gt3A_228 : vector<16xi32>
      %all_reduce_population_count3A_230 = tpu.all_reduce %gt3A_229 {dim = 0 : i64, kind = #tpu.reduction_kind<sum>} : vector<16xi1> -> vector<16xi32>
      %add3A_231 = arith.addi %add3A_222, %all_reduce_population_count3A_230 : vector<16xi32>
      %add3A_232 = arith.constant 144 : i32
      %add3A_233 = arith.addi %mul3A_152, %add3A_232 : i32
      %get3A_234 = arith.index_cast %add3A_233 : i32 to index
      %get3A_235 = tpu.vector_load %arg5[%get3A_234] {strides = array<i32>} : memref<25608xi32, #tpu.memory_space<vmem>>, vector<16xi32>,
      %gt3A_236 = arith.constant 0 : i32
      %gt3A_237 = vector.broadcast %gt3A_236 : i32 to vector<16xi32>
      %gt3A_238 = arith.cmpi sgt, %get3A_235, %gt3A_237 : vector<16xi32>
      %all_reduce_population_count3A_239 = tpu.all_reduce %gt3A_238 {dim = 0 : i64, kind = #tpu.reduction_kind<sum>} : vector<16xi1> -> vector<16xi32>
      %add3A_240 = arith.addi %add3A_231, %all_reduce_population_count3A_239 : vector<16xi32>
      %add3A_241 = arith.constant 160 : i32
      %add3A_242 = arith.addi %mul3A_152, %add3A_241 : i32
      %get3A_243 = arith.index_cast %add3A_242 : i32 to index
      %get3A_244 = tpu.vector_load %arg5[%get3A_243] {strides = array<i32>} : memref<25608xi32, #tpu.memory_space<vmem>>, vector<16xi32>,
      %gt3A_245 = arith.constant 0 : i32
      %gt3A_246 = vector.broadcast %gt3A_245 : i32 to vector<16xi32>
      %gt3A_247 = arith.cmpi sgt, %get3A_244, %gt3A_246 : vector<16xi32>
      %all_reduce_population_count3A_248 = tpu.all_reduce %gt3A_247 {dim = 0 : i64, kind = #tpu.reduction_kind<sum>} : vector<16xi1> -> vector<16xi32>
      %add3A_249 = arith.addi %add3A_240, %all_reduce_population_count3A_248 : vector<16xi32>
      %add3A_250 = arith.constant 176 : i32
      %add3A_251 = arith.addi %mul3A_152, %add3A_250 : i32
      %get3A_252 = arith.index_cast %add3A_251 : i32 to index
      %get3A_253 = tpu.vector_load %arg5[%get3A_252] {strides = array<i32>} : memref<25608xi32, #tpu.memory_space<vmem>>, vector<16xi32>,
      %gt3A_254 = arith.constant 0 : i32
      %gt3A_255 = vector.broadcast %gt3A_254 : i32 to vector<16xi32>
      %gt3A_256 = arith.cmpi sgt, %get3A_253, %gt3A_255 : vector<16xi32>
      %all_reduce_population_count3A_257 = tpu.all_reduce %gt3A_256 {dim = 0 : i64, kind = #tpu.reduction_kind<sum>} : vector<16xi1> -> vector<16xi32>
      %add3A_258 = arith.addi %add3A_249, %all_reduce_population_count3A_257 : vector<16xi32>
      %add3A_259 = arith.constant 192 : i32
      %add3A_260 = arith.addi %mul3A_152, %add3A_259 : i32
      %get3A_261 = arith.index_cast %add3A_260 : i32 to index
      %get3A_262 = tpu.vector_load %arg5[%get3A_261] {strides = array<i32>} : memref<25608xi32, #tpu.memory_space<vmem>>, vector<16xi32>,
      %gt3A_263 = arith.constant 0 : i32
      %gt3A_264 = vector.broadcast %gt3A_263 : i32 to vector<16xi32>
      %gt3A_265 = arith.cmpi sgt, %get3A_262, %gt3A_264 : vector<16xi32>
      %lt3A = arith.constant 8 : i32
      %lt3A_266 = vector.broadcast %lt3A : i32 to vector<16xi32>
      %lt3A_267 = arith.cmpi slt, %iota3A, %lt3A_266 : vector<16xi32>
      %and3A = arith.andi %gt3A_265, %lt3A_267 : vector<16xi1>
      %all_reduce_population_count3A_268 = tpu.all_reduce %and3A {dim = 0 : i64, kind = #tpu.reduction_kind<sum>} : vector<16xi1> -> vector<16xi32>
      %add3A_269 = arith.addi %add3A_258, %all_reduce_population_count3A_268 : vector<16xi32>
      %convert_element_type3A = arith.sitofp %add3A_269 : vector<16xi32> to vector<16xf32>
      %max3A = arith.constant 1.000000e+00 : f32
      %max3A_270 = vector.broadcast %max3A : f32 to vector<16xf32>
      %max3A_271 = arith.maximumf %convert_element_type3A, %max3A_270 : vector<16xf32>
      %div3A = arith.constant 1.000000e+00 : f32
      %div3A_272 = vector.broadcast %div3A : f32 to vector<16xf32>
      %div3A_273 = arith.divf %div3A_272, %max3A_271 : vector<16xf32>
      %broadcast_in_dim3A_274 = arith.constant 0.000000e+00 : f32
      %broadcast_in_dim3A_275 = vector.broadcast %broadcast_in_dim3A_274 : f32 to vector<16xf32>
      %broadcast_in_dim3A_276 = arith.constant 0.000000e+00 : f32
      %broadcast_in_dim3A_277 = vector.broadcast %broadcast_in_dim3A_276 : f32 to vector<16xf32>
      %scan3A_278 = arith.constant 0 : i32
      %scan3A_279 = arith.constant 0 : i32
      %scan3A_280 = arith.constant 200 : i32
      %scan3A_281 = arith.addi %scan3A_279, %scan3A_280 : i32
      %scan3A_282 = arith.constant 8 : i32
      %scan3A_283:2 = scf.for %scan3A_870 = %scan3A_279 to %scan3A_281 step %scan3A_282 iter_args(%scan3A_871 = %broadcast_in_dim3A_275, %scan3A_872 = %broadcast_in_dim3A_277) -> (vector<16xf32>, vector<16xf32>)  : i32 {
        %get3A_873 = arith.constant 0 : i32
        %get3A_874 = arith.constant 0 : i32
        %get3A_875 = tpu.memref_slice %arg6[%scan3A_278, %get3A_873, %get3A_874] : memref<4x200x16xf32, #tpu.memory_space<vmem>> -> memref<1x200x16xf32, #tpu.memory_space<vmem>>
        %get3A_876 = tpu.memref_squeeze %get3A_875 : memref<1x200x16xf32, #tpu.memory_space<vmem>> -> memref<200x16xf32, #tpu.memory_space<vmem>>
        %get3A_877 = arith.index_cast %scan3A_870 : i32 to index
        %get3A_878 = arith.constant 0 : index
        %get3A_879 = tpu.vector_load %get3A_876[%get3A_877, %get3A_878] {strides = array<i32>} : memref<200x16xf32, #tpu.memory_space<vmem>>, vector<16xf32>,
        %bitcast3A = vector.bitcast %get3A_879 : vector<16xf32> to vector<16xi32>
        %and3A_880 = arith.constant -65536 : i32
        %and3A_881 = vector.broadcast %and3A_880 : i32 to vector<16xi32>
        %and3A_882 = arith.andi %bitcast3A, %and3A_881 : vector<16xi32>
        %bitcast3A_883 = vector.bitcast %and3A_882 : vector<16xi32> to vector<16xf32>
        %add3A_884 = arith.addf %scan3A_871, %bitcast3A_883 : vector<16xf32>
        %shift_left3A = arith.constant 16 : i32
        %shift_left3A_885 = vector.broadcast %shift_left3A : i32 to vector<16xi32>
        %shift_left3A_886 = arith.shli %bitcast3A, %shift_left3A_885 : vector<16xi32>
        %bitcast3A_887 = vector.bitcast %shift_left3A_886 : vector<16xi32> to vector<16xf32>
        %add3A_888 = arith.addf %scan3A_872, %bitcast3A_887 : vector<16xf32>
        %scan3A_889 = arith.constant 1 : i32
        %scan3A_890 = arith.addi %scan3A_870, %scan3A_889 : i32
        %get3A_891 = arith.constant 0 : i32
        %get3A_892 = arith.constant 0 : i32
        %get3A_893 = tpu.memref_slice %arg6[%scan3A_278, %get3A_891, %get3A_892] : memref<4x200x16xf32, #tpu.memory_space<vmem>> -> memref<1x200x16xf32, #tpu.memory_space<vmem>>
        %get3A_894 = tpu.memref_squeeze %get3A_893 : memref<1x200x16xf32, #tpu.memory_space<vmem>> -> memref<200x16xf32, #tpu.memory_space<vmem>>
        %get3A_895 = arith.index_cast %scan3A_890 : i32 to index
        %get3A_896 = arith.constant 0 : index
        %get3A_897 = tpu.vector_load %get3A_894[%get3A_895, %get3A_896] {strides = array<i32>} : memref<200x16xf32, #tpu.memory_space<vmem>>, vector<16xf32>,
        %bitcast3A_898 = vector.bitcast %get3A_897 : vector<16xf32> to vector<16xi32>
        %and3A_899 = arith.constant -65536 : i32
        %and3A_900 = vector.broadcast %and3A_899 : i32 to vector<16xi32>
        %and3A_901 = arith.andi %bitcast3A_898, %and3A_900 : vector<16xi32>
        %bitcast3A_902 = vector.bitcast %and3A_901 : vector<16xi32> to vector<16xf32>
        %add3A_903 = arith.addf %add3A_884, %bitcast3A_902 : vector<16xf32>
        %shift_left3A_904 = arith.constant 16 : i32
        %shift_left3A_905 = vector.broadcast %shift_left3A_904 : i32 to vector<16xi32>
        %shift_left3A_906 = arith.shli %bitcast3A_898, %shift_left3A_905 : vector<16xi32>
        %bitcast3A_907 = vector.bitcast %shift_left3A_906 : vector<16xi32> to vector<16xf32>
        %add3A_908 = arith.addf %add3A_888, %bitcast3A_907 : vector<16xf32>
        %scan3A_909 = arith.constant 2 : i32
        %scan3A_910 = arith.addi %scan3A_870, %scan3A_909 : i32
        %get3A_911 = arith.constant 0 : i32
        %get3A_912 = arith.constant 0 : i32
        %get3A_913 = tpu.memref_slice %arg6[%scan3A_278, %get3A_911, %get3A_912] : memref<4x200x16xf32, #tpu.memory_space<vmem>> -> memref<1x200x16xf32, #tpu.memory_space<vmem>>
        %get3A_914 = tpu.memref_squeeze %get3A_913 : memref<1x200x16xf32, #tpu.memory_space<vmem>> -> memref<200x16xf32, #tpu.memory_space<vmem>>
        %get3A_915 = arith.index_cast %scan3A_910 : i32 to index
        %get3A_916 = arith.constant 0 : index
        %get3A_917 = tpu.vector_load %get3A_914[%get3A_915, %get3A_916] {strides = array<i32>} : memref<200x16xf32, #tpu.memory_space<vmem>>, vector<16xf32>,
        %bitcast3A_918 = vector.bitcast %get3A_917 : vector<16xf32> to vector<16xi32>
        %and3A_919 = arith.constant -65536 : i32
        %and3A_920 = vector.broadcast %and3A_919 : i32 to vector<16xi32>
        %and3A_921 = arith.andi %bitcast3A_918, %and3A_920 : vector<16xi32>
        %bitcast3A_922 = vector.bitcast %and3A_921 : vector<16xi32> to vector<16xf32>
        %add3A_923 = arith.addf %add3A_903, %bitcast3A_922 : vector<16xf32>
        %shift_left3A_924 = arith.constant 16 : i32
        %shift_left3A_925 = vector.broadcast %shift_left3A_924 : i32 to vector<16xi32>
        %shift_left3A_926 = arith.shli %bitcast3A_918, %shift_left3A_925 : vector<16xi32>
        %bitcast3A_927 = vector.bitcast %shift_left3A_926 : vector<16xi32> to vector<16xf32>
        %add3A_928 = arith.addf %add3A_908, %bitcast3A_927 : vector<16xf32>
        %scan3A_929 = arith.constant 3 : i32
        %scan3A_930 = arith.addi %scan3A_870, %scan3A_929 : i32
        %get3A_931 = arith.constant 0 : i32
        %get3A_932 = arith.constant 0 : i32
        %get3A_933 = tpu.memref_slice %arg6[%scan3A_278, %get3A_931, %get3A_932] : memref<4x200x16xf32, #tpu.memory_space<vmem>> -> memref<1x200x16xf32, #tpu.memory_space<vmem>>
        %get3A_934 = tpu.memref_squeeze %get3A_933 : memref<1x200x16xf32, #tpu.memory_space<vmem>> -> memref<200x16xf32, #tpu.memory_space<vmem>>
        %get3A_935 = arith.index_cast %scan3A_930 : i32 to index
        %get3A_936 = arith.constant 0 : index
        %get3A_937 = tpu.vector_load %get3A_934[%get3A_935, %get3A_936] {strides = array<i32>} : memref<200x16xf32, #tpu.memory_space<vmem>>, vector<16xf32>,
        %bitcast3A_938 = vector.bitcast %get3A_937 : vector<16xf32> to vector<16xi32>
        %and3A_939 = arith.constant -65536 : i32
        %and3A_940 = vector.broadcast %and3A_939 : i32 to vector<16xi32>
        %and3A_941 = arith.andi %bitcast3A_938, %and3A_940 : vector<16xi32>
        %bitcast3A_942 = vector.bitcast %and3A_941 : vector<16xi32> to vector<16xf32>
        %add3A_943 = arith.addf %add3A_923, %bitcast3A_942 : vector<16xf32>
        %shift_left3A_944 = arith.constant 16 : i32
        %shift_left3A_945 = vector.broadcast %shift_left3A_944 : i32 to vector<16xi32>
        %shift_left3A_946 = arith.shli %bitcast3A_938, %shift_left3A_945 : vector<16xi32>
        %bitcast3A_947 = vector.bitcast %shift_left3A_946 : vector<16xi32> to vector<16xf32>
        %add3A_948 = arith.addf %add3A_928, %bitcast3A_947 : vector<16xf32>
        %scan3A_949 = arith.constant 4 : i32
        %scan3A_950 = arith.addi %scan3A_870, %scan3A_949 : i32
        %get3A_951 = arith.constant 0 : i32
        %get3A_952 = arith.constant 0 : i32
        %get3A_953 = tpu.memref_slice %arg6[%scan3A_278, %get3A_951, %get3A_952] : memref<4x200x16xf32, #tpu.memory_space<vmem>> -> memref<1x200x16xf32, #tpu.memory_space<vmem>>
        %get3A_954 = tpu.memref_squeeze %get3A_953 : memref<1x200x16xf32, #tpu.memory_space<vmem>> -> memref<200x16xf32, #tpu.memory_space<vmem>>
        %get3A_955 = arith.index_cast %scan3A_950 : i32 to index
        %get3A_956 = arith.constant 0 : index
        %get3A_957 = tpu.vector_load %get3A_954[%get3A_955, %get3A_956] {strides = array<i32>} : memref<200x16xf32, #tpu.memory_space<vmem>>, vector<16xf32>,
        %bitcast3A_958 = vector.bitcast %get3A_957 : vector<16xf32> to vector<16xi32>
        %and3A_959 = arith.constant -65536 : i32
        %and3A_960 = vector.broadcast %and3A_959 : i32 to vector<16xi32>
        %and3A_961 = arith.andi %bitcast3A_958, %and3A_960 : vector<16xi32>
        %bitcast3A_962 = vector.bitcast %and3A_961 : vector<16xi32> to vector<16xf32>
        %add3A_963 = arith.addf %add3A_943, %bitcast3A_962 : vector<16xf32>
        %shift_left3A_964 = arith.constant 16 : i32
        %shift_left3A_965 = vector.broadcast %shift_left3A_964 : i32 to vector<16xi32>
        %shift_left3A_966 = arith.shli %bitcast3A_958, %shift_left3A_965 : vector<16xi32>
        %bitcast3A_967 = vector.bitcast %shift_left3A_966 : vector<16xi32> to vector<16xf32>
        %add3A_968 = arith.addf %add3A_948, %bitcast3A_967 : vector<16xf32>
        %scan3A_969 = arith.constant 5 : i32
        %scan3A_970 = arith.addi %scan3A_870, %scan3A_969 : i32
        %get3A_971 = arith.constant 0 : i32
        %get3A_972 = arith.constant 0 : i32
        %get3A_973 = tpu.memref_slice %arg6[%scan3A_278, %get3A_971, %get3A_972] : memref<4x200x16xf32, #tpu.memory_space<vmem>> -> memref<1x200x16xf32, #tpu.memory_space<vmem>>
        %get3A_974 = tpu.memref_squeeze %get3A_973 : memref<1x200x16xf32, #tpu.memory_space<vmem>> -> memref<200x16xf32, #tpu.memory_space<vmem>>
        %get3A_975 = arith.index_cast %scan3A_970 : i32 to index
        %get3A_976 = arith.constant 0 : index
        %get3A_977 = tpu.vector_load %get3A_974[%get3A_975, %get3A_976] {strides = array<i32>} : memref<200x16xf32, #tpu.memory_space<vmem>>, vector<16xf32>,
        %bitcast3A_978 = vector.bitcast %get3A_977 : vector<16xf32> to vector<16xi32>
        %and3A_979 = arith.constant -65536 : i32
        %and3A_980 = vector.broadcast %and3A_979 : i32 to vector<16xi32>
        %and3A_981 = arith.andi %bitcast3A_978, %and3A_980 : vector<16xi32>
        %bitcast3A_982 = vector.bitcast %and3A_981 : vector<16xi32> to vector<16xf32>
        %add3A_983 = arith.addf %add3A_963, %bitcast3A_982 : vector<16xf32>
        %shift_left3A_984 = arith.constant 16 : i32
        %shift_left3A_985 = vector.broadcast %shift_left3A_984 : i32 to vector<16xi32>
        %shift_left3A_986 = arith.shli %bitcast3A_978, %shift_left3A_985 : vector<16xi32>
        %bitcast3A_987 = vector.bitcast %shift_left3A_986 : vector<16xi32> to vector<16xf32>
        %add3A_988 = arith.addf %add3A_968, %bitcast3A_987 : vector<16xf32>
        %scan3A_989 = arith.constant 6 : i32
        %scan3A_990 = arith.addi %scan3A_870, %scan3A_989 : i32
        %get3A_991 = arith.constant 0 : i32
        %get3A_992 = arith.constant 0 : i32
        %get3A_993 = tpu.memref_slice %arg6[%scan3A_278, %get3A_991, %get3A_992] : memref<4x200x16xf32, #tpu.memory_space<vmem>> -> memref<1x200x16xf32, #tpu.memory_space<vmem>>
        %get3A_994 = tpu.memref_squeeze %get3A_993 : memref<1x200x16xf32, #tpu.memory_space<vmem>> -> memref<200x16xf32, #tpu.memory_space<vmem>>
        %get3A_995 = arith.index_cast %scan3A_990 : i32 to index
        %get3A_996 = arith.constant 0 : index
        %get3A_997 = tpu.vector_load %get3A_994[%get3A_995, %get3A_996] {strides = array<i32>} : memref<200x16xf32, #tpu.memory_space<vmem>>, vector<16xf32>,
        %bitcast3A_998 = vector.bitcast %get3A_997 : vector<16xf32> to vector<16xi32>
        %and3A_999 = arith.constant -65536 : i32
        %and3A_1000 = vector.broadcast %and3A_999 : i32 to vector<16xi32>
        %and3A_1001 = arith.andi %bitcast3A_998, %and3A_1000 : vector<16xi32>
        %bitcast3A_1002 = vector.bitcast %and3A_1001 : vector<16xi32> to vector<16xf32>
        %add3A_1003 = arith.addf %add3A_983, %bitcast3A_1002 : vector<16xf32>
        %shift_left3A_1004 = arith.constant 16 : i32
        %shift_left3A_1005 = vector.broadcast %shift_left3A_1004 : i32 to vector<16xi32>
        %shift_left3A_1006 = arith.shli %bitcast3A_998, %shift_left3A_1005 : vector<16xi32>
        %bitcast3A_1007 = vector.bitcast %shift_left3A_1006 : vector<16xi32> to vector<16xf32>
        %add3A_1008 = arith.addf %add3A_988, %bitcast3A_1007 : vector<16xf32>
        %scan3A_1009 = arith.constant 7 : i32
        %scan3A_1010 = arith.addi %scan3A_870, %scan3A_1009 : i32
        %get3A_1011 = arith.constant 0 : i32
        %get3A_1012 = arith.constant 0 : i32
        %get3A_1013 = tpu.memref_slice %arg6[%scan3A_278, %get3A_1011, %get3A_1012] : memref<4x200x16xf32, #tpu.memory_space<vmem>> -> memref<1x200x16xf32, #tpu.memory_space<vmem>>
        %get3A_1014 = tpu.memref_squeeze %get3A_1013 : memref<1x200x16xf32, #tpu.memory_space<vmem>> -> memref<200x16xf32, #tpu.memory_space<vmem>>
        %get3A_1015 = arith.index_cast %scan3A_1010 : i32 to index
        %get3A_1016 = arith.constant 0 : index
        %get3A_1017 = tpu.vector_load %get3A_1014[%get3A_1015, %get3A_1016] {strides = array<i32>} : memref<200x16xf32, #tpu.memory_space<vmem>>, vector<16xf32>,
        %bitcast3A_1018 = vector.bitcast %get3A_1017 : vector<16xf32> to vector<16xi32>
        %and3A_1019 = arith.constant -65536 : i32
        %and3A_1020 = vector.broadcast %and3A_1019 : i32 to vector<16xi32>
        %and3A_1021 = arith.andi %bitcast3A_1018, %and3A_1020 : vector<16xi32>
        %bitcast3A_1022 = vector.bitcast %and3A_1021 : vector<16xi32> to vector<16xf32>
        %add3A_1023 = arith.addf %add3A_1003, %bitcast3A_1022 : vector<16xf32>
        %shift_left3A_1024 = arith.constant 16 : i32
        %shift_left3A_1025 = vector.broadcast %shift_left3A_1024 : i32 to vector<16xi32>
        %shift_left3A_1026 = arith.shli %bitcast3A_1018, %shift_left3A_1025 : vector<16xi32>
        %bitcast3A_1027 = vector.bitcast %shift_left3A_1026 : vector<16xi32> to vector<16xf32>
        %add3A_1028 = arith.addf %add3A_1008, %bitcast3A_1027 : vector<16xf32>
        scf.yield %add3A_1023, %add3A_1028 : vector<16xf32>, vector<16xf32>
      }
      %scan3A_284 = arith.constant 200 : i32
      %mul3A_285 = arith.mulf %scan3A_283#0, %div3A_273 : vector<16xf32>
      %swap3A = arith.index_cast %add3A_123 : i32 to index
      %swap3A_286 = arith.constant 0 : index
      %swap3A_287 = tpu.vector_load %arg7[%swap3A, %swap3A_286] {strides = array<i32>} : memref<128x32xf32, #tpu.memory_space<vmem>>, vector<16xf32>,
      tpu.vector_store %arg7[%swap3A, %swap3A_286], %mul3A_285 {strides = array<i32>} : memref<128x32xf32, #tpu.memory_space<vmem>>, vector<16xf32>,
      %mul3A_288 = arith.mulf %scan3A_283#1, %div3A_273 : vector<16xf32>
      %swap3A_289 = arith.index_cast %add3A_123 : i32 to index
      %swap3A_290 = arith.constant 16 : index
      %swap3A_291 = tpu.vector_load %arg7[%swap3A_289, %swap3A_290] {strides = array<i32>} : memref<128x32xf32, #tpu.memory_space<vmem>>, vector<16xf32>,
      tpu.vector_store %arg7[%swap3A_289, %swap3A_290], %mul3A_288 {strides = array<i32>} : memref<128x32xf32, #tpu.memory_space<vmem>>, vector<16xf32>,
      %add3A_292 = arith.constant 0 : i32
      %add3A_293 = arith.addi %mul3A_121, %add3A_292 : i32
      %add3A_294 = arith.constant 4 : i32
      %add3A_295 = arith.addi %add3A_293, %add3A_294 : i32
      %lt3A_296 = arith.constant 128 : i32
      %lt3A_297 = arith.cmpi slt, %add3A_295, %lt3A_296 : i32
      %convert_element_type3A_298 = arith.extui %lt3A_297 : i1 to i32
      %cond3A = arith.constant 0 : i32
      %cond3A_299 = arith.cmpi ne, %convert_element_type3A_298, %cond3A : i32
      scf.if %cond3A_299 {
        %add3A_870 = arith.constant 0 : i32
        %add3A_871 = arith.addi %mul3A_121, %add3A_870 : i32
        %add3A_872 = arith.constant 4 : i32
        %add3A_873 = arith.addi %add3A_871, %add3A_872 : i32
        %mul3A_874 = arith.constant 200 : i32
        %mul3A_875 = arith.muli %add3A_873, %mul3A_874 : i32
        %add3A_876 = arith.constant 128 : i32
        %add3A_877 = arith.addi %mul3A_875, %add3A_876 : i32
        %dma_start3A_878 = arith.constant 0 : i32
        %dma_start3A_879 = arith.constant 0 : i32
        %dma_start3A_880 = arith.constant 0 : i32
        %dma_start3A_881 = tpu.memref_slice %arg6[%dma_start3A_878, %dma_start3A_879, %dma_start3A_880] : memref<4x200x16xf32, #tpu.memory_space<vmem>> -> memref<1x200x16xf32, #tpu.memory_space<vmem>>
        %dma_start3A_882 = tpu.memref_squeeze %dma_start3A_881 : memref<1x200x16xf32, #tpu.memory_space<vmem>> -> memref<200x16xf32, #tpu.memory_space<vmem>>
        %dma_start3A_883 = arith.constant 0 : i32
        %dma_start3A_884 = arith.constant 0 : i32
        %dma_start3A_885 = tpu.memref_slice %dma_start3A_882[%dma_start3A_883, %dma_start3A_884] : memref<200x16xf32, #tpu.memory_space<vmem>> -> memref<128x16xf32, #tpu.memory_space<vmem>>
        %dma_start3A_886 = tpu.memref_slice %arg5[%mul3A_875] : memref<25608xi32, #tpu.memory_space<vmem>> -> memref<128xi32, #tpu.memory_space<vmem>>
        %dma_start3A_887 = arith.constant 0 : i32
        %dma_start3A_888 = arith.constant 0 : i32
        %dma_start3A_889 = tpu.memref_slice %arg3[%dma_start3A_887, %dma_start3A_888] : memref<1015808x16xf32, #tpu.memory_space<hbm>> -> memref<1015808x16xf32, #tpu.memory_space<hbm>>
        tpu.enqueue_indirect_dma source(%dma_start3A_889 : memref<1015808x16xf32, #tpu.memory_space<hbm>>) target(%dma_start3A_885 : memref<128x16xf32, #tpu.memory_space<vmem>>) offsets(%dma_start3A_886 : memref<128xi32, #tpu.memory_space<vmem>>) semaphore(%arg8 : memref<!tpu.dma_semaphore, #tpu.memory_space<semaphore_mem>>)
        %dma_start3A_890 = arith.constant 0 : i32
        %dma_start3A_891 = arith.constant 0 : i32
        %dma_start3A_892 = arith.constant 0 : i32
        %dma_start3A_893 = tpu.memref_slice %arg6[%dma_start3A_890, %dma_start3A_891, %dma_start3A_892] : memref<4x200x16xf32, #tpu.memory_space<vmem>> -> memref<1x200x16xf32, #tpu.memory_space<vmem>>
        %dma_start3A_894 = tpu.memref_squeeze %dma_start3A_893 : memref<1x200x16xf32, #tpu.memory_space<vmem>> -> memref<200x16xf32, #tpu.memory_space<vmem>>
        %dma_start3A_895 = arith.constant 128 : i32
        %dma_start3A_896 = arith.constant 0 : i32
        %dma_start3A_897 = tpu.memref_slice %dma_start3A_894[%dma_start3A_895, %dma_start3A_896] : memref<200x16xf32, #tpu.memory_space<vmem>> -> memref<72x16xf32, #tpu.memory_space<vmem>>
        %dma_start3A_898 = tpu.memref_slice %arg5[%add3A_877] : memref<25608xi32, #tpu.memory_space<vmem>> -> memref<72xi32, #tpu.memory_space<vmem>>
        %dma_start3A_899 = arith.constant 0 : i32
        %dma_start3A_900 = arith.constant 0 : i32
        %dma_start3A_901 = tpu.memref_slice %arg3[%dma_start3A_899, %dma_start3A_900] : memref<1015808x16xf32, #tpu.memory_space<hbm>> -> memref<1015808x16xf32, #tpu.memory_space<hbm>>
        tpu.enqueue_indirect_dma source(%dma_start3A_901 : memref<1015808x16xf32, #tpu.memory_space<hbm>>) target(%dma_start3A_897 : memref<72x16xf32, #tpu.memory_space<vmem>>) offsets(%dma_start3A_898 : memref<72xi32, #tpu.memory_space<vmem>>) semaphore(%arg8 : memref<!tpu.dma_semaphore, #tpu.memory_space<semaphore_mem>>)
      } else {
      }
      %add3A_300 = arith.constant 1 : i32
      %add3A_301 = arith.addi %mul3A_121, %add3A_300 : i32
      %mul3A_302 = arith.constant 200 : i32
      %mul3A_303 = arith.muli %add3A_301, %mul3A_302 : i32
      %add3A_304 = arith.constant 128 : i32
      %add3A_305 = arith.addi %mul3A_303, %add3A_304 : i32
      %dma_wait3A_306 = arith.constant 1 : i32
      %dma_wait3A_307 = arith.constant 0 : i32
      %dma_wait3A_308 = arith.constant 0 : i32
      %dma_wait3A_309 = tpu.memref_slice %arg6[%dma_wait3A_306, %dma_wait3A_307, %dma_wait3A_308] : memref<4x200x16xf32, #tpu.memory_space<vmem>> -> memref<1x200x16xf32, #tpu.memory_space<vmem>>
      %dma_wait3A_310 = tpu.memref_squeeze %dma_wait3A_309 : memref<1x200x16xf32, #tpu.memory_space<vmem>> -> memref<200x16xf32, #tpu.memory_space<vmem>>
      %dma_wait3A_311 = arith.constant 0 : i32
      %dma_wait3A_312 = arith.constant 0 : i32
      %dma_wait3A_313 = tpu.memref_slice %dma_wait3A_310[%dma_wait3A_311, %dma_wait3A_312] : memref<200x16xf32, #tpu.memory_space<vmem>> -> memref<128x16xf32, #tpu.memory_space<vmem>>
      %dma_wait3A_314 = tpu.memref_slice %arg5[%mul3A_303] : memref<25608xi32, #tpu.memory_space<vmem>> -> memref<128xi32, #tpu.memory_space<vmem>>
      %dma_wait3A_315 = arith.constant 0 : i32
      %dma_wait3A_316 = arith.constant 0 : i32
      %dma_wait3A_317 = tpu.memref_slice %arg3[%dma_wait3A_315, %dma_wait3A_316] : memref<1015808x16xf32, #tpu.memory_space<hbm>> -> memref<1015808x16xf32, #tpu.memory_space<hbm>>
      tpu.wait_indirect_dma semaphore(%arg9 : memref<!tpu.dma_semaphore, #tpu.memory_space<semaphore_mem>>) src(%dma_wait3A_317 : memref<1015808x16xf32, #tpu.memory_space<hbm>>) dst(%dma_wait3A_313 : memref<128x16xf32, #tpu.memory_space<vmem>>)
      %dma_wait3A_318 = arith.constant 1 : i32
      %dma_wait3A_319 = arith.constant 0 : i32
      %dma_wait3A_320 = arith.constant 0 : i32
      %dma_wait3A_321 = tpu.memref_slice %arg6[%dma_wait3A_318, %dma_wait3A_319, %dma_wait3A_320] : memref<4x200x16xf32, #tpu.memory_space<vmem>> -> memref<1x200x16xf32, #tpu.memory_space<vmem>>
      %dma_wait3A_322 = tpu.memref_squeeze %dma_wait3A_321 : memref<1x200x16xf32, #tpu.memory_space<vmem>> -> memref<200x16xf32, #tpu.memory_space<vmem>>
      %dma_wait3A_323 = arith.constant 128 : i32
      %dma_wait3A_324 = arith.constant 0 : i32
      %dma_wait3A_325 = tpu.memref_slice %dma_wait3A_322[%dma_wait3A_323, %dma_wait3A_324] : memref<200x16xf32, #tpu.memory_space<vmem>> -> memref<72x16xf32, #tpu.memory_space<vmem>>
      %dma_wait3A_326 = tpu.memref_slice %arg5[%add3A_305] : memref<25608xi32, #tpu.memory_space<vmem>> -> memref<72xi32, #tpu.memory_space<vmem>>
      %dma_wait3A_327 = arith.constant 0 : i32
      %dma_wait3A_328 = arith.constant 0 : i32
      %dma_wait3A_329 = tpu.memref_slice %arg3[%dma_wait3A_327, %dma_wait3A_328] : memref<1015808x16xf32, #tpu.memory_space<hbm>> -> memref<1015808x16xf32, #tpu.memory_space<hbm>>
      tpu.wait_indirect_dma semaphore(%arg9 : memref<!tpu.dma_semaphore, #tpu.memory_space<semaphore_mem>>) src(%dma_wait3A_329 : memref<1015808x16xf32, #tpu.memory_space<hbm>>) dst(%dma_wait3A_325 : memref<72x16xf32, #tpu.memory_space<vmem>>)
      %mul3A_330 = arith.constant 200 : i32
      %mul3A_331 = arith.muli %add3A_301, %mul3A_330 : i32
      %broadcast_in_dim3A_332 = arith.constant 0 : i32
      %broadcast_in_dim3A_333 = vector.broadcast %broadcast_in_dim3A_332 : i32 to vector<16xi32>
      %add3A_334 = arith.constant 0 : i32
      %add3A_335 = arith.addi %mul3A_331, %add3A_334 : i32
      %get3A_336 = arith.index_cast %add3A_335 : i32 to index
      %get3A_337 = tpu.vector_load %arg5[%get3A_336] {strides = array<i32>} : memref<25608xi32, #tpu.memory_space<vmem>>, vector<16xi32>,
      %gt3A_338 = arith.constant 0 : i32
      %gt3A_339 = vector.broadcast %gt3A_338 : i32 to vector<16xi32>
      %gt3A_340 = arith.cmpi sgt, %get3A_337, %gt3A_339 : vector<16xi32>
      %all_reduce_population_count3A_341 = tpu.all_reduce %gt3A_340 {dim = 0 : i64, kind = #tpu.reduction_kind<sum>} : vector<16xi1> -> vector<16xi32>
      %add3A_342 = arith.addi %broadcast_in_dim3A_333, %all_reduce_population_count3A_341 : vector<16xi32>
      %add3A_343 = arith.constant 16 : i32
      %add3A_344 = arith.addi %mul3A_331, %add3A_343 : i32
      %get3A_345 = arith.index_cast %add3A_344 : i32 to index
      %get3A_346 = tpu.vector_load %arg5[%get3A_345] {strides = array<i32>} : memref<25608xi32, #tpu.memory_space<vmem>>, vector<16xi32>,
      %gt3A_347 = arith.constant 0 : i32
      %gt3A_348 = vector.broadcast %gt3A_347 : i32 to vector<16xi32>
      %gt3A_349 = arith.cmpi sgt, %get3A_346, %gt3A_348 : vector<16xi32>
      %all_reduce_population_count3A_350 = tpu.all_reduce %gt3A_349 {dim = 0 : i64, kind = #tpu.reduction_kind<sum>} : vector<16xi1> -> vector<16xi32>
      %add3A_351 = arith.addi %add3A_342, %all_reduce_population_count3A_350 : vector<16xi32>
      %add3A_352 = arith.constant 32 : i32
      %add3A_353 = arith.addi %mul3A_331, %add3A_352 : i32
      %get3A_354 = arith.index_cast %add3A_353 : i32 to index
      %get3A_355 = tpu.vector_load %arg5[%get3A_354] {strides = array<i32>} : memref<25608xi32, #tpu.memory_space<vmem>>, vector<16xi32>,
      %gt3A_356 = arith.constant 0 : i32
      %gt3A_357 = vector.broadcast %gt3A_356 : i32 to vector<16xi32>
      %gt3A_358 = arith.cmpi sgt, %get3A_355, %gt3A_357 : vector<16xi32>
      %all_reduce_population_count3A_359 = tpu.all_reduce %gt3A_358 {dim = 0 : i64, kind = #tpu.reduction_kind<sum>} : vector<16xi1> -> vector<16xi32>
      %add3A_360 = arith.addi %add3A_351, %all_reduce_population_count3A_359 : vector<16xi32>
      %add3A_361 = arith.constant 48 : i32
      %add3A_362 = arith.addi %mul3A_331, %add3A_361 : i32
      %get3A_363 = arith.index_cast %add3A_362 : i32 to index
      %get3A_364 = tpu.vector_load %arg5[%get3A_363] {strides = array<i32>} : memref<25608xi32, #tpu.memory_space<vmem>>, vector<16xi32>,
      %gt3A_365 = arith.constant 0 : i32
      %gt3A_366 = vector.broadcast %gt3A_365 : i32 to vector<16xi32>
      %gt3A_367 = arith.cmpi sgt, %get3A_364, %gt3A_366 : vector<16xi32>
      %all_reduce_population_count3A_368 = tpu.all_reduce %gt3A_367 {dim = 0 : i64, kind = #tpu.reduction_kind<sum>} : vector<16xi1> -> vector<16xi32>
      %add3A_369 = arith.addi %add3A_360, %all_reduce_population_count3A_368 : vector<16xi32>
      %add3A_370 = arith.constant 64 : i32
      %add3A_371 = arith.addi %mul3A_331, %add3A_370 : i32
      %get3A_372 = arith.index_cast %add3A_371 : i32 to index
      %get3A_373 = tpu.vector_load %arg5[%get3A_372] {strides = array<i32>} : memref<25608xi32, #tpu.memory_space<vmem>>, vector<16xi32>,
      %gt3A_374 = arith.constant 0 : i32
      %gt3A_375 = vector.broadcast %gt3A_374 : i32 to vector<16xi32>
      %gt3A_376 = arith.cmpi sgt, %get3A_373, %gt3A_375 : vector<16xi32>
      %all_reduce_population_count3A_377 = tpu.all_reduce %gt3A_376 {dim = 0 : i64, kind = #tpu.reduction_kind<sum>} : vector<16xi1> -> vector<16xi32>
      %add3A_378 = arith.addi %add3A_369, %all_reduce_population_count3A_377 : vector<16xi32>
      %add3A_379 = arith.constant 80 : i32
      %add3A_380 = arith.addi %mul3A_331, %add3A_379 : i32
      %get3A_381 = arith.index_cast %add3A_380 : i32 to index
      %get3A_382 = tpu.vector_load %arg5[%get3A_381] {strides = array<i32>} : memref<25608xi32, #tpu.memory_space<vmem>>, vector<16xi32>,
      %gt3A_383 = arith.constant 0 : i32
      %gt3A_384 = vector.broadcast %gt3A_383 : i32 to vector<16xi32>
      %gt3A_385 = arith.cmpi sgt, %get3A_382, %gt3A_384 : vector<16xi32>
      %all_reduce_population_count3A_386 = tpu.all_reduce %gt3A_385 {dim = 0 : i64, kind = #tpu.reduction_kind<sum>} : vector<16xi1> -> vector<16xi32>
      %add3A_387 = arith.addi %add3A_378, %all_reduce_population_count3A_386 : vector<16xi32>
      %add3A_388 = arith.constant 96 : i32
      %add3A_389 = arith.addi %mul3A_331, %add3A_388 : i32
      %get3A_390 = arith.index_cast %add3A_389 : i32 to index
      %get3A_391 = tpu.vector_load %arg5[%get3A_390] {strides = array<i32>} : memref<25608xi32, #tpu.memory_space<vmem>>, vector<16xi32>,
      %gt3A_392 = arith.constant 0 : i32
      %gt3A_393 = vector.broadcast %gt3A_392 : i32 to vector<16xi32>
      %gt3A_394 = arith.cmpi sgt, %get3A_391, %gt3A_393 : vector<16xi32>
      %all_reduce_population_count3A_395 = tpu.all_reduce %gt3A_394 {dim = 0 : i64, kind = #tpu.reduction_kind<sum>} : vector<16xi1> -> vector<16xi32>
      %add3A_396 = arith.addi %add3A_387, %all_reduce_population_count3A_395 : vector<16xi32>
      %add3A_397 = arith.constant 112 : i32
      %add3A_398 = arith.addi %mul3A_331, %add3A_397 : i32
      %get3A_399 = arith.index_cast %add3A_398 : i32 to index
      %get3A_400 = tpu.vector_load %arg5[%get3A_399] {strides = array<i32>} : memref<25608xi32, #tpu.memory_space<vmem>>, vector<16xi32>,
      %gt3A_401 = arith.constant 0 : i32
      %gt3A_402 = vector.broadcast %gt3A_401 : i32 to vector<16xi32>
      %gt3A_403 = arith.cmpi sgt, %get3A_400, %gt3A_402 : vector<16xi32>
      %all_reduce_population_count3A_404 = tpu.all_reduce %gt3A_403 {dim = 0 : i64, kind = #tpu.reduction_kind<sum>} : vector<16xi1> -> vector<16xi32>
      %add3A_405 = arith.addi %add3A_396, %all_reduce_population_count3A_404 : vector<16xi32>
      %add3A_406 = arith.constant 128 : i32
      %add3A_407 = arith.addi %mul3A_331, %add3A_406 : i32
      %get3A_408 = arith.index_cast %add3A_407 : i32 to index
      %get3A_409 = tpu.vector_load %arg5[%get3A_408] {strides = array<i32>} : memref<25608xi32, #tpu.memory_space<vmem>>, vector<16xi32>,
      %gt3A_410 = arith.constant 0 : i32
      %gt3A_411 = vector.broadcast %gt3A_410 : i32 to vector<16xi32>
      %gt3A_412 = arith.cmpi sgt, %get3A_409, %gt3A_411 : vector<16xi32>
      %all_reduce_population_count3A_413 = tpu.all_reduce %gt3A_412 {dim = 0 : i64, kind = #tpu.reduction_kind<sum>} : vector<16xi1> -> vector<16xi32>
      %add3A_414 = arith.addi %add3A_405, %all_reduce_population_count3A_413 : vector<16xi32>
      %add3A_415 = arith.constant 144 : i32
      %add3A_416 = arith.addi %mul3A_331, %add3A_415 : i32
      %get3A_417 = arith.index_cast %add3A_416 : i32 to index
      %get3A_418 = tpu.vector_load %arg5[%get3A_417] {strides = array<i32>} : memref<25608xi32, #tpu.memory_space<vmem>>, vector<16xi32>,
      %gt3A_419 = arith.constant 0 : i32
      %gt3A_420 = vector.broadcast %gt3A_419 : i32 to vector<16xi32>
      %gt3A_421 = arith.cmpi sgt, %get3A_418, %gt3A_420 : vector<16xi32>
      %all_reduce_population_count3A_422 = tpu.all_reduce %gt3A_421 {dim = 0 : i64, kind = #tpu.reduction_kind<sum>} : vector<16xi1> -> vector<16xi32>
      %add3A_423 = arith.addi %add3A_414, %all_reduce_population_count3A_422 : vector<16xi32>
      %add3A_424 = arith.constant 160 : i32
      %add3A_425 = arith.addi %mul3A_331, %add3A_424 : i32
      %get3A_426 = arith.index_cast %add3A_425 : i32 to index
      %get3A_427 = tpu.vector_load %arg5[%get3A_426] {strides = array<i32>} : memref<25608xi32, #tpu.memory_space<vmem>>, vector<16xi32>,
      %gt3A_428 = arith.constant 0 : i32
      %gt3A_429 = vector.broadcast %gt3A_428 : i32 to vector<16xi32>
      %gt3A_430 = arith.cmpi sgt, %get3A_427, %gt3A_429 : vector<16xi32>
      %all_reduce_population_count3A_431 = tpu.all_reduce %gt3A_430 {dim = 0 : i64, kind = #tpu.reduction_kind<sum>} : vector<16xi1> -> vector<16xi32>
      %add3A_432 = arith.addi %add3A_423, %all_reduce_population_count3A_431 : vector<16xi32>
      %add3A_433 = arith.constant 176 : i32
      %add3A_434 = arith.addi %mul3A_331, %add3A_433 : i32
      %get3A_435 = arith.index_cast %add3A_434 : i32 to index
      %get3A_436 = tpu.vector_load %arg5[%get3A_435] {strides = array<i32>} : memref<25608xi32, #tpu.memory_space<vmem>>, vector<16xi32>,
      %gt3A_437 = arith.constant 0 : i32
      %gt3A_438 = vector.broadcast %gt3A_437 : i32 to vector<16xi32>
      %gt3A_439 = arith.cmpi sgt, %get3A_436, %gt3A_438 : vector<16xi32>
      %all_reduce_population_count3A_440 = tpu.all_reduce %gt3A_439 {dim = 0 : i64, kind = #tpu.reduction_kind<sum>} : vector<16xi1> -> vector<16xi32>
      %add3A_441 = arith.addi %add3A_432, %all_reduce_population_count3A_440 : vector<16xi32>
      %add3A_442 = arith.constant 192 : i32
      %add3A_443 = arith.addi %mul3A_331, %add3A_442 : i32
      %get3A_444 = arith.index_cast %add3A_443 : i32 to index
      %get3A_445 = tpu.vector_load %arg5[%get3A_444] {strides = array<i32>} : memref<25608xi32, #tpu.memory_space<vmem>>, vector<16xi32>,
      %gt3A_446 = arith.constant 0 : i32
      %gt3A_447 = vector.broadcast %gt3A_446 : i32 to vector<16xi32>
      %gt3A_448 = arith.cmpi sgt, %get3A_445, %gt3A_447 : vector<16xi32>
      %lt3A_449 = arith.constant 8 : i32
      %lt3A_450 = vector.broadcast %lt3A_449 : i32 to vector<16xi32>
      %lt3A_451 = arith.cmpi slt, %iota3A, %lt3A_450 : vector<16xi32>
      %and3A_452 = arith.andi %gt3A_448, %lt3A_451 : vector<16xi1>
      %all_reduce_population_count3A_453 = tpu.all_reduce %and3A_452 {dim = 0 : i64, kind = #tpu.reduction_kind<sum>} : vector<16xi1> -> vector<16xi32>
      %add3A_454 = arith.addi %add3A_441, %all_reduce_population_count3A_453 : vector<16xi32>
      %convert_element_type3A_455 = arith.sitofp %add3A_454 : vector<16xi32> to vector<16xf32>
      %max3A_456 = arith.constant 1.000000e+00 : f32
      %max3A_457 = vector.broadcast %max3A_456 : f32 to vector<16xf32>
      %max3A_458 = arith.maximumf %convert_element_type3A_455, %max3A_457 : vector<16xf32>
      %div3A_459 = arith.constant 1.000000e+00 : f32
      %div3A_460 = vector.broadcast %div3A_459 : f32 to vector<16xf32>
      %div3A_461 = arith.divf %div3A_460, %max3A_458 : vector<16xf32>
      %broadcast_in_dim3A_462 = arith.constant 0.000000e+00 : f32
      %broadcast_in_dim3A_463 = vector.broadcast %broadcast_in_dim3A_462 : f32 to vector<16xf32>
      %broadcast_in_dim3A_464 = arith.constant 0.000000e+00 : f32
      %broadcast_in_dim3A_465 = vector.broadcast %broadcast_in_dim3A_464 : f32 to vector<16xf32>
      %scan3A_466 = arith.constant 1 : i32
      %scan3A_467 = arith.constant 0 : i32
      %scan3A_468 = arith.constant 200 : i32
      %scan3A_469 = arith.addi %scan3A_467, %scan3A_468 : i32
      %scan3A_470 = arith.constant 8 : i32
      %scan3A_471:2 = scf.for %scan3A_870 = %scan3A_467 to %scan3A_469 step %scan3A_470 iter_args(%scan3A_871 = %broadcast_in_dim3A_463, %scan3A_872 = %broadcast_in_dim3A_465) -> (vector<16xf32>, vector<16xf32>)  : i32 {
        %get3A_873 = arith.constant 0 : i32
        %get3A_874 = arith.constant 0 : i32
        %get3A_875 = tpu.memref_slice %arg6[%scan3A_466, %get3A_873, %get3A_874] : memref<4x200x16xf32, #tpu.memory_space<vmem>> -> memref<1x200x16xf32, #tpu.memory_space<vmem>>
        %get3A_876 = tpu.memref_squeeze %get3A_875 : memref<1x200x16xf32, #tpu.memory_space<vmem>> -> memref<200x16xf32, #tpu.memory_space<vmem>>
        %get3A_877 = arith.index_cast %scan3A_870 : i32 to index
        %get3A_878 = arith.constant 0 : index
        %get3A_879 = tpu.vector_load %get3A_876[%get3A_877, %get3A_878] {strides = array<i32>} : memref<200x16xf32, #tpu.memory_space<vmem>>, vector<16xf32>,
        %bitcast3A = vector.bitcast %get3A_879 : vector<16xf32> to vector<16xi32>
        %and3A_880 = arith.constant -65536 : i32
        %and3A_881 = vector.broadcast %and3A_880 : i32 to vector<16xi32>
        %and3A_882 = arith.andi %bitcast3A, %and3A_881 : vector<16xi32>
        %bitcast3A_883 = vector.bitcast %and3A_882 : vector<16xi32> to vector<16xf32>
        %add3A_884 = arith.addf %scan3A_871, %bitcast3A_883 : vector<16xf32>
        %shift_left3A = arith.constant 16 : i32
        %shift_left3A_885 = vector.broadcast %shift_left3A : i32 to vector<16xi32>
        %shift_left3A_886 = arith.shli %bitcast3A, %shift_left3A_885 : vector<16xi32>
        %bitcast3A_887 = vector.bitcast %shift_left3A_886 : vector<16xi32> to vector<16xf32>
        %add3A_888 = arith.addf %scan3A_872, %bitcast3A_887 : vector<16xf32>
        %scan3A_889 = arith.constant 1 : i32
        %scan3A_890 = arith.addi %scan3A_870, %scan3A_889 : i32
        %get3A_891 = arith.constant 0 : i32
        %get3A_892 = arith.constant 0 : i32
        %get3A_893 = tpu.memref_slice %arg6[%scan3A_466, %get3A_891, %get3A_892] : memref<4x200x16xf32, #tpu.memory_space<vmem>> -> memref<1x200x16xf32, #tpu.memory_space<vmem>>
        %get3A_894 = tpu.memref_squeeze %get3A_893 : memref<1x200x16xf32, #tpu.memory_space<vmem>> -> memref<200x16xf32, #tpu.memory_space<vmem>>
        %get3A_895 = arith.index_cast %scan3A_890 : i32 to index
        %get3A_896 = arith.constant 0 : index
        %get3A_897 = tpu.vector_load %get3A_894[%get3A_895, %get3A_896] {strides = array<i32>} : memref<200x16xf32, #tpu.memory_space<vmem>>, vector<16xf32>,
        %bitcast3A_898 = vector.bitcast %get3A_897 : vector<16xf32> to vector<16xi32>
        %and3A_899 = arith.constant -65536 : i32
        %and3A_900 = vector.broadcast %and3A_899 : i32 to vector<16xi32>
        %and3A_901 = arith.andi %bitcast3A_898, %and3A_900 : vector<16xi32>
        %bitcast3A_902 = vector.bitcast %and3A_901 : vector<16xi32> to vector<16xf32>
        %add3A_903 = arith.addf %add3A_884, %bitcast3A_902 : vector<16xf32>
        %shift_left3A_904 = arith.constant 16 : i32
        %shift_left3A_905 = vector.broadcast %shift_left3A_904 : i32 to vector<16xi32>
        %shift_left3A_906 = arith.shli %bitcast3A_898, %shift_left3A_905 : vector<16xi32>
        %bitcast3A_907 = vector.bitcast %shift_left3A_906 : vector<16xi32> to vector<16xf32>
        %add3A_908 = arith.addf %add3A_888, %bitcast3A_907 : vector<16xf32>
        %scan3A_909 = arith.constant 2 : i32
        %scan3A_910 = arith.addi %scan3A_870, %scan3A_909 : i32
        %get3A_911 = arith.constant 0 : i32
        %get3A_912 = arith.constant 0 : i32
        %get3A_913 = tpu.memref_slice %arg6[%scan3A_466, %get3A_911, %get3A_912] : memref<4x200x16xf32, #tpu.memory_space<vmem>> -> memref<1x200x16xf32, #tpu.memory_space<vmem>>
        %get3A_914 = tpu.memref_squeeze %get3A_913 : memref<1x200x16xf32, #tpu.memory_space<vmem>> -> memref<200x16xf32, #tpu.memory_space<vmem>>
        %get3A_915 = arith.index_cast %scan3A_910 : i32 to index
        %get3A_916 = arith.constant 0 : index
        %get3A_917 = tpu.vector_load %get3A_914[%get3A_915, %get3A_916] {strides = array<i32>} : memref<200x16xf32, #tpu.memory_space<vmem>>, vector<16xf32>,
        %bitcast3A_918 = vector.bitcast %get3A_917 : vector<16xf32> to vector<16xi32>
        %and3A_919 = arith.constant -65536 : i32
        %and3A_920 = vector.broadcast %and3A_919 : i32 to vector<16xi32>
        %and3A_921 = arith.andi %bitcast3A_918, %and3A_920 : vector<16xi32>
        %bitcast3A_922 = vector.bitcast %and3A_921 : vector<16xi32> to vector<16xf32>
        %add3A_923 = arith.addf %add3A_903, %bitcast3A_922 : vector<16xf32>
        %shift_left3A_924 = arith.constant 16 : i32
        %shift_left3A_925 = vector.broadcast %shift_left3A_924 : i32 to vector<16xi32>
        %shift_left3A_926 = arith.shli %bitcast3A_918, %shift_left3A_925 : vector<16xi32>
        %bitcast3A_927 = vector.bitcast %shift_left3A_926 : vector<16xi32> to vector<16xf32>
        %add3A_928 = arith.addf %add3A_908, %bitcast3A_927 : vector<16xf32>
        %scan3A_929 = arith.constant 3 : i32
        %scan3A_930 = arith.addi %scan3A_870, %scan3A_929 : i32
        %get3A_931 = arith.constant 0 : i32
        %get3A_932 = arith.constant 0 : i32
        %get3A_933 = tpu.memref_slice %arg6[%scan3A_466, %get3A_931, %get3A_932] : memref<4x200x16xf32, #tpu.memory_space<vmem>> -> memref<1x200x16xf32, #tpu.memory_space<vmem>>
        %get3A_934 = tpu.memref_squeeze %get3A_933 : memref<1x200x16xf32, #tpu.memory_space<vmem>> -> memref<200x16xf32, #tpu.memory_space<vmem>>
        %get3A_935 = arith.index_cast %scan3A_930 : i32 to index
        %get3A_936 = arith.constant 0 : index
        %get3A_937 = tpu.vector_load %get3A_934[%get3A_935, %get3A_936] {strides = array<i32>} : memref<200x16xf32, #tpu.memory_space<vmem>>, vector<16xf32>,
        %bitcast3A_938 = vector.bitcast %get3A_937 : vector<16xf32> to vector<16xi32>
        %and3A_939 = arith.constant -65536 : i32
        %and3A_940 = vector.broadcast %and3A_939 : i32 to vector<16xi32>
        %and3A_941 = arith.andi %bitcast3A_938, %and3A_940 : vector<16xi32>
        %bitcast3A_942 = vector.bitcast %and3A_941 : vector<16xi32> to vector<16xf32>
        %add3A_943 = arith.addf %add3A_923, %bitcast3A_942 : vector<16xf32>
        %shift_left3A_944 = arith.constant 16 : i32
        %shift_left3A_945 = vector.broadcast %shift_left3A_944 : i32 to vector<16xi32>
        %shift_left3A_946 = arith.shli %bitcast3A_938, %shift_left3A_945 : vector<16xi32>
        %bitcast3A_947 = vector.bitcast %shift_left3A_946 : vector<16xi32> to vector<16xf32>
        %add3A_948 = arith.addf %add3A_928, %bitcast3A_947 : vector<16xf32>
        %scan3A_949 = arith.constant 4 : i32
        %scan3A_950 = arith.addi %scan3A_870, %scan3A_949 : i32
        %get3A_951 = arith.constant 0 : i32
        %get3A_952 = arith.constant 0 : i32
        %get3A_953 = tpu.memref_slice %arg6[%scan3A_466, %get3A_951, %get3A_952] : memref<4x200x16xf32, #tpu.memory_space<vmem>> -> memref<1x200x16xf32, #tpu.memory_space<vmem>>
        %get3A_954 = tpu.memref_squeeze %get3A_953 : memref<1x200x16xf32, #tpu.memory_space<vmem>> -> memref<200x16xf32, #tpu.memory_space<vmem>>
        %get3A_955 = arith.index_cast %scan3A_950 : i32 to index
        %get3A_956 = arith.constant 0 : index
        %get3A_957 = tpu.vector_load %get3A_954[%get3A_955, %get3A_956] {strides = array<i32>} : memref<200x16xf32, #tpu.memory_space<vmem>>, vector<16xf32>,
        %bitcast3A_958 = vector.bitcast %get3A_957 : vector<16xf32> to vector<16xi32>
        %and3A_959 = arith.constant -65536 : i32
        %and3A_960 = vector.broadcast %and3A_959 : i32 to vector<16xi32>
        %and3A_961 = arith.andi %bitcast3A_958, %and3A_960 : vector<16xi32>
        %bitcast3A_962 = vector.bitcast %and3A_961 : vector<16xi32> to vector<16xf32>
        %add3A_963 = arith.addf %add3A_943, %bitcast3A_962 : vector<16xf32>
        %shift_left3A_964 = arith.constant 16 : i32
        %shift_left3A_965 = vector.broadcast %shift_left3A_964 : i32 to vector<16xi32>
        %shift_left3A_966 = arith.shli %bitcast3A_958, %shift_left3A_965 : vector<16xi32>
        %bitcast3A_967 = vector.bitcast %shift_left3A_966 : vector<16xi32> to vector<16xf32>
        %add3A_968 = arith.addf %add3A_948, %bitcast3A_967 : vector<16xf32>
        %scan3A_969 = arith.constant 5 : i32
        %scan3A_970 = arith.addi %scan3A_870, %scan3A_969 : i32
        %get3A_971 = arith.constant 0 : i32
        %get3A_972 = arith.constant 0 : i32
        %get3A_973 = tpu.memref_slice %arg6[%scan3A_466, %get3A_971, %get3A_972] : memref<4x200x16xf32, #tpu.memory_space<vmem>> -> memref<1x200x16xf32, #tpu.memory_space<vmem>>
        %get3A_974 = tpu.memref_squeeze %get3A_973 : memref<1x200x16xf32, #tpu.memory_space<vmem>> -> memref<200x16xf32, #tpu.memory_space<vmem>>
        %get3A_975 = arith.index_cast %scan3A_970 : i32 to index
        %get3A_976 = arith.constant 0 : index
        %get3A_977 = tpu.vector_load %get3A_974[%get3A_975, %get3A_976] {strides = array<i32>} : memref<200x16xf32, #tpu.memory_space<vmem>>, vector<16xf32>,
        %bitcast3A_978 = vector.bitcast %get3A_977 : vector<16xf32> to vector<16xi32>
        %and3A_979 = arith.constant -65536 : i32
        %and3A_980 = vector.broadcast %and3A_979 : i32 to vector<16xi32>
        %and3A_981 = arith.andi %bitcast3A_978, %and3A_980 : vector<16xi32>
        %bitcast3A_982 = vector.bitcast %and3A_981 : vector<16xi32> to vector<16xf32>
        %add3A_983 = arith.addf %add3A_963, %bitcast3A_982 : vector<16xf32>
        %shift_left3A_984 = arith.constant 16 : i32
        %shift_left3A_985 = vector.broadcast %shift_left3A_984 : i32 to vector<16xi32>
        %shift_left3A_986 = arith.shli %bitcast3A_978, %shift_left3A_985 : vector<16xi32>
        %bitcast3A_987 = vector.bitcast %shift_left3A_986 : vector<16xi32> to vector<16xf32>
        %add3A_988 = arith.addf %add3A_968, %bitcast3A_987 : vector<16xf32>
        %scan3A_989 = arith.constant 6 : i32
        %scan3A_990 = arith.addi %scan3A_870, %scan3A_989 : i32
        %get3A_991 = arith.constant 0 : i32
        %get3A_992 = arith.constant 0 : i32
        %get3A_993 = tpu.memref_slice %arg6[%scan3A_466, %get3A_991, %get3A_992] : memref<4x200x16xf32, #tpu.memory_space<vmem>> -> memref<1x200x16xf32, #tpu.memory_space<vmem>>
        %get3A_994 = tpu.memref_squeeze %get3A_993 : memref<1x200x16xf32, #tpu.memory_space<vmem>> -> memref<200x16xf32, #tpu.memory_space<vmem>>
        %get3A_995 = arith.index_cast %scan3A_990 : i32 to index
        %get3A_996 = arith.constant 0 : index
        %get3A_997 = tpu.vector_load %get3A_994[%get3A_995, %get3A_996] {strides = array<i32>} : memref<200x16xf32, #tpu.memory_space<vmem>>, vector<16xf32>,
        %bitcast3A_998 = vector.bitcast %get3A_997 : vector<16xf32> to vector<16xi32>
        %and3A_999 = arith.constant -65536 : i32
        %and3A_1000 = vector.broadcast %and3A_999 : i32 to vector<16xi32>
        %and3A_1001 = arith.andi %bitcast3A_998, %and3A_1000 : vector<16xi32>
        %bitcast3A_1002 = vector.bitcast %and3A_1001 : vector<16xi32> to vector<16xf32>
        %add3A_1003 = arith.addf %add3A_983, %bitcast3A_1002 : vector<16xf32>
        %shift_left3A_1004 = arith.constant 16 : i32
        %shift_left3A_1005 = vector.broadcast %shift_left3A_1004 : i32 to vector<16xi32>
        %shift_left3A_1006 = arith.shli %bitcast3A_998, %shift_left3A_1005 : vector<16xi32>
        %bitcast3A_1007 = vector.bitcast %shift_left3A_1006 : vector<16xi32> to vector<16xf32>
        %add3A_1008 = arith.addf %add3A_988, %bitcast3A_1007 : vector<16xf32>
        %scan3A_1009 = arith.constant 7 : i32
        %scan3A_1010 = arith.addi %scan3A_870, %scan3A_1009 : i32
        %get3A_1011 = arith.constant 0 : i32
        %get3A_1012 = arith.constant 0 : i32
        %get3A_1013 = tpu.memref_slice %arg6[%scan3A_466, %get3A_1011, %get3A_1012] : memref<4x200x16xf32, #tpu.memory_space<vmem>> -> memref<1x200x16xf32, #tpu.memory_space<vmem>>
        %get3A_1014 = tpu.memref_squeeze %get3A_1013 : memref<1x200x16xf32, #tpu.memory_space<vmem>> -> memref<200x16xf32, #tpu.memory_space<vmem>>
        %get3A_1015 = arith.index_cast %scan3A_1010 : i32 to index
        %get3A_1016 = arith.constant 0 : index
        %get3A_1017 = tpu.vector_load %get3A_1014[%get3A_1015, %get3A_1016] {strides = array<i32>} : memref<200x16xf32, #tpu.memory_space<vmem>>, vector<16xf32>,
        %bitcast3A_1018 = vector.bitcast %get3A_1017 : vector<16xf32> to vector<16xi32>
        %and3A_1019 = arith.constant -65536 : i32
        %and3A_1020 = vector.broadcast %and3A_1019 : i32 to vector<16xi32>
        %and3A_1021 = arith.andi %bitcast3A_1018, %and3A_1020 : vector<16xi32>
        %bitcast3A_1022 = vector.bitcast %and3A_1021 : vector<16xi32> to vector<16xf32>
        %add3A_1023 = arith.addf %add3A_1003, %bitcast3A_1022 : vector<16xf32>
        %shift_left3A_1024 = arith.constant 16 : i32
        %shift_left3A_1025 = vector.broadcast %shift_left3A_1024 : i32 to vector<16xi32>
        %shift_left3A_1026 = arith.shli %bitcast3A_1018, %shift_left3A_1025 : vector<16xi32>
        %bitcast3A_1027 = vector.bitcast %shift_left3A_1026 : vector<16xi32> to vector<16xf32>
        %add3A_1028 = arith.addf %add3A_1008, %bitcast3A_1027 : vector<16xf32>
        scf.yield %add3A_1023, %add3A_1028 : vector<16xf32>, vector<16xf32>
      }
      %scan3A_472 = arith.constant 200 : i32
      %mul3A_473 = arith.mulf %scan3A_471#0, %div3A_461 : vector<16xf32>
      %swap3A_474 = arith.index_cast %add3A_301 : i32 to index
      %swap3A_475 = arith.constant 0 : index
      %swap3A_476 = tpu.vector_load %arg7[%swap3A_474, %swap3A_475] {strides = array<i32>} : memref<128x32xf32, #tpu.memory_space<vmem>>, vector<16xf32>,
      tpu.vector_store %arg7[%swap3A_474, %swap3A_475], %mul3A_473 {strides = array<i32>} : memref<128x32xf32, #tpu.memory_space<vmem>>, vector<16xf32>,
      %mul3A_477 = arith.mulf %scan3A_471#1, %div3A_461 : vector<16xf32>
      %swap3A_478 = arith.index_cast %add3A_301 : i32 to index
      %swap3A_479 = arith.constant 16 : index
      %swap3A_480 = tpu.vector_load %arg7[%swap3A_478, %swap3A_479] {strides = array<i32>} : memref<128x32xf32, #tpu.memory_space<vmem>>, vector<16xf32>,
      tpu.vector_store %arg7[%swap3A_478, %swap3A_479], %mul3A_477 {strides = array<i32>} : memref<128x32xf32, #tpu.memory_space<vmem>>, vector<16xf32>,
      %add3A_481 = arith.constant 1 : i32
      %add3A_482 = arith.addi %mul3A_121, %add3A_481 : i32
      %add3A_483 = arith.constant 4 : i32
      %add3A_484 = arith.addi %add3A_482, %add3A_483 : i32
      %lt3A_485 = arith.constant 128 : i32
      %lt3A_486 = arith.cmpi slt, %add3A_484, %lt3A_485 : i32
      %convert_element_type3A_487 = arith.extui %lt3A_486 : i1 to i32
      %cond3A_488 = arith.constant 0 : i32
      %cond3A_489 = arith.cmpi ne, %convert_element_type3A_487, %cond3A_488 : i32
      scf.if %cond3A_489 {
        %add3A_870 = arith.constant 1 : i32
        %add3A_871 = arith.addi %mul3A_121, %add3A_870 : i32
        %add3A_872 = arith.constant 4 : i32
        %add3A_873 = arith.addi %add3A_871, %add3A_872 : i32
        %mul3A_874 = arith.constant 200 : i32
        %mul3A_875 = arith.muli %add3A_873, %mul3A_874 : i32
        %add3A_876 = arith.constant 128 : i32
        %add3A_877 = arith.addi %mul3A_875, %add3A_876 : i32
        %dma_start3A_878 = arith.constant 1 : i32
        %dma_start3A_879 = arith.constant 0 : i32
        %dma_start3A_880 = arith.constant 0 : i32
        %dma_start3A_881 = tpu.memref_slice %arg6[%dma_start3A_878, %dma_start3A_879, %dma_start3A_880] : memref<4x200x16xf32, #tpu.memory_space<vmem>> -> memref<1x200x16xf32, #tpu.memory_space<vmem>>
        %dma_start3A_882 = tpu.memref_squeeze %dma_start3A_881 : memref<1x200x16xf32, #tpu.memory_space<vmem>> -> memref<200x16xf32, #tpu.memory_space<vmem>>
        %dma_start3A_883 = arith.constant 0 : i32
        %dma_start3A_884 = arith.constant 0 : i32
        %dma_start3A_885 = tpu.memref_slice %dma_start3A_882[%dma_start3A_883, %dma_start3A_884] : memref<200x16xf32, #tpu.memory_space<vmem>> -> memref<128x16xf32, #tpu.memory_space<vmem>>
        %dma_start3A_886 = tpu.memref_slice %arg5[%mul3A_875] : memref<25608xi32, #tpu.memory_space<vmem>> -> memref<128xi32, #tpu.memory_space<vmem>>
        %dma_start3A_887 = arith.constant 0 : i32
        %dma_start3A_888 = arith.constant 0 : i32
        %dma_start3A_889 = tpu.memref_slice %arg3[%dma_start3A_887, %dma_start3A_888] : memref<1015808x16xf32, #tpu.memory_space<hbm>> -> memref<1015808x16xf32, #tpu.memory_space<hbm>>
        tpu.enqueue_indirect_dma source(%dma_start3A_889 : memref<1015808x16xf32, #tpu.memory_space<hbm>>) target(%dma_start3A_885 : memref<128x16xf32, #tpu.memory_space<vmem>>) offsets(%dma_start3A_886 : memref<128xi32, #tpu.memory_space<vmem>>) semaphore(%arg9 : memref<!tpu.dma_semaphore, #tpu.memory_space<semaphore_mem>>)
        %dma_start3A_890 = arith.constant 1 : i32
        %dma_start3A_891 = arith.constant 0 : i32
        %dma_start3A_892 = arith.constant 0 : i32
        %dma_start3A_893 = tpu.memref_slice %arg6[%dma_start3A_890, %dma_start3A_891, %dma_start3A_892] : memref<4x200x16xf32, #tpu.memory_space<vmem>> -> memref<1x200x16xf32, #tpu.memory_space<vmem>>
        %dma_start3A_894 = tpu.memref_squeeze %dma_start3A_893 : memref<1x200x16xf32, #tpu.memory_space<vmem>> -> memref<200x16xf32, #tpu.memory_space<vmem>>
        %dma_start3A_895 = arith.constant 128 : i32
        %dma_start3A_896 = arith.constant 0 : i32
        %dma_start3A_897 = tpu.memref_slice %dma_start3A_894[%dma_start3A_895, %dma_start3A_896] : memref<200x16xf32, #tpu.memory_space<vmem>> -> memref<72x16xf32, #tpu.memory_space<vmem>>
        %dma_start3A_898 = tpu.memref_slice %arg5[%add3A_877] : memref<25608xi32, #tpu.memory_space<vmem>> -> memref<72xi32, #tpu.memory_space<vmem>>
        %dma_start3A_899 = arith.constant 0 : i32
        %dma_start3A_900 = arith.constant 0 : i32
        %dma_start3A_901 = tpu.memref_slice %arg3[%dma_start3A_899, %dma_start3A_900] : memref<1015808x16xf32, #tpu.memory_space<hbm>> -> memref<1015808x16xf32, #tpu.memory_space<hbm>>
        tpu.enqueue_indirect_dma source(%dma_start3A_901 : memref<1015808x16xf32, #tpu.memory_space<hbm>>) target(%dma_start3A_897 : memref<72x16xf32, #tpu.memory_space<vmem>>) offsets(%dma_start3A_898 : memref<72xi32, #tpu.memory_space<vmem>>) semaphore(%arg9 : memref<!tpu.dma_semaphore, #tpu.memory_space<semaphore_mem>>)
      } else {
      }
      %add3A_490 = arith.constant 2 : i32
      %add3A_491 = arith.addi %mul3A_121, %add3A_490 : i32
      %mul3A_492 = arith.constant 200 : i32
      %mul3A_493 = arith.muli %add3A_491, %mul3A_492 : i32
      %add3A_494 = arith.constant 128 : i32
      %add3A_495 = arith.addi %mul3A_493, %add3A_494 : i32
      %dma_wait3A_496 = arith.constant 2 : i32
      %dma_wait3A_497 = arith.constant 0 : i32
      %dma_wait3A_498 = arith.constant 0 : i32
      %dma_wait3A_499 = tpu.memref_slice %arg6[%dma_wait3A_496, %dma_wait3A_497, %dma_wait3A_498] : memref<4x200x16xf32, #tpu.memory_space<vmem>> -> memref<1x200x16xf32, #tpu.memory_space<vmem>>
      %dma_wait3A_500 = tpu.memref_squeeze %dma_wait3A_499 : memref<1x200x16xf32, #tpu.memory_space<vmem>> -> memref<200x16xf32, #tpu.memory_space<vmem>>
      %dma_wait3A_501 = arith.constant 0 : i32
      %dma_wait3A_502 = arith.constant 0 : i32
      %dma_wait3A_503 = tpu.memref_slice %dma_wait3A_500[%dma_wait3A_501, %dma_wait3A_502] : memref<200x16xf32, #tpu.memory_space<vmem>> -> memref<128x16xf32, #tpu.memory_space<vmem>>
      %dma_wait3A_504 = tpu.memref_slice %arg5[%mul3A_493] : memref<25608xi32, #tpu.memory_space<vmem>> -> memref<128xi32, #tpu.memory_space<vmem>>
      %dma_wait3A_505 = arith.constant 0 : i32
      %dma_wait3A_506 = arith.constant 0 : i32
      %dma_wait3A_507 = tpu.memref_slice %arg3[%dma_wait3A_505, %dma_wait3A_506] : memref<1015808x16xf32, #tpu.memory_space<hbm>> -> memref<1015808x16xf32, #tpu.memory_space<hbm>>
      tpu.wait_indirect_dma semaphore(%arg10 : memref<!tpu.dma_semaphore, #tpu.memory_space<semaphore_mem>>) src(%dma_wait3A_507 : memref<1015808x16xf32, #tpu.memory_space<hbm>>) dst(%dma_wait3A_503 : memref<128x16xf32, #tpu.memory_space<vmem>>)
      %dma_wait3A_508 = arith.constant 2 : i32
      %dma_wait3A_509 = arith.constant 0 : i32
      %dma_wait3A_510 = arith.constant 0 : i32
      %dma_wait3A_511 = tpu.memref_slice %arg6[%dma_wait3A_508, %dma_wait3A_509, %dma_wait3A_510] : memref<4x200x16xf32, #tpu.memory_space<vmem>> -> memref<1x200x16xf32, #tpu.memory_space<vmem>>
      %dma_wait3A_512 = tpu.memref_squeeze %dma_wait3A_511 : memref<1x200x16xf32, #tpu.memory_space<vmem>> -> memref<200x16xf32, #tpu.memory_space<vmem>>
      %dma_wait3A_513 = arith.constant 128 : i32
      %dma_wait3A_514 = arith.constant 0 : i32
      %dma_wait3A_515 = tpu.memref_slice %dma_wait3A_512[%dma_wait3A_513, %dma_wait3A_514] : memref<200x16xf32, #tpu.memory_space<vmem>> -> memref<72x16xf32, #tpu.memory_space<vmem>>
      %dma_wait3A_516 = tpu.memref_slice %arg5[%add3A_495] : memref<25608xi32, #tpu.memory_space<vmem>> -> memref<72xi32, #tpu.memory_space<vmem>>
      %dma_wait3A_517 = arith.constant 0 : i32
      %dma_wait3A_518 = arith.constant 0 : i32
      %dma_wait3A_519 = tpu.memref_slice %arg3[%dma_wait3A_517, %dma_wait3A_518] : memref<1015808x16xf32, #tpu.memory_space<hbm>> -> memref<1015808x16xf32, #tpu.memory_space<hbm>>
      tpu.wait_indirect_dma semaphore(%arg10 : memref<!tpu.dma_semaphore, #tpu.memory_space<semaphore_mem>>) src(%dma_wait3A_519 : memref<1015808x16xf32, #tpu.memory_space<hbm>>) dst(%dma_wait3A_515 : memref<72x16xf32, #tpu.memory_space<vmem>>)
      %mul3A_520 = arith.constant 200 : i32
      %mul3A_521 = arith.muli %add3A_491, %mul3A_520 : i32
      %broadcast_in_dim3A_522 = arith.constant 0 : i32
      %broadcast_in_dim3A_523 = vector.broadcast %broadcast_in_dim3A_522 : i32 to vector<16xi32>
      %add3A_524 = arith.constant 0 : i32
      %add3A_525 = arith.addi %mul3A_521, %add3A_524 : i32
      %get3A_526 = arith.index_cast %add3A_525 : i32 to index
      %get3A_527 = tpu.vector_load %arg5[%get3A_526] {strides = array<i32>} : memref<25608xi32, #tpu.memory_space<vmem>>, vector<16xi32>,
      %gt3A_528 = arith.constant 0 : i32
      %gt3A_529 = vector.broadcast %gt3A_528 : i32 to vector<16xi32>
      %gt3A_530 = arith.cmpi sgt, %get3A_527, %gt3A_529 : vector<16xi32>
      %all_reduce_population_count3A_531 = tpu.all_reduce %gt3A_530 {dim = 0 : i64, kind = #tpu.reduction_kind<sum>} : vector<16xi1> -> vector<16xi32>
      %add3A_532 = arith.addi %broadcast_in_dim3A_523, %all_reduce_population_count3A_531 : vector<16xi32>
      %add3A_533 = arith.constant 16 : i32
      %add3A_534 = arith.addi %mul3A_521, %add3A_533 : i32
      %get3A_535 = arith.index_cast %add3A_534 : i32 to index
      %get3A_536 = tpu.vector_load %arg5[%get3A_535] {strides = array<i32>} : memref<25608xi32, #tpu.memory_space<vmem>>, vector<16xi32>,
      %gt3A_537 = arith.constant 0 : i32
      %gt3A_538 = vector.broadcast %gt3A_537 : i32 to vector<16xi32>
      %gt3A_539 = arith.cmpi sgt, %get3A_536, %gt3A_538 : vector<16xi32>
      %all_reduce_population_count3A_540 = tpu.all_reduce %gt3A_539 {dim = 0 : i64, kind = #tpu.reduction_kind<sum>} : vector<16xi1> -> vector<16xi32>
      %add3A_541 = arith.addi %add3A_532, %all_reduce_population_count3A_540 : vector<16xi32>
      %add3A_542 = arith.constant 32 : i32
      %add3A_543 = arith.addi %mul3A_521, %add3A_542 : i32
      %get3A_544 = arith.index_cast %add3A_543 : i32 to index
      %get3A_545 = tpu.vector_load %arg5[%get3A_544] {strides = array<i32>} : memref<25608xi32, #tpu.memory_space<vmem>>, vector<16xi32>,
      %gt3A_546 = arith.constant 0 : i32
      %gt3A_547 = vector.broadcast %gt3A_546 : i32 to vector<16xi32>
      %gt3A_548 = arith.cmpi sgt, %get3A_545, %gt3A_547 : vector<16xi32>
      %all_reduce_population_count3A_549 = tpu.all_reduce %gt3A_548 {dim = 0 : i64, kind = #tpu.reduction_kind<sum>} : vector<16xi1> -> vector<16xi32>
      %add3A_550 = arith.addi %add3A_541, %all_reduce_population_count3A_549 : vector<16xi32>
      %add3A_551 = arith.constant 48 : i32
      %add3A_552 = arith.addi %mul3A_521, %add3A_551 : i32
      %get3A_553 = arith.index_cast %add3A_552 : i32 to index
      %get3A_554 = tpu.vector_load %arg5[%get3A_553] {strides = array<i32>} : memref<25608xi32, #tpu.memory_space<vmem>>, vector<16xi32>,
      %gt3A_555 = arith.constant 0 : i32
      %gt3A_556 = vector.broadcast %gt3A_555 : i32 to vector<16xi32>
      %gt3A_557 = arith.cmpi sgt, %get3A_554, %gt3A_556 : vector<16xi32>
      %all_reduce_population_count3A_558 = tpu.all_reduce %gt3A_557 {dim = 0 : i64, kind = #tpu.reduction_kind<sum>} : vector<16xi1> -> vector<16xi32>
      %add3A_559 = arith.addi %add3A_550, %all_reduce_population_count3A_558 : vector<16xi32>
      %add3A_560 = arith.constant 64 : i32
      %add3A_561 = arith.addi %mul3A_521, %add3A_560 : i32
      %get3A_562 = arith.index_cast %add3A_561 : i32 to index
      %get3A_563 = tpu.vector_load %arg5[%get3A_562] {strides = array<i32>} : memref<25608xi32, #tpu.memory_space<vmem>>, vector<16xi32>,
      %gt3A_564 = arith.constant 0 : i32
      %gt3A_565 = vector.broadcast %gt3A_564 : i32 to vector<16xi32>
      %gt3A_566 = arith.cmpi sgt, %get3A_563, %gt3A_565 : vector<16xi32>
      %all_reduce_population_count3A_567 = tpu.all_reduce %gt3A_566 {dim = 0 : i64, kind = #tpu.reduction_kind<sum>} : vector<16xi1> -> vector<16xi32>
      %add3A_568 = arith.addi %add3A_559, %all_reduce_population_count3A_567 : vector<16xi32>
      %add3A_569 = arith.constant 80 : i32
      %add3A_570 = arith.addi %mul3A_521, %add3A_569 : i32
      %get3A_571 = arith.index_cast %add3A_570 : i32 to index
      %get3A_572 = tpu.vector_load %arg5[%get3A_571] {strides = array<i32>} : memref<25608xi32, #tpu.memory_space<vmem>>, vector<16xi32>,
      %gt3A_573 = arith.constant 0 : i32
      %gt3A_574 = vector.broadcast %gt3A_573 : i32 to vector<16xi32>
      %gt3A_575 = arith.cmpi sgt, %get3A_572, %gt3A_574 : vector<16xi32>
      %all_reduce_population_count3A_576 = tpu.all_reduce %gt3A_575 {dim = 0 : i64, kind = #tpu.reduction_kind<sum>} : vector<16xi1> -> vector<16xi32>
      %add3A_577 = arith.addi %add3A_568, %all_reduce_population_count3A_576 : vector<16xi32>
      %add3A_578 = arith.constant 96 : i32
      %add3A_579 = arith.addi %mul3A_521, %add3A_578 : i32
      %get3A_580 = arith.index_cast %add3A_579 : i32 to index
      %get3A_581 = tpu.vector_load %arg5[%get3A_580] {strides = array<i32>} : memref<25608xi32, #tpu.memory_space<vmem>>, vector<16xi32>,
      %gt3A_582 = arith.constant 0 : i32
      %gt3A_583 = vector.broadcast %gt3A_582 : i32 to vector<16xi32>
      %gt3A_584 = arith.cmpi sgt, %get3A_581, %gt3A_583 : vector<16xi32>
      %all_reduce_population_count3A_585 = tpu.all_reduce %gt3A_584 {dim = 0 : i64, kind = #tpu.reduction_kind<sum>} : vector<16xi1> -> vector<16xi32>
      %add3A_586 = arith.addi %add3A_577, %all_reduce_population_count3A_585 : vector<16xi32>
      %add3A_587 = arith.constant 112 : i32
      %add3A_588 = arith.addi %mul3A_521, %add3A_587 : i32
      %get3A_589 = arith.index_cast %add3A_588 : i32 to index
      %get3A_590 = tpu.vector_load %arg5[%get3A_589] {strides = array<i32>} : memref<25608xi32, #tpu.memory_space<vmem>>, vector<16xi32>,
      %gt3A_591 = arith.constant 0 : i32
      %gt3A_592 = vector.broadcast %gt3A_591 : i32 to vector<16xi32>
      %gt3A_593 = arith.cmpi sgt, %get3A_590, %gt3A_592 : vector<16xi32>
      %all_reduce_population_count3A_594 = tpu.all_reduce %gt3A_593 {dim = 0 : i64, kind = #tpu.reduction_kind<sum>} : vector<16xi1> -> vector<16xi32>
      %add3A_595 = arith.addi %add3A_586, %all_reduce_population_count3A_594 : vector<16xi32>
      %add3A_596 = arith.constant 128 : i32
      %add3A_597 = arith.addi %mul3A_521, %add3A_596 : i32
      %get3A_598 = arith.index_cast %add3A_597 : i32 to index
      %get3A_599 = tpu.vector_load %arg5[%get3A_598] {strides = array<i32>} : memref<25608xi32, #tpu.memory_space<vmem>>, vector<16xi32>,
      %gt3A_600 = arith.constant 0 : i32
      %gt3A_601 = vector.broadcast %gt3A_600 : i32 to vector<16xi32>
      %gt3A_602 = arith.cmpi sgt, %get3A_599, %gt3A_601 : vector<16xi32>
      %all_reduce_population_count3A_603 = tpu.all_reduce %gt3A_602 {dim = 0 : i64, kind = #tpu.reduction_kind<sum>} : vector<16xi1> -> vector<16xi32>
      %add3A_604 = arith.addi %add3A_595, %all_reduce_population_count3A_603 : vector<16xi32>
      %add3A_605 = arith.constant 144 : i32
      %add3A_606 = arith.addi %mul3A_521, %add3A_605 : i32
      %get3A_607 = arith.index_cast %add3A_606 : i32 to index
      %get3A_608 = tpu.vector_load %arg5[%get3A_607] {strides = array<i32>} : memref<25608xi32, #tpu.memory_space<vmem>>, vector<16xi32>,
      %gt3A_609 = arith.constant 0 : i32
      %gt3A_610 = vector.broadcast %gt3A_609 : i32 to vector<16xi32>
      %gt3A_611 = arith.cmpi sgt, %get3A_608, %gt3A_610 : vector<16xi32>
      %all_reduce_population_count3A_612 = tpu.all_reduce %gt3A_611 {dim = 0 : i64, kind = #tpu.reduction_kind<sum>} : vector<16xi1> -> vector<16xi32>
      %add3A_613 = arith.addi %add3A_604, %all_reduce_population_count3A_612 : vector<16xi32>
      %add3A_614 = arith.constant 160 : i32
      %add3A_615 = arith.addi %mul3A_521, %add3A_614 : i32
      %get3A_616 = arith.index_cast %add3A_615 : i32 to index
      %get3A_617 = tpu.vector_load %arg5[%get3A_616] {strides = array<i32>} : memref<25608xi32, #tpu.memory_space<vmem>>, vector<16xi32>,
      %gt3A_618 = arith.constant 0 : i32
      %gt3A_619 = vector.broadcast %gt3A_618 : i32 to vector<16xi32>
      %gt3A_620 = arith.cmpi sgt, %get3A_617, %gt3A_619 : vector<16xi32>
      %all_reduce_population_count3A_621 = tpu.all_reduce %gt3A_620 {dim = 0 : i64, kind = #tpu.reduction_kind<sum>} : vector<16xi1> -> vector<16xi32>
      %add3A_622 = arith.addi %add3A_613, %all_reduce_population_count3A_621 : vector<16xi32>
      %add3A_623 = arith.constant 176 : i32
      %add3A_624 = arith.addi %mul3A_521, %add3A_623 : i32
      %get3A_625 = arith.index_cast %add3A_624 : i32 to index
      %get3A_626 = tpu.vector_load %arg5[%get3A_625] {strides = array<i32>} : memref<25608xi32, #tpu.memory_space<vmem>>, vector<16xi32>,
      %gt3A_627 = arith.constant 0 : i32
      %gt3A_628 = vector.broadcast %gt3A_627 : i32 to vector<16xi32>
      %gt3A_629 = arith.cmpi sgt, %get3A_626, %gt3A_628 : vector<16xi32>
      %all_reduce_population_count3A_630 = tpu.all_reduce %gt3A_629 {dim = 0 : i64, kind = #tpu.reduction_kind<sum>} : vector<16xi1> -> vector<16xi32>
      %add3A_631 = arith.addi %add3A_622, %all_reduce_population_count3A_630 : vector<16xi32>
      %add3A_632 = arith.constant 192 : i32
      %add3A_633 = arith.addi %mul3A_521, %add3A_632 : i32
      %get3A_634 = arith.index_cast %add3A_633 : i32 to index
      %get3A_635 = tpu.vector_load %arg5[%get3A_634] {strides = array<i32>} : memref<25608xi32, #tpu.memory_space<vmem>>, vector<16xi32>,
      %gt3A_636 = arith.constant 0 : i32
      %gt3A_637 = vector.broadcast %gt3A_636 : i32 to vector<16xi32>
      %gt3A_638 = arith.cmpi sgt, %get3A_635, %gt3A_637 : vector<16xi32>
      %lt3A_639 = arith.constant 8 : i32
      %lt3A_640 = vector.broadcast %lt3A_639 : i32 to vector<16xi32>
      %lt3A_641 = arith.cmpi slt, %iota3A, %lt3A_640 : vector<16xi32>
      %and3A_642 = arith.andi %gt3A_638, %lt3A_641 : vector<16xi1>
      %all_reduce_population_count3A_643 = tpu.all_reduce %and3A_642 {dim = 0 : i64, kind = #tpu.reduction_kind<sum>} : vector<16xi1> -> vector<16xi32>
      %add3A_644 = arith.addi %add3A_631, %all_reduce_population_count3A_643 : vector<16xi32>
      %convert_element_type3A_645 = arith.sitofp %add3A_644 : vector<16xi32> to vector<16xf32>
      %max3A_646 = arith.constant 1.000000e+00 : f32
      %max3A_647 = vector.broadcast %max3A_646 : f32 to vector<16xf32>
      %max3A_648 = arith.maximumf %convert_element_type3A_645, %max3A_647 : vector<16xf32>
      %div3A_649 = arith.constant 1.000000e+00 : f32
      %div3A_650 = vector.broadcast %div3A_649 : f32 to vector<16xf32>
      %div3A_651 = arith.divf %div3A_650, %max3A_648 : vector<16xf32>
      %broadcast_in_dim3A_652 = arith.constant 0.000000e+00 : f32
      %broadcast_in_dim3A_653 = vector.broadcast %broadcast_in_dim3A_652 : f32 to vector<16xf32>
      %broadcast_in_dim3A_654 = arith.constant 0.000000e+00 : f32
      %broadcast_in_dim3A_655 = vector.broadcast %broadcast_in_dim3A_654 : f32 to vector<16xf32>
      %scan3A_656 = arith.constant 2 : i32
      %scan3A_657 = arith.constant 0 : i32
      %scan3A_658 = arith.constant 200 : i32
      %scan3A_659 = arith.addi %scan3A_657, %scan3A_658 : i32
      %scan3A_660 = arith.constant 8 : i32
      %scan3A_661:2 = scf.for %scan3A_870 = %scan3A_657 to %scan3A_659 step %scan3A_660 iter_args(%scan3A_871 = %broadcast_in_dim3A_653, %scan3A_872 = %broadcast_in_dim3A_655) -> (vector<16xf32>, vector<16xf32>)  : i32 {
        %get3A_873 = arith.constant 0 : i32
        %get3A_874 = arith.constant 0 : i32
        %get3A_875 = tpu.memref_slice %arg6[%scan3A_656, %get3A_873, %get3A_874] : memref<4x200x16xf32, #tpu.memory_space<vmem>> -> memref<1x200x16xf32, #tpu.memory_space<vmem>>
        %get3A_876 = tpu.memref_squeeze %get3A_875 : memref<1x200x16xf32, #tpu.memory_space<vmem>> -> memref<200x16xf32, #tpu.memory_space<vmem>>
        %get3A_877 = arith.index_cast %scan3A_870 : i32 to index
        %get3A_878 = arith.constant 0 : index
        %get3A_879 = tpu.vector_load %get3A_876[%get3A_877, %get3A_878] {strides = array<i32>} : memref<200x16xf32, #tpu.memory_space<vmem>>, vector<16xf32>,
        %bitcast3A = vector.bitcast %get3A_879 : vector<16xf32> to vector<16xi32>
        %and3A_880 = arith.constant -65536 : i32
        %and3A_881 = vector.broadcast %and3A_880 : i32 to vector<16xi32>
        %and3A_882 = arith.andi %bitcast3A, %and3A_881 : vector<16xi32>
        %bitcast3A_883 = vector.bitcast %and3A_882 : vector<16xi32> to vector<16xf32>
        %add3A_884 = arith.addf %scan3A_871, %bitcast3A_883 : vector<16xf32>
        %shift_left3A = arith.constant 16 : i32
        %shift_left3A_885 = vector.broadcast %shift_left3A : i32 to vector<16xi32>
        %shift_left3A_886 = arith.shli %bitcast3A, %shift_left3A_885 : vector<16xi32>
        %bitcast3A_887 = vector.bitcast %shift_left3A_886 : vector<16xi32> to vector<16xf32>
        %add3A_888 = arith.addf %scan3A_872, %bitcast3A_887 : vector<16xf32>
        %scan3A_889 = arith.constant 1 : i32
        %scan3A_890 = arith.addi %scan3A_870, %scan3A_889 : i32
        %get3A_891 = arith.constant 0 : i32
        %get3A_892 = arith.constant 0 : i32
        %get3A_893 = tpu.memref_slice %arg6[%scan3A_656, %get3A_891, %get3A_892] : memref<4x200x16xf32, #tpu.memory_space<vmem>> -> memref<1x200x16xf32, #tpu.memory_space<vmem>>
        %get3A_894 = tpu.memref_squeeze %get3A_893 : memref<1x200x16xf32, #tpu.memory_space<vmem>> -> memref<200x16xf32, #tpu.memory_space<vmem>>
        %get3A_895 = arith.index_cast %scan3A_890 : i32 to index
        %get3A_896 = arith.constant 0 : index
        %get3A_897 = tpu.vector_load %get3A_894[%get3A_895, %get3A_896] {strides = array<i32>} : memref<200x16xf32, #tpu.memory_space<vmem>>, vector<16xf32>,
        %bitcast3A_898 = vector.bitcast %get3A_897 : vector<16xf32> to vector<16xi32>
        %and3A_899 = arith.constant -65536 : i32
        %and3A_900 = vector.broadcast %and3A_899 : i32 to vector<16xi32>
        %and3A_901 = arith.andi %bitcast3A_898, %and3A_900 : vector<16xi32>
        %bitcast3A_902 = vector.bitcast %and3A_901 : vector<16xi32> to vector<16xf32>
        %add3A_903 = arith.addf %add3A_884, %bitcast3A_902 : vector<16xf32>
        %shift_left3A_904 = arith.constant 16 : i32
        %shift_left3A_905 = vector.broadcast %shift_left3A_904 : i32 to vector<16xi32>
        %shift_left3A_906 = arith.shli %bitcast3A_898, %shift_left3A_905 : vector<16xi32>
        %bitcast3A_907 = vector.bitcast %shift_left3A_906 : vector<16xi32> to vector<16xf32>
        %add3A_908 = arith.addf %add3A_888, %bitcast3A_907 : vector<16xf32>
        %scan3A_909 = arith.constant 2 : i32
        %scan3A_910 = arith.addi %scan3A_870, %scan3A_909 : i32
        %get3A_911 = arith.constant 0 : i32
        %get3A_912 = arith.constant 0 : i32
        %get3A_913 = tpu.memref_slice %arg6[%scan3A_656, %get3A_911, %get3A_912] : memref<4x200x16xf32, #tpu.memory_space<vmem>> -> memref<1x200x16xf32, #tpu.memory_space<vmem>>
        %get3A_914 = tpu.memref_squeeze %get3A_913 : memref<1x200x16xf32, #tpu.memory_space<vmem>> -> memref<200x16xf32, #tpu.memory_space<vmem>>
        %get3A_915 = arith.index_cast %scan3A_910 : i32 to index
        %get3A_916 = arith.constant 0 : index
        %get3A_917 = tpu.vector_load %get3A_914[%get3A_915, %get3A_916] {strides = array<i32>} : memref<200x16xf32, #tpu.memory_space<vmem>>, vector<16xf32>,
        %bitcast3A_918 = vector.bitcast %get3A_917 : vector<16xf32> to vector<16xi32>
        %and3A_919 = arith.constant -65536 : i32
        %and3A_920 = vector.broadcast %and3A_919 : i32 to vector<16xi32>
        %and3A_921 = arith.andi %bitcast3A_918, %and3A_920 : vector<16xi32>
        %bitcast3A_922 = vector.bitcast %and3A_921 : vector<16xi32> to vector<16xf32>
        %add3A_923 = arith.addf %add3A_903, %bitcast3A_922 : vector<16xf32>
        %shift_left3A_924 = arith.constant 16 : i32
        %shift_left3A_925 = vector.broadcast %shift_left3A_924 : i32 to vector<16xi32>
        %shift_left3A_926 = arith.shli %bitcast3A_918, %shift_left3A_925 : vector<16xi32>
        %bitcast3A_927 = vector.bitcast %shift_left3A_926 : vector<16xi32> to vector<16xf32>
        %add3A_928 = arith.addf %add3A_908, %bitcast3A_927 : vector<16xf32>
        %scan3A_929 = arith.constant 3 : i32
        %scan3A_930 = arith.addi %scan3A_870, %scan3A_929 : i32
        %get3A_931 = arith.constant 0 : i32
        %get3A_932 = arith.constant 0 : i32
        %get3A_933 = tpu.memref_slice %arg6[%scan3A_656, %get3A_931, %get3A_932] : memref<4x200x16xf32, #tpu.memory_space<vmem>> -> memref<1x200x16xf32, #tpu.memory_space<vmem>>
        %get3A_934 = tpu.memref_squeeze %get3A_933 : memref<1x200x16xf32, #tpu.memory_space<vmem>> -> memref<200x16xf32, #tpu.memory_space<vmem>>
        %get3A_935 = arith.index_cast %scan3A_930 : i32 to index
        %get3A_936 = arith.constant 0 : index
        %get3A_937 = tpu.vector_load %get3A_934[%get3A_935, %get3A_936] {strides = array<i32>} : memref<200x16xf32, #tpu.memory_space<vmem>>, vector<16xf32>,
        %bitcast3A_938 = vector.bitcast %get3A_937 : vector<16xf32> to vector<16xi32>
        %and3A_939 = arith.constant -65536 : i32
        %and3A_940 = vector.broadcast %and3A_939 : i32 to vector<16xi32>
        %and3A_941 = arith.andi %bitcast3A_938, %and3A_940 : vector<16xi32>
        %bitcast3A_942 = vector.bitcast %and3A_941 : vector<16xi32> to vector<16xf32>
        %add3A_943 = arith.addf %add3A_923, %bitcast3A_942 : vector<16xf32>
        %shift_left3A_944 = arith.constant 16 : i32
        %shift_left3A_945 = vector.broadcast %shift_left3A_944 : i32 to vector<16xi32>
        %shift_left3A_946 = arith.shli %bitcast3A_938, %shift_left3A_945 : vector<16xi32>
        %bitcast3A_947 = vector.bitcast %shift_left3A_946 : vector<16xi32> to vector<16xf32>
        %add3A_948 = arith.addf %add3A_928, %bitcast3A_947 : vector<16xf32>
        %scan3A_949 = arith.constant 4 : i32
        %scan3A_950 = arith.addi %scan3A_870, %scan3A_949 : i32
        %get3A_951 = arith.constant 0 : i32
        %get3A_952 = arith.constant 0 : i32
        %get3A_953 = tpu.memref_slice %arg6[%scan3A_656, %get3A_951, %get3A_952] : memref<4x200x16xf32, #tpu.memory_space<vmem>> -> memref<1x200x16xf32, #tpu.memory_space<vmem>>
        %get3A_954 = tpu.memref_squeeze %get3A_953 : memref<1x200x16xf32, #tpu.memory_space<vmem>> -> memref<200x16xf32, #tpu.memory_space<vmem>>
        %get3A_955 = arith.index_cast %scan3A_950 : i32 to index
        %get3A_956 = arith.constant 0 : index
        %get3A_957 = tpu.vector_load %get3A_954[%get3A_955, %get3A_956] {strides = array<i32>} : memref<200x16xf32, #tpu.memory_space<vmem>>, vector<16xf32>,
        %bitcast3A_958 = vector.bitcast %get3A_957 : vector<16xf32> to vector<16xi32>
        %and3A_959 = arith.constant -65536 : i32
        %and3A_960 = vector.broadcast %and3A_959 : i32 to vector<16xi32>
        %and3A_961 = arith.andi %bitcast3A_958, %and3A_960 : vector<16xi32>
        %bitcast3A_962 = vector.bitcast %and3A_961 : vector<16xi32> to vector<16xf32>
        %add3A_963 = arith.addf %add3A_943, %bitcast3A_962 : vector<16xf32>
        %shift_left3A_964 = arith.constant 16 : i32
        %shift_left3A_965 = vector.broadcast %shift_left3A_964 : i32 to vector<16xi32>
        %shift_left3A_966 = arith.shli %bitcast3A_958, %shift_left3A_965 : vector<16xi32>
        %bitcast3A_967 = vector.bitcast %shift_left3A_966 : vector<16xi32> to vector<16xf32>
        %add3A_968 = arith.addf %add3A_948, %bitcast3A_967 : vector<16xf32>
        %scan3A_969 = arith.constant 5 : i32
        %scan3A_970 = arith.addi %scan3A_870, %scan3A_969 : i32
        %get3A_971 = arith.constant 0 : i32
        %get3A_972 = arith.constant 0 : i32
        %get3A_973 = tpu.memref_slice %arg6[%scan3A_656, %get3A_971, %get3A_972] : memref<4x200x16xf32, #tpu.memory_space<vmem>> -> memref<1x200x16xf32, #tpu.memory_space<vmem>>
        %get3A_974 = tpu.memref_squeeze %get3A_973 : memref<1x200x16xf32, #tpu.memory_space<vmem>> -> memref<200x16xf32, #tpu.memory_space<vmem>>
        %get3A_975 = arith.index_cast %scan3A_970 : i32 to index
        %get3A_976 = arith.constant 0 : index
        %get3A_977 = tpu.vector_load %get3A_974[%get3A_975, %get3A_976] {strides = array<i32>} : memref<200x16xf32, #tpu.memory_space<vmem>>, vector<16xf32>,
        %bitcast3A_978 = vector.bitcast %get3A_977 : vector<16xf32> to vector<16xi32>
        %and3A_979 = arith.constant -65536 : i32
        %and3A_980 = vector.broadcast %and3A_979 : i32 to vector<16xi32>
        %and3A_981 = arith.andi %bitcast3A_978, %and3A_980 : vector<16xi32>
        %bitcast3A_982 = vector.bitcast %and3A_981 : vector<16xi32> to vector<16xf32>
        %add3A_983 = arith.addf %add3A_963, %bitcast3A_982 : vector<16xf32>
        %shift_left3A_984 = arith.constant 16 : i32
        %shift_left3A_985 = vector.broadcast %shift_left3A_984 : i32 to vector<16xi32>
        %shift_left3A_986 = arith.shli %bitcast3A_978, %shift_left3A_985 : vector<16xi32>
        %bitcast3A_987 = vector.bitcast %shift_left3A_986 : vector<16xi32> to vector<16xf32>
        %add3A_988 = arith.addf %add3A_968, %bitcast3A_987 : vector<16xf32>
        %scan3A_989 = arith.constant 6 : i32
        %scan3A_990 = arith.addi %scan3A_870, %scan3A_989 : i32
        %get3A_991 = arith.constant 0 : i32
        %get3A_992 = arith.constant 0 : i32
        %get3A_993 = tpu.memref_slice %arg6[%scan3A_656, %get3A_991, %get3A_992] : memref<4x200x16xf32, #tpu.memory_space<vmem>> -> memref<1x200x16xf32, #tpu.memory_space<vmem>>
        %get3A_994 = tpu.memref_squeeze %get3A_993 : memref<1x200x16xf32, #tpu.memory_space<vmem>> -> memref<200x16xf32, #tpu.memory_space<vmem>>
        %get3A_995 = arith.index_cast %scan3A_990 : i32 to index
        %get3A_996 = arith.constant 0 : index
        %get3A_997 = tpu.vector_load %get3A_994[%get3A_995, %get3A_996] {strides = array<i32>} : memref<200x16xf32, #tpu.memory_space<vmem>>, vector<16xf32>,
        %bitcast3A_998 = vector.bitcast %get3A_997 : vector<16xf32> to vector<16xi32>
        %and3A_999 = arith.constant -65536 : i32
        %and3A_1000 = vector.broadcast %and3A_999 : i32 to vector<16xi32>
        %and3A_1001 = arith.andi %bitcast3A_998, %and3A_1000 : vector<16xi32>
        %bitcast3A_1002 = vector.bitcast %and3A_1001 : vector<16xi32> to vector<16xf32>
        %add3A_1003 = arith.addf %add3A_983, %bitcast3A_1002 : vector<16xf32>
        %shift_left3A_1004 = arith.constant 16 : i32
        %shift_left3A_1005 = vector.broadcast %shift_left3A_1004 : i32 to vector<16xi32>
        %shift_left3A_1006 = arith.shli %bitcast3A_998, %shift_left3A_1005 : vector<16xi32>
        %bitcast3A_1007 = vector.bitcast %shift_left3A_1006 : vector<16xi32> to vector<16xf32>
        %add3A_1008 = arith.addf %add3A_988, %bitcast3A_1007 : vector<16xf32>
        %scan3A_1009 = arith.constant 7 : i32
        %scan3A_1010 = arith.addi %scan3A_870, %scan3A_1009 : i32
        %get3A_1011 = arith.constant 0 : i32
        %get3A_1012 = arith.constant 0 : i32
        %get3A_1013 = tpu.memref_slice %arg6[%scan3A_656, %get3A_1011, %get3A_1012] : memref<4x200x16xf32, #tpu.memory_space<vmem>> -> memref<1x200x16xf32, #tpu.memory_space<vmem>>
        %get3A_1014 = tpu.memref_squeeze %get3A_1013 : memref<1x200x16xf32, #tpu.memory_space<vmem>> -> memref<200x16xf32, #tpu.memory_space<vmem>>
        %get3A_1015 = arith.index_cast %scan3A_1010 : i32 to index
        %get3A_1016 = arith.constant 0 : index
        %get3A_1017 = tpu.vector_load %get3A_1014[%get3A_1015, %get3A_1016] {strides = array<i32>} : memref<200x16xf32, #tpu.memory_space<vmem>>, vector<16xf32>,
        %bitcast3A_1018 = vector.bitcast %get3A_1017 : vector<16xf32> to vector<16xi32>
        %and3A_1019 = arith.constant -65536 : i32
        %and3A_1020 = vector.broadcast %and3A_1019 : i32 to vector<16xi32>
        %and3A_1021 = arith.andi %bitcast3A_1018, %and3A_1020 : vector<16xi32>
        %bitcast3A_1022 = vector.bitcast %and3A_1021 : vector<16xi32> to vector<16xf32>
        %add3A_1023 = arith.addf %add3A_1003, %bitcast3A_1022 : vector<16xf32>
        %shift_left3A_1024 = arith.constant 16 : i32
        %shift_left3A_1025 = vector.broadcast %shift_left3A_1024 : i32 to vector<16xi32>
        %shift_left3A_1026 = arith.shli %bitcast3A_1018, %shift_left3A_1025 : vector<16xi32>
        %bitcast3A_1027 = vector.bitcast %shift_left3A_1026 : vector<16xi32> to vector<16xf32>
        %add3A_1028 = arith.addf %add3A_1008, %bitcast3A_1027 : vector<16xf32>
        scf.yield %add3A_1023, %add3A_1028 : vector<16xf32>, vector<16xf32>
      }
      %scan3A_662 = arith.constant 200 : i32
      %mul3A_663 = arith.mulf %scan3A_661#0, %div3A_651 : vector<16xf32>
      %swap3A_664 = arith.index_cast %add3A_491 : i32 to index
      %swap3A_665 = arith.constant 0 : index
      %swap3A_666 = tpu.vector_load %arg7[%swap3A_664, %swap3A_665] {strides = array<i32>} : memref<128x32xf32, #tpu.memory_space<vmem>>, vector<16xf32>,
      tpu.vector_store %arg7[%swap3A_664, %swap3A_665], %mul3A_663 {strides = array<i32>} : memref<128x32xf32, #tpu.memory_space<vmem>>, vector<16xf32>,
      %mul3A_667 = arith.mulf %scan3A_661#1, %div3A_651 : vector<16xf32>
      %swap3A_668 = arith.index_cast %add3A_491 : i32 to index
      %swap3A_669 = arith.constant 16 : index
      %swap3A_670 = tpu.vector_load %arg7[%swap3A_668, %swap3A_669] {strides = array<i32>} : memref<128x32xf32, #tpu.memory_space<vmem>>, vector<16xf32>,
      tpu.vector_store %arg7[%swap3A_668, %swap3A_669], %mul3A_667 {strides = array<i32>} : memref<128x32xf32, #tpu.memory_space<vmem>>, vector<16xf32>,
      %add3A_671 = arith.constant 2 : i32
      %add3A_672 = arith.addi %mul3A_121, %add3A_671 : i32
      %add3A_673 = arith.constant 4 : i32
      %add3A_674 = arith.addi %add3A_672, %add3A_673 : i32
      %lt3A_675 = arith.constant 128 : i32
      %lt3A_676 = arith.cmpi slt, %add3A_674, %lt3A_675 : i32
      %convert_element_type3A_677 = arith.extui %lt3A_676 : i1 to i32
      %cond3A_678 = arith.constant 0 : i32
      %cond3A_679 = arith.cmpi ne, %convert_element_type3A_677, %cond3A_678 : i32
      scf.if %cond3A_679 {
        %add3A_870 = arith.constant 2 : i32
        %add3A_871 = arith.addi %mul3A_121, %add3A_870 : i32
        %add3A_872 = arith.constant 4 : i32
        %add3A_873 = arith.addi %add3A_871, %add3A_872 : i32
        %mul3A_874 = arith.constant 200 : i32
        %mul3A_875 = arith.muli %add3A_873, %mul3A_874 : i32
        %add3A_876 = arith.constant 128 : i32
        %add3A_877 = arith.addi %mul3A_875, %add3A_876 : i32
        %dma_start3A_878 = arith.constant 2 : i32
        %dma_start3A_879 = arith.constant 0 : i32
        %dma_start3A_880 = arith.constant 0 : i32
        %dma_start3A_881 = tpu.memref_slice %arg6[%dma_start3A_878, %dma_start3A_879, %dma_start3A_880] : memref<4x200x16xf32, #tpu.memory_space<vmem>> -> memref<1x200x16xf32, #tpu.memory_space<vmem>>
        %dma_start3A_882 = tpu.memref_squeeze %dma_start3A_881 : memref<1x200x16xf32, #tpu.memory_space<vmem>> -> memref<200x16xf32, #tpu.memory_space<vmem>>
        %dma_start3A_883 = arith.constant 0 : i32
        %dma_start3A_884 = arith.constant 0 : i32
        %dma_start3A_885 = tpu.memref_slice %dma_start3A_882[%dma_start3A_883, %dma_start3A_884] : memref<200x16xf32, #tpu.memory_space<vmem>> -> memref<128x16xf32, #tpu.memory_space<vmem>>
        %dma_start3A_886 = tpu.memref_slice %arg5[%mul3A_875] : memref<25608xi32, #tpu.memory_space<vmem>> -> memref<128xi32, #tpu.memory_space<vmem>>
        %dma_start3A_887 = arith.constant 0 : i32
        %dma_start3A_888 = arith.constant 0 : i32
        %dma_start3A_889 = tpu.memref_slice %arg3[%dma_start3A_887, %dma_start3A_888] : memref<1015808x16xf32, #tpu.memory_space<hbm>> -> memref<1015808x16xf32, #tpu.memory_space<hbm>>
        tpu.enqueue_indirect_dma source(%dma_start3A_889 : memref<1015808x16xf32, #tpu.memory_space<hbm>>) target(%dma_start3A_885 : memref<128x16xf32, #tpu.memory_space<vmem>>) offsets(%dma_start3A_886 : memref<128xi32, #tpu.memory_space<vmem>>) semaphore(%arg10 : memref<!tpu.dma_semaphore, #tpu.memory_space<semaphore_mem>>)
        %dma_start3A_890 = arith.constant 2 : i32
        %dma_start3A_891 = arith.constant 0 : i32
        %dma_start3A_892 = arith.constant 0 : i32
        %dma_start3A_893 = tpu.memref_slice %arg6[%dma_start3A_890, %dma_start3A_891, %dma_start3A_892] : memref<4x200x16xf32, #tpu.memory_space<vmem>> -> memref<1x200x16xf32, #tpu.memory_space<vmem>>
        %dma_start3A_894 = tpu.memref_squeeze %dma_start3A_893 : memref<1x200x16xf32, #tpu.memory_space<vmem>> -> memref<200x16xf32, #tpu.memory_space<vmem>>
        %dma_start3A_895 = arith.constant 128 : i32
        %dma_start3A_896 = arith.constant 0 : i32
        %dma_start3A_897 = tpu.memref_slice %dma_start3A_894[%dma_start3A_895, %dma_start3A_896] : memref<200x16xf32, #tpu.memory_space<vmem>> -> memref<72x16xf32, #tpu.memory_space<vmem>>
        %dma_start3A_898 = tpu.memref_slice %arg5[%add3A_877] : memref<25608xi32, #tpu.memory_space<vmem>> -> memref<72xi32, #tpu.memory_space<vmem>>
        %dma_start3A_899 = arith.constant 0 : i32
        %dma_start3A_900 = arith.constant 0 : i32
        %dma_start3A_901 = tpu.memref_slice %arg3[%dma_start3A_899, %dma_start3A_900] : memref<1015808x16xf32, #tpu.memory_space<hbm>> -> memref<1015808x16xf32, #tpu.memory_space<hbm>>
        tpu.enqueue_indirect_dma source(%dma_start3A_901 : memref<1015808x16xf32, #tpu.memory_space<hbm>>) target(%dma_start3A_897 : memref<72x16xf32, #tpu.memory_space<vmem>>) offsets(%dma_start3A_898 : memref<72xi32, #tpu.memory_space<vmem>>) semaphore(%arg10 : memref<!tpu.dma_semaphore, #tpu.memory_space<semaphore_mem>>)
      } else {
      }
      %add3A_680 = arith.constant 3 : i32
      %add3A_681 = arith.addi %mul3A_121, %add3A_680 : i32
      %mul3A_682 = arith.constant 200 : i32
      %mul3A_683 = arith.muli %add3A_681, %mul3A_682 : i32
      %add3A_684 = arith.constant 128 : i32
      %add3A_685 = arith.addi %mul3A_683, %add3A_684 : i32
      %dma_wait3A_686 = arith.constant 3 : i32
      %dma_wait3A_687 = arith.constant 0 : i32
      %dma_wait3A_688 = arith.constant 0 : i32
      %dma_wait3A_689 = tpu.memref_slice %arg6[%dma_wait3A_686, %dma_wait3A_687, %dma_wait3A_688] : memref<4x200x16xf32, #tpu.memory_space<vmem>> -> memref<1x200x16xf32, #tpu.memory_space<vmem>>
      %dma_wait3A_690 = tpu.memref_squeeze %dma_wait3A_689 : memref<1x200x16xf32, #tpu.memory_space<vmem>> -> memref<200x16xf32, #tpu.memory_space<vmem>>
      %dma_wait3A_691 = arith.constant 0 : i32
      %dma_wait3A_692 = arith.constant 0 : i32
      %dma_wait3A_693 = tpu.memref_slice %dma_wait3A_690[%dma_wait3A_691, %dma_wait3A_692] : memref<200x16xf32, #tpu.memory_space<vmem>> -> memref<128x16xf32, #tpu.memory_space<vmem>>
      %dma_wait3A_694 = tpu.memref_slice %arg5[%mul3A_683] : memref<25608xi32, #tpu.memory_space<vmem>> -> memref<128xi32, #tpu.memory_space<vmem>>
      %dma_wait3A_695 = arith.constant 0 : i32
      %dma_wait3A_696 = arith.constant 0 : i32
      %dma_wait3A_697 = tpu.memref_slice %arg3[%dma_wait3A_695, %dma_wait3A_696] : memref<1015808x16xf32, #tpu.memory_space<hbm>> -> memref<1015808x16xf32, #tpu.memory_space<hbm>>
      tpu.wait_indirect_dma semaphore(%arg11 : memref<!tpu.dma_semaphore, #tpu.memory_space<semaphore_mem>>) src(%dma_wait3A_697 : memref<1015808x16xf32, #tpu.memory_space<hbm>>) dst(%dma_wait3A_693 : memref<128x16xf32, #tpu.memory_space<vmem>>)
      %dma_wait3A_698 = arith.constant 3 : i32
      %dma_wait3A_699 = arith.constant 0 : i32
      %dma_wait3A_700 = arith.constant 0 : i32
      %dma_wait3A_701 = tpu.memref_slice %arg6[%dma_wait3A_698, %dma_wait3A_699, %dma_wait3A_700] : memref<4x200x16xf32, #tpu.memory_space<vmem>> -> memref<1x200x16xf32, #tpu.memory_space<vmem>>
      %dma_wait3A_702 = tpu.memref_squeeze %dma_wait3A_701 : memref<1x200x16xf32, #tpu.memory_space<vmem>> -> memref<200x16xf32, #tpu.memory_space<vmem>>
      %dma_wait3A_703 = arith.constant 128 : i32
      %dma_wait3A_704 = arith.constant 0 : i32
      %dma_wait3A_705 = tpu.memref_slice %dma_wait3A_702[%dma_wait3A_703, %dma_wait3A_704] : memref<200x16xf32, #tpu.memory_space<vmem>> -> memref<72x16xf32, #tpu.memory_space<vmem>>
      %dma_wait3A_706 = tpu.memref_slice %arg5[%add3A_685] : memref<25608xi32, #tpu.memory_space<vmem>> -> memref<72xi32, #tpu.memory_space<vmem>>
      %dma_wait3A_707 = arith.constant 0 : i32
      %dma_wait3A_708 = arith.constant 0 : i32
      %dma_wait3A_709 = tpu.memref_slice %arg3[%dma_wait3A_707, %dma_wait3A_708] : memref<1015808x16xf32, #tpu.memory_space<hbm>> -> memref<1015808x16xf32, #tpu.memory_space<hbm>>
      tpu.wait_indirect_dma semaphore(%arg11 : memref<!tpu.dma_semaphore, #tpu.memory_space<semaphore_mem>>) src(%dma_wait3A_709 : memref<1015808x16xf32, #tpu.memory_space<hbm>>) dst(%dma_wait3A_705 : memref<72x16xf32, #tpu.memory_space<vmem>>)
      %mul3A_710 = arith.constant 200 : i32
      %mul3A_711 = arith.muli %add3A_681, %mul3A_710 : i32
      %broadcast_in_dim3A_712 = arith.constant 0 : i32
      %broadcast_in_dim3A_713 = vector.broadcast %broadcast_in_dim3A_712 : i32 to vector<16xi32>
      %add3A_714 = arith.constant 0 : i32
      %add3A_715 = arith.addi %mul3A_711, %add3A_714 : i32
      %get3A_716 = arith.index_cast %add3A_715 : i32 to index
      %get3A_717 = tpu.vector_load %arg5[%get3A_716] {strides = array<i32>} : memref<25608xi32, #tpu.memory_space<vmem>>, vector<16xi32>,
      %gt3A_718 = arith.constant 0 : i32
      %gt3A_719 = vector.broadcast %gt3A_718 : i32 to vector<16xi32>
      %gt3A_720 = arith.cmpi sgt, %get3A_717, %gt3A_719 : vector<16xi32>
      %all_reduce_population_count3A_721 = tpu.all_reduce %gt3A_720 {dim = 0 : i64, kind = #tpu.reduction_kind<sum>} : vector<16xi1> -> vector<16xi32>
      %add3A_722 = arith.addi %broadcast_in_dim3A_713, %all_reduce_population_count3A_721 : vector<16xi32>
      %add3A_723 = arith.constant 16 : i32
      %add3A_724 = arith.addi %mul3A_711, %add3A_723 : i32
      %get3A_725 = arith.index_cast %add3A_724 : i32 to index
      %get3A_726 = tpu.vector_load %arg5[%get3A_725] {strides = array<i32>} : memref<25608xi32, #tpu.memory_space<vmem>>, vector<16xi32>,
      %gt3A_727 = arith.constant 0 : i32
      %gt3A_728 = vector.broadcast %gt3A_727 : i32 to vector<16xi32>
      %gt3A_729 = arith.cmpi sgt, %get3A_726, %gt3A_728 : vector<16xi32>
      %all_reduce_population_count3A_730 = tpu.all_reduce %gt3A_729 {dim = 0 : i64, kind = #tpu.reduction_kind<sum>} : vector<16xi1> -> vector<16xi32>
      %add3A_731 = arith.addi %add3A_722, %all_reduce_population_count3A_730 : vector<16xi32>
      %add3A_732 = arith.constant 32 : i32
      %add3A_733 = arith.addi %mul3A_711, %add3A_732 : i32
      %get3A_734 = arith.index_cast %add3A_733 : i32 to index
      %get3A_735 = tpu.vector_load %arg5[%get3A_734] {strides = array<i32>} : memref<25608xi32, #tpu.memory_space<vmem>>, vector<16xi32>,
      %gt3A_736 = arith.constant 0 : i32
      %gt3A_737 = vector.broadcast %gt3A_736 : i32 to vector<16xi32>
      %gt3A_738 = arith.cmpi sgt, %get3A_735, %gt3A_737 : vector<16xi32>
      %all_reduce_population_count3A_739 = tpu.all_reduce %gt3A_738 {dim = 0 : i64, kind = #tpu.reduction_kind<sum>} : vector<16xi1> -> vector<16xi32>
      %add3A_740 = arith.addi %add3A_731, %all_reduce_population_count3A_739 : vector<16xi32>
      %add3A_741 = arith.constant 48 : i32
      %add3A_742 = arith.addi %mul3A_711, %add3A_741 : i32
      %get3A_743 = arith.index_cast %add3A_742 : i32 to index
      %get3A_744 = tpu.vector_load %arg5[%get3A_743] {strides = array<i32>} : memref<25608xi32, #tpu.memory_space<vmem>>, vector<16xi32>,
      %gt3A_745 = arith.constant 0 : i32
      %gt3A_746 = vector.broadcast %gt3A_745 : i32 to vector<16xi32>
      %gt3A_747 = arith.cmpi sgt, %get3A_744, %gt3A_746 : vector<16xi32>
      %all_reduce_population_count3A_748 = tpu.all_reduce %gt3A_747 {dim = 0 : i64, kind = #tpu.reduction_kind<sum>} : vector<16xi1> -> vector<16xi32>
      %add3A_749 = arith.addi %add3A_740, %all_reduce_population_count3A_748 : vector<16xi32>
      %add3A_750 = arith.constant 64 : i32
      %add3A_751 = arith.addi %mul3A_711, %add3A_750 : i32
      %get3A_752 = arith.index_cast %add3A_751 : i32 to index
      %get3A_753 = tpu.vector_load %arg5[%get3A_752] {strides = array<i32>} : memref<25608xi32, #tpu.memory_space<vmem>>, vector<16xi32>,
      %gt3A_754 = arith.constant 0 : i32
      %gt3A_755 = vector.broadcast %gt3A_754 : i32 to vector<16xi32>
      %gt3A_756 = arith.cmpi sgt, %get3A_753, %gt3A_755 : vector<16xi32>
      %all_reduce_population_count3A_757 = tpu.all_reduce %gt3A_756 {dim = 0 : i64, kind = #tpu.reduction_kind<sum>} : vector<16xi1> -> vector<16xi32>
      %add3A_758 = arith.addi %add3A_749, %all_reduce_population_count3A_757 : vector<16xi32>
      %add3A_759 = arith.constant 80 : i32
      %add3A_760 = arith.addi %mul3A_711, %add3A_759 : i32
      %get3A_761 = arith.index_cast %add3A_760 : i32 to index
      %get3A_762 = tpu.vector_load %arg5[%get3A_761] {strides = array<i32>} : memref<25608xi32, #tpu.memory_space<vmem>>, vector<16xi32>,
      %gt3A_763 = arith.constant 0 : i32
      %gt3A_764 = vector.broadcast %gt3A_763 : i32 to vector<16xi32>
      %gt3A_765 = arith.cmpi sgt, %get3A_762, %gt3A_764 : vector<16xi32>
      %all_reduce_population_count3A_766 = tpu.all_reduce %gt3A_765 {dim = 0 : i64, kind = #tpu.reduction_kind<sum>} : vector<16xi1> -> vector<16xi32>
      %add3A_767 = arith.addi %add3A_758, %all_reduce_population_count3A_766 : vector<16xi32>
      %add3A_768 = arith.constant 96 : i32
      %add3A_769 = arith.addi %mul3A_711, %add3A_768 : i32
      %get3A_770 = arith.index_cast %add3A_769 : i32 to index
      %get3A_771 = tpu.vector_load %arg5[%get3A_770] {strides = array<i32>} : memref<25608xi32, #tpu.memory_space<vmem>>, vector<16xi32>,
      %gt3A_772 = arith.constant 0 : i32
      %gt3A_773 = vector.broadcast %gt3A_772 : i32 to vector<16xi32>
      %gt3A_774 = arith.cmpi sgt, %get3A_771, %gt3A_773 : vector<16xi32>
      %all_reduce_population_count3A_775 = tpu.all_reduce %gt3A_774 {dim = 0 : i64, kind = #tpu.reduction_kind<sum>} : vector<16xi1> -> vector<16xi32>
      %add3A_776 = arith.addi %add3A_767, %all_reduce_population_count3A_775 : vector<16xi32>
      %add3A_777 = arith.constant 112 : i32
      %add3A_778 = arith.addi %mul3A_711, %add3A_777 : i32
      %get3A_779 = arith.index_cast %add3A_778 : i32 to index
      %get3A_780 = tpu.vector_load %arg5[%get3A_779] {strides = array<i32>} : memref<25608xi32, #tpu.memory_space<vmem>>, vector<16xi32>,
      %gt3A_781 = arith.constant 0 : i32
      %gt3A_782 = vector.broadcast %gt3A_781 : i32 to vector<16xi32>
      %gt3A_783 = arith.cmpi sgt, %get3A_780, %gt3A_782 : vector<16xi32>
      %all_reduce_population_count3A_784 = tpu.all_reduce %gt3A_783 {dim = 0 : i64, kind = #tpu.reduction_kind<sum>} : vector<16xi1> -> vector<16xi32>
      %add3A_785 = arith.addi %add3A_776, %all_reduce_population_count3A_784 : vector<16xi32>
      %add3A_786 = arith.constant 128 : i32
      %add3A_787 = arith.addi %mul3A_711, %add3A_786 : i32
      %get3A_788 = arith.index_cast %add3A_787 : i32 to index
      %get3A_789 = tpu.vector_load %arg5[%get3A_788] {strides = array<i32>} : memref<25608xi32, #tpu.memory_space<vmem>>, vector<16xi32>,
      %gt3A_790 = arith.constant 0 : i32
      %gt3A_791 = vector.broadcast %gt3A_790 : i32 to vector<16xi32>
      %gt3A_792 = arith.cmpi sgt, %get3A_789, %gt3A_791 : vector<16xi32>
      %all_reduce_population_count3A_793 = tpu.all_reduce %gt3A_792 {dim = 0 : i64, kind = #tpu.reduction_kind<sum>} : vector<16xi1> -> vector<16xi32>
      %add3A_794 = arith.addi %add3A_785, %all_reduce_population_count3A_793 : vector<16xi32>
      %add3A_795 = arith.constant 144 : i32
      %add3A_796 = arith.addi %mul3A_711, %add3A_795 : i32
      %get3A_797 = arith.index_cast %add3A_796 : i32 to index
      %get3A_798 = tpu.vector_load %arg5[%get3A_797] {strides = array<i32>} : memref<25608xi32, #tpu.memory_space<vmem>>, vector<16xi32>,
      %gt3A_799 = arith.constant 0 : i32
      %gt3A_800 = vector.broadcast %gt3A_799 : i32 to vector<16xi32>
      %gt3A_801 = arith.cmpi sgt, %get3A_798, %gt3A_800 : vector<16xi32>
      %all_reduce_population_count3A_802 = tpu.all_reduce %gt3A_801 {dim = 0 : i64, kind = #tpu.reduction_kind<sum>} : vector<16xi1> -> vector<16xi32>
      %add3A_803 = arith.addi %add3A_794, %all_reduce_population_count3A_802 : vector<16xi32>
      %add3A_804 = arith.constant 160 : i32
      %add3A_805 = arith.addi %mul3A_711, %add3A_804 : i32
      %get3A_806 = arith.index_cast %add3A_805 : i32 to index
      %get3A_807 = tpu.vector_load %arg5[%get3A_806] {strides = array<i32>} : memref<25608xi32, #tpu.memory_space<vmem>>, vector<16xi32>,
      %gt3A_808 = arith.constant 0 : i32
      %gt3A_809 = vector.broadcast %gt3A_808 : i32 to vector<16xi32>
      %gt3A_810 = arith.cmpi sgt, %get3A_807, %gt3A_809 : vector<16xi32>
      %all_reduce_population_count3A_811 = tpu.all_reduce %gt3A_810 {dim = 0 : i64, kind = #tpu.reduction_kind<sum>} : vector<16xi1> -> vector<16xi32>
      %add3A_812 = arith.addi %add3A_803, %all_reduce_population_count3A_811 : vector<16xi32>
      %add3A_813 = arith.constant 176 : i32
      %add3A_814 = arith.addi %mul3A_711, %add3A_813 : i32
      %get3A_815 = arith.index_cast %add3A_814 : i32 to index
      %get3A_816 = tpu.vector_load %arg5[%get3A_815] {strides = array<i32>} : memref<25608xi32, #tpu.memory_space<vmem>>, vector<16xi32>,
      %gt3A_817 = arith.constant 0 : i32
      %gt3A_818 = vector.broadcast %gt3A_817 : i32 to vector<16xi32>
      %gt3A_819 = arith.cmpi sgt, %get3A_816, %gt3A_818 : vector<16xi32>
      %all_reduce_population_count3A_820 = tpu.all_reduce %gt3A_819 {dim = 0 : i64, kind = #tpu.reduction_kind<sum>} : vector<16xi1> -> vector<16xi32>
      %add3A_821 = arith.addi %add3A_812, %all_reduce_population_count3A_820 : vector<16xi32>
      %add3A_822 = arith.constant 192 : i32
      %add3A_823 = arith.addi %mul3A_711, %add3A_822 : i32
      %get3A_824 = arith.index_cast %add3A_823 : i32 to index
      %get3A_825 = tpu.vector_load %arg5[%get3A_824] {strides = array<i32>} : memref<25608xi32, #tpu.memory_space<vmem>>, vector<16xi32>,
      %gt3A_826 = arith.constant 0 : i32
      %gt3A_827 = vector.broadcast %gt3A_826 : i32 to vector<16xi32>
      %gt3A_828 = arith.cmpi sgt, %get3A_825, %gt3A_827 : vector<16xi32>
      %lt3A_829 = arith.constant 8 : i32
      %lt3A_830 = vector.broadcast %lt3A_829 : i32 to vector<16xi32>
      %lt3A_831 = arith.cmpi slt, %iota3A, %lt3A_830 : vector<16xi32>
      %and3A_832 = arith.andi %gt3A_828, %lt3A_831 : vector<16xi1>
      %all_reduce_population_count3A_833 = tpu.all_reduce %and3A_832 {dim = 0 : i64, kind = #tpu.reduction_kind<sum>} : vector<16xi1> -> vector<16xi32>
      %add3A_834 = arith.addi %add3A_821, %all_reduce_population_count3A_833 : vector<16xi32>
      %convert_element_type3A_835 = arith.sitofp %add3A_834 : vector<16xi32> to vector<16xf32>
      %max3A_836 = arith.constant 1.000000e+00 : f32
      %max3A_837 = vector.broadcast %max3A_836 : f32 to vector<16xf32>
      %max3A_838 = arith.maximumf %convert_element_type3A_835, %max3A_837 : vector<16xf32>
      %div3A_839 = arith.constant 1.000000e+00 : f32
      %div3A_840 = vector.broadcast %div3A_839 : f32 to vector<16xf32>
      %div3A_841 = arith.divf %div3A_840, %max3A_838 : vector<16xf32>
      %broadcast_in_dim3A_842 = arith.constant 0.000000e+00 : f32
      %broadcast_in_dim3A_843 = vector.broadcast %broadcast_in_dim3A_842 : f32 to vector<16xf32>
      %broadcast_in_dim3A_844 = arith.constant 0.000000e+00 : f32
      %broadcast_in_dim3A_845 = vector.broadcast %broadcast_in_dim3A_844 : f32 to vector<16xf32>
      %scan3A_846 = arith.constant 3 : i32
      %scan3A_847 = arith.constant 0 : i32
      %scan3A_848 = arith.constant 200 : i32
      %scan3A_849 = arith.addi %scan3A_847, %scan3A_848 : i32
      %scan3A_850 = arith.constant 8 : i32
      %scan3A_851:2 = scf.for %scan3A_870 = %scan3A_847 to %scan3A_849 step %scan3A_850 iter_args(%scan3A_871 = %broadcast_in_dim3A_843, %scan3A_872 = %broadcast_in_dim3A_845) -> (vector<16xf32>, vector<16xf32>)  : i32 {
        %get3A_873 = arith.constant 0 : i32
        %get3A_874 = arith.constant 0 : i32
        %get3A_875 = tpu.memref_slice %arg6[%scan3A_846, %get3A_873, %get3A_874] : memref<4x200x16xf32, #tpu.memory_space<vmem>> -> memref<1x200x16xf32, #tpu.memory_space<vmem>>
        %get3A_876 = tpu.memref_squeeze %get3A_875 : memref<1x200x16xf32, #tpu.memory_space<vmem>> -> memref<200x16xf32, #tpu.memory_space<vmem>>
        %get3A_877 = arith.index_cast %scan3A_870 : i32 to index
        %get3A_878 = arith.constant 0 : index
        %get3A_879 = tpu.vector_load %get3A_876[%get3A_877, %get3A_878] {strides = array<i32>} : memref<200x16xf32, #tpu.memory_space<vmem>>, vector<16xf32>,
        %bitcast3A = vector.bitcast %get3A_879 : vector<16xf32> to vector<16xi32>
        %and3A_880 = arith.constant -65536 : i32
        %and3A_881 = vector.broadcast %and3A_880 : i32 to vector<16xi32>
        %and3A_882 = arith.andi %bitcast3A, %and3A_881 : vector<16xi32>
        %bitcast3A_883 = vector.bitcast %and3A_882 : vector<16xi32> to vector<16xf32>
        %add3A_884 = arith.addf %scan3A_871, %bitcast3A_883 : vector<16xf32>
        %shift_left3A = arith.constant 16 : i32
        %shift_left3A_885 = vector.broadcast %shift_left3A : i32 to vector<16xi32>
        %shift_left3A_886 = arith.shli %bitcast3A, %shift_left3A_885 : vector<16xi32>
        %bitcast3A_887 = vector.bitcast %shift_left3A_886 : vector<16xi32> to vector<16xf32>
        %add3A_888 = arith.addf %scan3A_872, %bitcast3A_887 : vector<16xf32>
        %scan3A_889 = arith.constant 1 : i32
        %scan3A_890 = arith.addi %scan3A_870, %scan3A_889 : i32
        %get3A_891 = arith.constant 0 : i32
        %get3A_892 = arith.constant 0 : i32
        %get3A_893 = tpu.memref_slice %arg6[%scan3A_846, %get3A_891, %get3A_892] : memref<4x200x16xf32, #tpu.memory_space<vmem>> -> memref<1x200x16xf32, #tpu.memory_space<vmem>>
        %get3A_894 = tpu.memref_squeeze %get3A_893 : memref<1x200x16xf32, #tpu.memory_space<vmem>> -> memref<200x16xf32, #tpu.memory_space<vmem>>
        %get3A_895 = arith.index_cast %scan3A_890 : i32 to index
        %get3A_896 = arith.constant 0 : index
        %get3A_897 = tpu.vector_load %get3A_894[%get3A_895, %get3A_896] {strides = array<i32>} : memref<200x16xf32, #tpu.memory_space<vmem>>, vector<16xf32>,
        %bitcast3A_898 = vector.bitcast %get3A_897 : vector<16xf32> to vector<16xi32>
        %and3A_899 = arith.constant -65536 : i32
        %and3A_900 = vector.broadcast %and3A_899 : i32 to vector<16xi32>
        %and3A_901 = arith.andi %bitcast3A_898, %and3A_900 : vector<16xi32>
        %bitcast3A_902 = vector.bitcast %and3A_901 : vector<16xi32> to vector<16xf32>
        %add3A_903 = arith.addf %add3A_884, %bitcast3A_902 : vector<16xf32>
        %shift_left3A_904 = arith.constant 16 : i32
        %shift_left3A_905 = vector.broadcast %shift_left3A_904 : i32 to vector<16xi32>
        %shift_left3A_906 = arith.shli %bitcast3A_898, %shift_left3A_905 : vector<16xi32>
        %bitcast3A_907 = vector.bitcast %shift_left3A_906 : vector<16xi32> to vector<16xf32>
        %add3A_908 = arith.addf %add3A_888, %bitcast3A_907 : vector<16xf32>
        %scan3A_909 = arith.constant 2 : i32
        %scan3A_910 = arith.addi %scan3A_870, %scan3A_909 : i32
        %get3A_911 = arith.constant 0 : i32
        %get3A_912 = arith.constant 0 : i32
        %get3A_913 = tpu.memref_slice %arg6[%scan3A_846, %get3A_911, %get3A_912] : memref<4x200x16xf32, #tpu.memory_space<vmem>> -> memref<1x200x16xf32, #tpu.memory_space<vmem>>
        %get3A_914 = tpu.memref_squeeze %get3A_913 : memref<1x200x16xf32, #tpu.memory_space<vmem>> -> memref<200x16xf32, #tpu.memory_space<vmem>>
        %get3A_915 = arith.index_cast %scan3A_910 : i32 to index
        %get3A_916 = arith.constant 0 : index
        %get3A_917 = tpu.vector_load %get3A_914[%get3A_915, %get3A_916] {strides = array<i32>} : memref<200x16xf32, #tpu.memory_space<vmem>>, vector<16xf32>,
        %bitcast3A_918 = vector.bitcast %get3A_917 : vector<16xf32> to vector<16xi32>
        %and3A_919 = arith.constant -65536 : i32
        %and3A_920 = vector.broadcast %and3A_919 : i32 to vector<16xi32>
        %and3A_921 = arith.andi %bitcast3A_918, %and3A_920 : vector<16xi32>
        %bitcast3A_922 = vector.bitcast %and3A_921 : vector<16xi32> to vector<16xf32>
        %add3A_923 = arith.addf %add3A_903, %bitcast3A_922 : vector<16xf32>
        %shift_left3A_924 = arith.constant 16 : i32
        %shift_left3A_925 = vector.broadcast %shift_left3A_924 : i32 to vector<16xi32>
        %shift_left3A_926 = arith.shli %bitcast3A_918, %shift_left3A_925 : vector<16xi32>
        %bitcast3A_927 = vector.bitcast %shift_left3A_926 : vector<16xi32> to vector<16xf32>
        %add3A_928 = arith.addf %add3A_908, %bitcast3A_927 : vector<16xf32>
        %scan3A_929 = arith.constant 3 : i32
        %scan3A_930 = arith.addi %scan3A_870, %scan3A_929 : i32
        %get3A_931 = arith.constant 0 : i32
        %get3A_932 = arith.constant 0 : i32
        %get3A_933 = tpu.memref_slice %arg6[%scan3A_846, %get3A_931, %get3A_932] : memref<4x200x16xf32, #tpu.memory_space<vmem>> -> memref<1x200x16xf32, #tpu.memory_space<vmem>>
        %get3A_934 = tpu.memref_squeeze %get3A_933 : memref<1x200x16xf32, #tpu.memory_space<vmem>> -> memref<200x16xf32, #tpu.memory_space<vmem>>
        %get3A_935 = arith.index_cast %scan3A_930 : i32 to index
        %get3A_936 = arith.constant 0 : index
        %get3A_937 = tpu.vector_load %get3A_934[%get3A_935, %get3A_936] {strides = array<i32>} : memref<200x16xf32, #tpu.memory_space<vmem>>, vector<16xf32>,
        %bitcast3A_938 = vector.bitcast %get3A_937 : vector<16xf32> to vector<16xi32>
        %and3A_939 = arith.constant -65536 : i32
        %and3A_940 = vector.broadcast %and3A_939 : i32 to vector<16xi32>
        %and3A_941 = arith.andi %bitcast3A_938, %and3A_940 : vector<16xi32>
        %bitcast3A_942 = vector.bitcast %and3A_941 : vector<16xi32> to vector<16xf32>
        %add3A_943 = arith.addf %add3A_923, %bitcast3A_942 : vector<16xf32>
        %shift_left3A_944 = arith.constant 16 : i32
        %shift_left3A_945 = vector.broadcast %shift_left3A_944 : i32 to vector<16xi32>
        %shift_left3A_946 = arith.shli %bitcast3A_938, %shift_left3A_945 : vector<16xi32>
        %bitcast3A_947 = vector.bitcast %shift_left3A_946 : vector<16xi32> to vector<16xf32>
        %add3A_948 = arith.addf %add3A_928, %bitcast3A_947 : vector<16xf32>
        %scan3A_949 = arith.constant 4 : i32
        %scan3A_950 = arith.addi %scan3A_870, %scan3A_949 : i32
        %get3A_951 = arith.constant 0 : i32
        %get3A_952 = arith.constant 0 : i32
        %get3A_953 = tpu.memref_slice %arg6[%scan3A_846, %get3A_951, %get3A_952] : memref<4x200x16xf32, #tpu.memory_space<vmem>> -> memref<1x200x16xf32, #tpu.memory_space<vmem>>
        %get3A_954 = tpu.memref_squeeze %get3A_953 : memref<1x200x16xf32, #tpu.memory_space<vmem>> -> memref<200x16xf32, #tpu.memory_space<vmem>>
        %get3A_955 = arith.index_cast %scan3A_950 : i32 to index
        %get3A_956 = arith.constant 0 : index
        %get3A_957 = tpu.vector_load %get3A_954[%get3A_955, %get3A_956] {strides = array<i32>} : memref<200x16xf32, #tpu.memory_space<vmem>>, vector<16xf32>,
        %bitcast3A_958 = vector.bitcast %get3A_957 : vector<16xf32> to vector<16xi32>
        %and3A_959 = arith.constant -65536 : i32
        %and3A_960 = vector.broadcast %and3A_959 : i32 to vector<16xi32>
        %and3A_961 = arith.andi %bitcast3A_958, %and3A_960 : vector<16xi32>
        %bitcast3A_962 = vector.bitcast %and3A_961 : vector<16xi32> to vector<16xf32>
        %add3A_963 = arith.addf %add3A_943, %bitcast3A_962 : vector<16xf32>
        %shift_left3A_964 = arith.constant 16 : i32
        %shift_left3A_965 = vector.broadcast %shift_left3A_964 : i32 to vector<16xi32>
        %shift_left3A_966 = arith.shli %bitcast3A_958, %shift_left3A_965 : vector<16xi32>
        %bitcast3A_967 = vector.bitcast %shift_left3A_966 : vector<16xi32> to vector<16xf32>
        %add3A_968 = arith.addf %add3A_948, %bitcast3A_967 : vector<16xf32>
        %scan3A_969 = arith.constant 5 : i32
        %scan3A_970 = arith.addi %scan3A_870, %scan3A_969 : i32
        %get3A_971 = arith.constant 0 : i32
        %get3A_972 = arith.constant 0 : i32
        %get3A_973 = tpu.memref_slice %arg6[%scan3A_846, %get3A_971, %get3A_972] : memref<4x200x16xf32, #tpu.memory_space<vmem>> -> memref<1x200x16xf32, #tpu.memory_space<vmem>>
        %get3A_974 = tpu.memref_squeeze %get3A_973 : memref<1x200x16xf32, #tpu.memory_space<vmem>> -> memref<200x16xf32, #tpu.memory_space<vmem>>
        %get3A_975 = arith.index_cast %scan3A_970 : i32 to index
        %get3A_976 = arith.constant 0 : index
        %get3A_977 = tpu.vector_load %get3A_974[%get3A_975, %get3A_976] {strides = array<i32>} : memref<200x16xf32, #tpu.memory_space<vmem>>, vector<16xf32>,
        %bitcast3A_978 = vector.bitcast %get3A_977 : vector<16xf32> to vector<16xi32>
        %and3A_979 = arith.constant -65536 : i32
        %and3A_980 = vector.broadcast %and3A_979 : i32 to vector<16xi32>
        %and3A_981 = arith.andi %bitcast3A_978, %and3A_980 : vector<16xi32>
        %bitcast3A_982 = vector.bitcast %and3A_981 : vector<16xi32> to vector<16xf32>
        %add3A_983 = arith.addf %add3A_963, %bitcast3A_982 : vector<16xf32>
        %shift_left3A_984 = arith.constant 16 : i32
        %shift_left3A_985 = vector.broadcast %shift_left3A_984 : i32 to vector<16xi32>
        %shift_left3A_986 = arith.shli %bitcast3A_978, %shift_left3A_985 : vector<16xi32>
        %bitcast3A_987 = vector.bitcast %shift_left3A_986 : vector<16xi32> to vector<16xf32>
        %add3A_988 = arith.addf %add3A_968, %bitcast3A_987 : vector<16xf32>
        %scan3A_989 = arith.constant 6 : i32
        %scan3A_990 = arith.addi %scan3A_870, %scan3A_989 : i32
        %get3A_991 = arith.constant 0 : i32
        %get3A_992 = arith.constant 0 : i32
        %get3A_993 = tpu.memref_slice %arg6[%scan3A_846, %get3A_991, %get3A_992] : memref<4x200x16xf32, #tpu.memory_space<vmem>> -> memref<1x200x16xf32, #tpu.memory_space<vmem>>
        %get3A_994 = tpu.memref_squeeze %get3A_993 : memref<1x200x16xf32, #tpu.memory_space<vmem>> -> memref<200x16xf32, #tpu.memory_space<vmem>>
        %get3A_995 = arith.index_cast %scan3A_990 : i32 to index
        %get3A_996 = arith.constant 0 : index
        %get3A_997 = tpu.vector_load %get3A_994[%get3A_995, %get3A_996] {strides = array<i32>} : memref<200x16xf32, #tpu.memory_space<vmem>>, vector<16xf32>,
        %bitcast3A_998 = vector.bitcast %get3A_997 : vector<16xf32> to vector<16xi32>
        %and3A_999 = arith.constant -65536 : i32
        %and3A_1000 = vector.broadcast %and3A_999 : i32 to vector<16xi32>
        %and3A_1001 = arith.andi %bitcast3A_998, %and3A_1000 : vector<16xi32>
        %bitcast3A_1002 = vector.bitcast %and3A_1001 : vector<16xi32> to vector<16xf32>
        %add3A_1003 = arith.addf %add3A_983, %bitcast3A_1002 : vector<16xf32>
        %shift_left3A_1004 = arith.constant 16 : i32
        %shift_left3A_1005 = vector.broadcast %shift_left3A_1004 : i32 to vector<16xi32>
        %shift_left3A_1006 = arith.shli %bitcast3A_998, %shift_left3A_1005 : vector<16xi32>
        %bitcast3A_1007 = vector.bitcast %shift_left3A_1006 : vector<16xi32> to vector<16xf32>
        %add3A_1008 = arith.addf %add3A_988, %bitcast3A_1007 : vector<16xf32>
        %scan3A_1009 = arith.constant 7 : i32
        %scan3A_1010 = arith.addi %scan3A_870, %scan3A_1009 : i32
        %get3A_1011 = arith.constant 0 : i32
        %get3A_1012 = arith.constant 0 : i32
        %get3A_1013 = tpu.memref_slice %arg6[%scan3A_846, %get3A_1011, %get3A_1012] : memref<4x200x16xf32, #tpu.memory_space<vmem>> -> memref<1x200x16xf32, #tpu.memory_space<vmem>>
        %get3A_1014 = tpu.memref_squeeze %get3A_1013 : memref<1x200x16xf32, #tpu.memory_space<vmem>> -> memref<200x16xf32, #tpu.memory_space<vmem>>
        %get3A_1015 = arith.index_cast %scan3A_1010 : i32 to index
        %get3A_1016 = arith.constant 0 : index
        %get3A_1017 = tpu.vector_load %get3A_1014[%get3A_1015, %get3A_1016] {strides = array<i32>} : memref<200x16xf32, #tpu.memory_space<vmem>>, vector<16xf32>,
        %bitcast3A_1018 = vector.bitcast %get3A_1017 : vector<16xf32> to vector<16xi32>
        %and3A_1019 = arith.constant -65536 : i32
        %and3A_1020 = vector.broadcast %and3A_1019 : i32 to vector<16xi32>
        %and3A_1021 = arith.andi %bitcast3A_1018, %and3A_1020 : vector<16xi32>
        %bitcast3A_1022 = vector.bitcast %and3A_1021 : vector<16xi32> to vector<16xf32>
        %add3A_1023 = arith.addf %add3A_1003, %bitcast3A_1022 : vector<16xf32>
        %shift_left3A_1024 = arith.constant 16 : i32
        %shift_left3A_1025 = vector.broadcast %shift_left3A_1024 : i32 to vector<16xi32>
        %shift_left3A_1026 = arith.shli %bitcast3A_1018, %shift_left3A_1025 : vector<16xi32>
        %bitcast3A_1027 = vector.bitcast %shift_left3A_1026 : vector<16xi32> to vector<16xf32>
        %add3A_1028 = arith.addf %add3A_1008, %bitcast3A_1027 : vector<16xf32>
        scf.yield %add3A_1023, %add3A_1028 : vector<16xf32>, vector<16xf32>
      }
      %scan3A_852 = arith.constant 200 : i32
      %mul3A_853 = arith.mulf %scan3A_851#0, %div3A_841 : vector<16xf32>
      %swap3A_854 = arith.index_cast %add3A_681 : i32 to index
      %swap3A_855 = arith.constant 0 : index
      %swap3A_856 = tpu.vector_load %arg7[%swap3A_854, %swap3A_855] {strides = array<i32>} : memref<128x32xf32, #tpu.memory_space<vmem>>, vector<16xf32>,
      tpu.vector_store %arg7[%swap3A_854, %swap3A_855], %mul3A_853 {strides = array<i32>} : memref<128x32xf32, #tpu.memory_space<vmem>>, vector<16xf32>,
      %mul3A_857 = arith.mulf %scan3A_851#1, %div3A_841 : vector<16xf32>
      %swap3A_858 = arith.index_cast %add3A_681 : i32 to index
      %swap3A_859 = arith.constant 16 : index
      %swap3A_860 = tpu.vector_load %arg7[%swap3A_858, %swap3A_859] {strides = array<i32>} : memref<128x32xf32, #tpu.memory_space<vmem>>, vector<16xf32>,
      tpu.vector_store %arg7[%swap3A_858, %swap3A_859], %mul3A_857 {strides = array<i32>} : memref<128x32xf32, #tpu.memory_space<vmem>>, vector<16xf32>,
      %add3A_861 = arith.constant 3 : i32
      %add3A_862 = arith.addi %mul3A_121, %add3A_861 : i32
      %add3A_863 = arith.constant 4 : i32
      %add3A_864 = arith.addi %add3A_862, %add3A_863 : i32
      %lt3A_865 = arith.constant 128 : i32
      %lt3A_866 = arith.cmpi slt, %add3A_864, %lt3A_865 : i32
      %convert_element_type3A_867 = arith.extui %lt3A_866 : i1 to i32
      %cond3A_868 = arith.constant 0 : i32
      %cond3A_869 = arith.cmpi ne, %convert_element_type3A_867, %cond3A_868 : i32
      scf.if %cond3A_869 {
        %add3A_870 = arith.constant 3 : i32
        %add3A_871 = arith.addi %mul3A_121, %add3A_870 : i32
        %add3A_872 = arith.constant 4 : i32
        %add3A_873 = arith.addi %add3A_871, %add3A_872 : i32
        %mul3A_874 = arith.constant 200 : i32
        %mul3A_875 = arith.muli %add3A_873, %mul3A_874 : i32
        %add3A_876 = arith.constant 128 : i32
        %add3A_877 = arith.addi %mul3A_875, %add3A_876 : i32
        %dma_start3A_878 = arith.constant 3 : i32
        %dma_start3A_879 = arith.constant 0 : i32
        %dma_start3A_880 = arith.constant 0 : i32
        %dma_start3A_881 = tpu.memref_slice %arg6[%dma_start3A_878, %dma_start3A_879, %dma_start3A_880] : memref<4x200x16xf32, #tpu.memory_space<vmem>> -> memref<1x200x16xf32, #tpu.memory_space<vmem>>
        %dma_start3A_882 = tpu.memref_squeeze %dma_start3A_881 : memref<1x200x16xf32, #tpu.memory_space<vmem>> -> memref<200x16xf32, #tpu.memory_space<vmem>>
        %dma_start3A_883 = arith.constant 0 : i32
        %dma_start3A_884 = arith.constant 0 : i32
        %dma_start3A_885 = tpu.memref_slice %dma_start3A_882[%dma_start3A_883, %dma_start3A_884] : memref<200x16xf32, #tpu.memory_space<vmem>> -> memref<128x16xf32, #tpu.memory_space<vmem>>
        %dma_start3A_886 = tpu.memref_slice %arg5[%mul3A_875] : memref<25608xi32, #tpu.memory_space<vmem>> -> memref<128xi32, #tpu.memory_space<vmem>>
        %dma_start3A_887 = arith.constant 0 : i32
        %dma_start3A_888 = arith.constant 0 : i32
        %dma_start3A_889 = tpu.memref_slice %arg3[%dma_start3A_887, %dma_start3A_888] : memref<1015808x16xf32, #tpu.memory_space<hbm>> -> memref<1015808x16xf32, #tpu.memory_space<hbm>>
        tpu.enqueue_indirect_dma source(%dma_start3A_889 : memref<1015808x16xf32, #tpu.memory_space<hbm>>) target(%dma_start3A_885 : memref<128x16xf32, #tpu.memory_space<vmem>>) offsets(%dma_start3A_886 : memref<128xi32, #tpu.memory_space<vmem>>) semaphore(%arg11 : memref<!tpu.dma_semaphore, #tpu.memory_space<semaphore_mem>>)
        %dma_start3A_890 = arith.constant 3 : i32
        %dma_start3A_891 = arith.constant 0 : i32
        %dma_start3A_892 = arith.constant 0 : i32
        %dma_start3A_893 = tpu.memref_slice %arg6[%dma_start3A_890, %dma_start3A_891, %dma_start3A_892] : memref<4x200x16xf32, #tpu.memory_space<vmem>> -> memref<1x200x16xf32, #tpu.memory_space<vmem>>
        %dma_start3A_894 = tpu.memref_squeeze %dma_start3A_893 : memref<1x200x16xf32, #tpu.memory_space<vmem>> -> memref<200x16xf32, #tpu.memory_space<vmem>>
        %dma_start3A_895 = arith.constant 128 : i32
        %dma_start3A_896 = arith.constant 0 : i32
        %dma_start3A_897 = tpu.memref_slice %dma_start3A_894[%dma_start3A_895, %dma_start3A_896] : memref<200x16xf32, #tpu.memory_space<vmem>> -> memref<72x16xf32, #tpu.memory_space<vmem>>
        %dma_start3A_898 = tpu.memref_slice %arg5[%add3A_877] : memref<25608xi32, #tpu.memory_space<vmem>> -> memref<72xi32, #tpu.memory_space<vmem>>
        %dma_start3A_899 = arith.constant 0 : i32
        %dma_start3A_900 = arith.constant 0 : i32
        %dma_start3A_901 = tpu.memref_slice %arg3[%dma_start3A_899, %dma_start3A_900] : memref<1015808x16xf32, #tpu.memory_space<hbm>> -> memref<1015808x16xf32, #tpu.memory_space<hbm>>
        tpu.enqueue_indirect_dma source(%dma_start3A_901 : memref<1015808x16xf32, #tpu.memory_space<hbm>>) target(%dma_start3A_897 : memref<72x16xf32, #tpu.memory_space<vmem>>) offsets(%dma_start3A_898 : memref<72xi32, #tpu.memory_space<vmem>>) semaphore(%arg11 : memref<!tpu.dma_semaphore, #tpu.memory_space<semaphore_mem>>)
      } else {
      }
    }
    %scan3A_116 = arith.constant 32 : i32
    %mul3A_117 = arith.constant 128 : i32
    %mul3A_118 = arith.muli %add3A, %mul3A_117 : i32
    "tpu.region"() ({
      %run_scoped3A = tpu.sem_alloc : memref<!tpu.dma_semaphore, #tpu.memory_space<semaphore_mem>>
      %dma_start3A_119 = arith.constant 0 : i32
      %dma_start3A_120 = tpu.memref_slice %arg4[%mul3A_118, %dma_start3A_119] : memref<4096x32xf32, #tpu.memory_space<hbm>> -> memref<128x32xf32, #tpu.memory_space<hbm>>
      %dma_start3A_121 = arith.constant 0 : i32
      %dma_start3A_122 = tpu.memref_slice %arg4[%mul3A_118, %dma_start3A_121] : memref<4096x32xf32, #tpu.memory_space<hbm>> -> memref<128x32xf32, #tpu.memory_space<hbm>>
      tpu.enqueue_dma source(%arg7 : memref<128x32xf32, #tpu.memory_space<vmem>>) target(%dma_start3A_122 : memref<128x32xf32, #tpu.memory_space<hbm>>) target_semaphore(%run_scoped3A : memref<!tpu.dma_semaphore, #tpu.memory_space<semaphore_mem>>)
      %dma_wait3A = arith.constant 0 : i32
      %dma_wait3A_123 = tpu.memref_slice %arg4[%mul3A_118, %dma_wait3A] : memref<4096x32xf32, #tpu.memory_space<hbm>> -> memref<128x32xf32, #tpu.memory_space<hbm>>
      %dma_wait3A_124 = arith.constant 0 : i32
      %dma_wait3A_125 = tpu.memref_slice %arg4[%mul3A_118, %dma_wait3A_124] : memref<4096x32xf32, #tpu.memory_space<hbm>> -> memref<128x32xf32, #tpu.memory_space<hbm>>
      tpu.wait_dma2 semaphore(%run_scoped3A : memref<!tpu.dma_semaphore, #tpu.memory_space<semaphore_mem>>) src(%arg7 : memref<128x32xf32, #tpu.memory_space<vmem>>) dst(%dma_wait3A_125 : memref<128x32xf32, #tpu.memory_space<hbm>>)
      tpu.yield
    }) : () -> ()
    return
  }
}

module attributes {stable_mosaic.version = 14 : i64} {
  func.func @_repack_body(%arg0: i32, %arg1: memref<32x16384xf32, #tpu.memory_space<vmem>>, %arg2: memref<2048x128xf32, #tpu.memory_space<vmem>>) attributes {dimension_semantics = [#tpu.dimension_semantics<arbitrary>], iteration_bounds = array<i64: 62>, scalar_prefetch = 0 : i64, scratch_operands = 0 : i64, tpu.core_type = #tpu.core_type<tc>, window_params = [{transform_indices = @transform_0, window_bounds = array<i64: 32, 16384>}, {transform_indices = @transform_1, window_bounds = array<i64: 2048, 128>}]} {
    %get3A = arith.constant 0 : index
    %get3A_0 = arith.constant 0 : index
    %get3A_1 = vector.load %arg1[%get3A, %get3A_0] : memref<32x16384xf32, #tpu.memory_space<vmem>>, vector<16x2048xf32>
    %get3A_2 = arith.constant 0 : index
    %get3A_3 = arith.constant 2048 : index
    %get3A_4 = vector.load %arg1[%get3A_2, %get3A_3] : memref<32x16384xf32, #tpu.memory_space<vmem>>, vector<16x2048xf32>
    %get3A_5 = arith.constant 0 : index
    %get3A_6 = arith.constant 4096 : index
    %get3A_7 = vector.load %arg1[%get3A_5, %get3A_6] : memref<32x16384xf32, #tpu.memory_space<vmem>>, vector<16x2048xf32>
    %get3A_8 = arith.constant 0 : index
    %get3A_9 = arith.constant 6144 : index
    %get3A_10 = vector.load %arg1[%get3A_8, %get3A_9] : memref<32x16384xf32, #tpu.memory_space<vmem>>, vector<16x2048xf32>
    %get3A_11 = arith.constant 0 : index
    %get3A_12 = arith.constant 8192 : index
    %get3A_13 = vector.load %arg1[%get3A_11, %get3A_12] : memref<32x16384xf32, #tpu.memory_space<vmem>>, vector<16x2048xf32>
    %get3A_14 = arith.constant 0 : index
    %get3A_15 = arith.constant 10240 : index
    %get3A_16 = vector.load %arg1[%get3A_14, %get3A_15] : memref<32x16384xf32, #tpu.memory_space<vmem>>, vector<16x2048xf32>
    %get3A_17 = arith.constant 0 : index
    %get3A_18 = arith.constant 12288 : index
    %get3A_19 = vector.load %arg1[%get3A_17, %get3A_18] : memref<32x16384xf32, #tpu.memory_space<vmem>>, vector<16x2048xf32>
    %get3A_20 = arith.constant 0 : index
    %get3A_21 = arith.constant 14336 : index
    %get3A_22 = vector.load %arg1[%get3A_20, %get3A_21] : memref<32x16384xf32, #tpu.memory_space<vmem>>, vector<16x2048xf32>
    %concatenate3A = tpu.concatenate %get3A_1, %get3A_4, %get3A_7, %get3A_10, %get3A_13, %get3A_16, %get3A_19, %get3A_22 in 0 : vector<16x2048xf32>, vector<16x2048xf32>, vector<16x2048xf32>, vector<16x2048xf32>, vector<16x2048xf32>, vector<16x2048xf32>, vector<16x2048xf32>, vector<16x2048xf32> -> vector<128x2048xf32>
    %get3A_23 = arith.constant 16 : index
    %get3A_24 = arith.constant 0 : index
    %get3A_25 = vector.load %arg1[%get3A_23, %get3A_24] : memref<32x16384xf32, #tpu.memory_space<vmem>>, vector<16x2048xf32>
    %get3A_26 = arith.constant 16 : index
    %get3A_27 = arith.constant 2048 : index
    %get3A_28 = vector.load %arg1[%get3A_26, %get3A_27] : memref<32x16384xf32, #tpu.memory_space<vmem>>, vector<16x2048xf32>
    %get3A_29 = arith.constant 16 : index
    %get3A_30 = arith.constant 4096 : index
    %get3A_31 = vector.load %arg1[%get3A_29, %get3A_30] : memref<32x16384xf32, #tpu.memory_space<vmem>>, vector<16x2048xf32>
    %get3A_32 = arith.constant 16 : index
    %get3A_33 = arith.constant 6144 : index
    %get3A_34 = vector.load %arg1[%get3A_32, %get3A_33] : memref<32x16384xf32, #tpu.memory_space<vmem>>, vector<16x2048xf32>
    %get3A_35 = arith.constant 16 : index
    %get3A_36 = arith.constant 8192 : index
    %get3A_37 = vector.load %arg1[%get3A_35, %get3A_36] : memref<32x16384xf32, #tpu.memory_space<vmem>>, vector<16x2048xf32>
    %get3A_38 = arith.constant 16 : index
    %get3A_39 = arith.constant 10240 : index
    %get3A_40 = vector.load %arg1[%get3A_38, %get3A_39] : memref<32x16384xf32, #tpu.memory_space<vmem>>, vector<16x2048xf32>
    %get3A_41 = arith.constant 16 : index
    %get3A_42 = arith.constant 12288 : index
    %get3A_43 = vector.load %arg1[%get3A_41, %get3A_42] : memref<32x16384xf32, #tpu.memory_space<vmem>>, vector<16x2048xf32>
    %get3A_44 = arith.constant 16 : index
    %get3A_45 = arith.constant 14336 : index
    %get3A_46 = vector.load %arg1[%get3A_44, %get3A_45] : memref<32x16384xf32, #tpu.memory_space<vmem>>, vector<16x2048xf32>
    %concatenate3A_47 = tpu.concatenate %get3A_25, %get3A_28, %get3A_31, %get3A_34, %get3A_37, %get3A_40, %get3A_43, %get3A_46 in 0 : vector<16x2048xf32>, vector<16x2048xf32>, vector<16x2048xf32>, vector<16x2048xf32>, vector<16x2048xf32>, vector<16x2048xf32>, vector<16x2048xf32>, vector<16x2048xf32> -> vector<128x2048xf32>
    %iota3A = tpu.iota {dimensions = array<i32: 1>} : vector<128x2048xi32>
    %iota3A_48 = tpu.iota {dimensions = array<i32: 0>} : vector<128x2048xi32>
    %jit3A = arith.constant 16 : i32
    %div3A = vector.broadcast %jit3A : i32 to vector<128x2048xi32>
    %div3A_49 = arith.divsi %iota3A_48, %div3A : vector<128x2048xi32>
    %sign3A = arith.constant 0 : i32
    %sign3A_50 = vector.broadcast %sign3A : i32 to vector<128x2048xi32>
    %sign3A_51 = arith.cmpi sgt, %iota3A_48, %sign3A_50 : vector<128x2048xi32>
    %sign3A_52 = arith.extui %sign3A_51 : vector<128x2048xi1> to vector<128x2048xi32>
    %sign3A_53 = arith.constant 0 : i32
    %sign3A_54 = vector.broadcast %sign3A_53 : i32 to vector<128x2048xi32>
    %sign3A_55 = arith.cmpi slt, %iota3A_48, %sign3A_54 : vector<128x2048xi32>
    %sign3A_56 = arith.extui %sign3A_55 : vector<128x2048xi1> to vector<128x2048xi32>
    %sign3A_57 = arith.subi %sign3A_52, %sign3A_56 : vector<128x2048xi32>
    %sign3A_58 = arith.constant 0 : i32
    %sign3A_59 = arith.cmpi sgt, %jit3A, %sign3A_58 : i32
    %sign3A_60 = arith.extui %sign3A_59 : i1 to i32
    %sign3A_61 = arith.constant 0 : i32
    %sign3A_62 = arith.cmpi slt, %jit3A, %sign3A_61 : i32
    %sign3A_63 = arith.extui %sign3A_62 : i1 to i32
    %sign3A_64 = arith.subi %sign3A_60, %sign3A_63 : i32
    %ne3A = vector.broadcast %sign3A_64 : i32 to vector<128x2048xi32>
    %ne3A_65 = arith.cmpi ne, %sign3A_57, %ne3A : vector<128x2048xi32>
    %rem3A = vector.broadcast %jit3A : i32 to vector<128x2048xi32>
    %rem3A_66 = arith.remsi %iota3A_48, %rem3A : vector<128x2048xi32>
    %ne3A_67 = arith.constant 0 : i32
    %ne3A_68 = vector.broadcast %ne3A_67 : i32 to vector<128x2048xi32>
    %ne3A_69 = arith.cmpi ne, %rem3A_66, %ne3A_68 : vector<128x2048xi32>
    %and3A = arith.andi %ne3A_65, %ne3A_69 : vector<128x2048xi1>
    %sub3A = arith.constant 1 : i32
    %sub3A_70 = vector.broadcast %sub3A : i32 to vector<128x2048xi32>
    %sub3A_71 = arith.subi %div3A_49, %sub3A_70 : vector<128x2048xi32>
    %select_n3A = arith.select %and3A, %sub3A_71, %div3A_49 : vector<128x2048xi1>, vector<128x2048xi32>
    %mul3A = arith.constant 16384 : i32
    %mul3A_72 = arith.muli %arg0, %mul3A : i32
    %mul3A_73 = arith.constant 2048 : i32
    %mul3A_74 = vector.broadcast %mul3A_73 : i32 to vector<128x2048xi32>
    %mul3A_75 = arith.muli %select_n3A, %mul3A_74 : vector<128x2048xi32>
    %add3A = vector.broadcast %mul3A_72 : i32 to vector<128x2048xi32>
    %add3A_76 = arith.addi %add3A, %mul3A_75 : vector<128x2048xi32>
    %add3A_77 = arith.addi %add3A_76, %iota3A : vector<128x2048xi32>
    %lt3A = arith.constant 1000001 : i32
    %lt3A_78 = vector.broadcast %lt3A : i32 to vector<128x2048xi32>
    %lt3A_79 = arith.cmpi slt, %add3A_77, %lt3A_78 : vector<128x2048xi32>
    %jit3A_80 = arith.constant 0.000000e+00 : f32
    %broadcast_in_dim3A = vector.broadcast %jit3A_80 : f32 to vector<128x2048xf32>
    %select_n3A_81 = arith.select %lt3A_79, %concatenate3A, %broadcast_in_dim3A : vector<128x2048xi1>, vector<128x2048xf32>
    %jit3A_82 = arith.constant 0.000000e+00 : f32
    %broadcast_in_dim3A_83 = vector.broadcast %jit3A_82 : f32 to vector<128x2048xf32>
    %select_n3A_84 = arith.select %lt3A_79, %concatenate3A_47, %broadcast_in_dim3A_83 : vector<128x2048xi1>, vector<128x2048xf32>
    %iota3A_85 = tpu.iota {dimensions = array<i32: 0>} : vector<128x128xi32>
    %iota3A_86 = tpu.iota {dimensions = array<i32: 1>} : vector<128x128xi32>
    %eq3A = arith.cmpi eq, %iota3A_85, %iota3A_86 : vector<128x128xi32>
    %convert_element_type3A = arith.extui %eq3A : vector<128x128xi1> to vector<128x128xi32>
    %convert_element_type3A_87 = arith.sitofp %convert_element_type3A : vector<128x128xi32> to vector<128x128xf32>
    %dot_general3A = arith.constant dense<0.000000e+00> : vector<2048x128xf32>
    %dot_general3A_88 = tpu.matmul %select_n3A_81, %convert_element_type3A_87, %dot_general3A {dimension_numbers = #tpu.dot_dimension_numbers<[0], [0], [1], [1], [0, 1, 1, 1], [], []>, transpose_lhs_hint = true} : vector<128x2048xf32>, vector<128x128xf32>, vector<2048x128xf32> -> vector<2048x128xf32>
    %dot_general3A_89 = arith.constant dense<0.000000e+00> : vector<2048x128xf32>
    %dot_general3A_90 = tpu.matmul %select_n3A_84, %convert_element_type3A_87, %dot_general3A_89 {dimension_numbers = #tpu.dot_dimension_numbers<[0], [0], [1], [1], [0, 1, 1, 1], [], []>, transpose_lhs_hint = true} : vector<128x2048xf32>, vector<128x128xf32>, vector<2048x128xf32> -> vector<2048x128xf32>
    %bitcast_convert_type3A = tpu.bitcast %dot_general3A_88 : vector<2048x128xf32> -> vector<2048x128xi32>
    %bitcast_convert_type3A_91 = tpu.bitcast %dot_general3A_90 : vector<2048x128xf32> -> vector<2048x128xi32>
    %add3A_92 = arith.constant 32768 : i32
    %add3A_93 = vector.broadcast %add3A_92 : i32 to vector<2048x128xi32>
    %add3A_94 = arith.addi %bitcast_convert_type3A, %add3A_93 : vector<2048x128xi32>
    %and3A_95 = arith.constant -65536 : i32
    %and3A_96 = vector.broadcast %and3A_95 : i32 to vector<2048x128xi32>
    %and3A_97 = arith.andi %add3A_94, %and3A_96 : vector<2048x128xi32>
    %add3A_98 = arith.constant 32768 : i32
    %add3A_99 = vector.broadcast %add3A_98 : i32 to vector<2048x128xi32>
    %add3A_100 = arith.addi %bitcast_convert_type3A_91, %add3A_99 : vector<2048x128xi32>
    %shift_right_logical3A = arith.constant 16 : i32
    %shift_right_logical3A_101 = vector.broadcast %shift_right_logical3A : i32 to vector<2048x128xi32>
    %shift_right_logical3A_102 = arith.shrui %add3A_100, %shift_right_logical3A_101 : vector<2048x128xi32>
    %or3A = arith.ori %and3A_97, %shift_right_logical3A_102 : vector<2048x128xi32>
    %bitcast_convert_type3A_103 = tpu.bitcast %or3A : vector<2048x128xi32> -> vector<2048x128xf32>
    %swap3A = arith.constant 0 : index
    %swap3A_104 = arith.constant 0 : index
    %swap3A_105 = vector.load %arg2[%swap3A, %swap3A_104] : memref<2048x128xf32, #tpu.memory_space<vmem>>, vector<2048x128xf32>
    tpu.vector_store %arg2[%swap3A, %swap3A_104], %bitcast_convert_type3A_103 {strides = array<i32>} : memref<2048x128xf32, #tpu.memory_space<vmem>>, vector<2048x128xf32>,
    return
  }
  func.func @transform_0(%arg0: i32) -> (i32, i32) {
    %c0_i32 = arith.constant 0 : i32
    %c0_i32_0 = arith.constant 0 : i32
    return %c0_i32, %arg0 : i32, i32
  }
  func.func @transform_1(%arg0: i32) -> (i32, i32) {
    %c0_i32 = arith.constant 0 : i32
    %c0_i32_0 = arith.constant 0 : i32
    return %arg0, %c0_i32 : i32, i32
  }
}

module attributes {stable_mosaic.version = 14 : i64} {
  func.func @_mlp_body(%arg0: i32, %arg1: memref<512x512xf32, #tpu.memory_space<vmem>>, %arg2: memref<512x128xf32, #tpu.memory_space<vmem>>, %arg3: memref<512x512xf32, #tpu.memory_space<vmem>>, %arg4: memref<128x512xf32, #tpu.memory_space<vmem>>, %arg5: memref<1x512xf32, #tpu.memory_space<vmem>>, %arg6: memref<512x64xf32, #tpu.memory_space<vmem>>, %arg7: memref<64x1xf32, #tpu.memory_space<vmem>>, %arg8: memref<64x512xf32, #tpu.memory_space<vmem>>) attributes {dimension_semantics = [#tpu.dimension_semantics<arbitrary>], iteration_bounds = array<i64: 8>, scalar_prefetch = 0 : i64, scratch_operands = 0 : i64, tpu.core_type = #tpu.core_type<tc>, window_params = [{transform_indices = @transform_0, window_bounds = array<i64: 512, 512>}, {transform_indices = @transform_1, window_bounds = array<i64: 512, 128>}, {pipeline_mode = #tpu.pipeline_mode<synchronous>, transform_indices = @transform_2, window_bounds = array<i64: 512, 512>}, {pipeline_mode = #tpu.pipeline_mode<synchronous>, transform_indices = @transform_3, window_bounds = array<i64: 128, 512>}, {pipeline_mode = #tpu.pipeline_mode<synchronous>, transform_indices = @transform_4, window_bounds = array<i64: 1, 512>}, {pipeline_mode = #tpu.pipeline_mode<synchronous>, transform_indices = @transform_5, window_bounds = array<i64: 512, 64>}, {pipeline_mode = #tpu.pipeline_mode<synchronous>, transform_indices = @transform_6, window_bounds = array<i64: 64, 1>}, {transform_indices = @transform_7, window_bounds = array<i64: 64, 512>}]} {
    %get3A = arith.constant 0 : index
    %get3A_0 = arith.constant 0 : index
    %get3A_1 = vector.load %arg2[%get3A, %get3A_0] : memref<512x128xf32, #tpu.memory_space<vmem>>, vector<512x128xf32>
    %iota3A = tpu.iota {dimensions = array<i32: 1>} : vector<512x128xi32>
    %eq3A = arith.constant 0 : i32
    %eq3A_2 = vector.broadcast %eq3A : i32 to vector<512x128xi32>
    %eq3A_3 = arith.cmpi eq, %iota3A, %eq3A_2 : vector<512x128xi32>
    %log1p3A = math.log1p %get3A_1 : vector<512x128xf32>
    %select_n3A = arith.select %eq3A_3, %log1p3A, %get3A_1 : vector<512x128xi1>, vector<512x128xf32>
    %get3A_4 = arith.constant 0 : index
    %get3A_5 = arith.constant 0 : index
    %get3A_6 = vector.load %arg1[%get3A_4, %get3A_5] : memref<512x512xf32, #tpu.memory_space<vmem>>, vector<512x512xf32>
    %get3A_7 = arith.constant 0 : index
    %get3A_8 = arith.constant 0 : index
    %get3A_9 = vector.load %arg3[%get3A_7, %get3A_8] : memref<512x512xf32, #tpu.memory_space<vmem>>, vector<512x512xf32>
    %dot_general3A = arith.constant dense<0.000000e+00> : vector<512x512xf32>
    %dot_general3A_10 = tpu.matmul %get3A_6, %get3A_9, %dot_general3A {dimension_numbers = #tpu.dot_dimension_numbers<[1], [0], [0], [1], [0, 0, 1, 1], [], []>, transpose_lhs_hint = false} : vector<512x512xf32>, vector<512x512xf32>, vector<512x512xf32> -> vector<512x512xf32>
    %get3A_11 = arith.constant 0 : index
    %get3A_12 = arith.constant 0 : index
    %get3A_13 = vector.load %arg4[%get3A_11, %get3A_12] : memref<128x512xf32, #tpu.memory_space<vmem>>, vector<128x512xf32>
    %dot_general3A_14 = arith.constant dense<0.000000e+00> : vector<512x512xf32>
    %dot_general3A_15 = tpu.matmul %select_n3A, %get3A_13, %dot_general3A_14 {dimension_numbers = #tpu.dot_dimension_numbers<[1], [0], [0], [1], [0, 0, 1, 1], [], []>, transpose_lhs_hint = false} : vector<512x128xf32>, vector<128x512xf32>, vector<512x512xf32> -> vector<512x512xf32>
    %add3A = arith.addf %dot_general3A_10, %dot_general3A_15 : vector<512x512xf32>
    %get3A_16 = arith.constant 0 : index
    %get3A_17 = arith.constant 0 : index
    %get3A_18 = vector.load %arg5[%get3A_16, %get3A_17] : memref<1x512xf32, #tpu.memory_space<vmem>>, vector<1x512xf32>
    %add3A_19 = vector.broadcast %get3A_18 : vector<1x512xf32> to vector<512x512xf32>
    %add3A_20 = arith.addf %add3A, %add3A_19 : vector<512x512xf32>
    %max3A = arith.constant 0.000000e+00 : f32
    %max3A_21 = vector.broadcast %max3A : f32 to vector<512x512xf32>
    %max3A_22 = arith.maximumf %add3A_20, %max3A_21 : vector<512x512xf32>
    %get3A_23 = arith.constant 0 : index
    %get3A_24 = arith.constant 0 : index
    %get3A_25 = vector.load %arg6[%get3A_23, %get3A_24] : memref<512x64xf32, #tpu.memory_space<vmem>>, vector<512x64xf32>
    %dot_general3A_26 = arith.constant dense<0.000000e+00> : vector<64x512xf32>
    %dot_general3A_27 = tpu.matmul %get3A_25, %max3A_22, %dot_general3A_26 {dimension_numbers = #tpu.dot_dimension_numbers<[0], [1], [1], [0], [0, 1, 1, 0], [], []>, transpose_lhs_hint = false} : vector<512x64xf32>, vector<512x512xf32>, vector<64x512xf32> -> vector<64x512xf32>
    %get3A_28 = arith.constant 0 : index
    %get3A_29 = arith.constant 0 : index
    %get3A_30 = vector.load %arg7[%get3A_28, %get3A_29] : memref<64x1xf32, #tpu.memory_space<vmem>>, vector<64x1xf32>
    %add3A_31 = vector.broadcast %get3A_30 : vector<64x1xf32> to vector<64x512xf32>
    %add3A_32 = arith.addf %dot_general3A_27, %add3A_31 : vector<64x512xf32>
    %swap3A = arith.constant 0 : index
    %swap3A_33 = arith.constant 0 : index
    %swap3A_34 = vector.load %arg8[%swap3A, %swap3A_33] : memref<64x512xf32, #tpu.memory_space<vmem>>, vector<64x512xf32>
    tpu.vector_store %arg8[%swap3A, %swap3A_33], %add3A_32 {strides = array<i32>} : memref<64x512xf32, #tpu.memory_space<vmem>>, vector<64x512xf32>,
    return
  }
  func.func @transform_0(%arg0: i32) -> (i32, i32) {
    %c0_i32 = arith.constant 0 : i32
    %c0_i32_0 = arith.constant 0 : i32
    return %arg0, %c0_i32 : i32, i32
  }
  func.func @transform_1(%arg0: i32) -> (i32, i32) {
    %c0_i32 = arith.constant 0 : i32
    %c0_i32_0 = arith.constant 0 : i32
    return %arg0, %c0_i32 : i32, i32
  }
  func.func @transform_2(%arg0: i32) -> (i32, i32) {
    %c0_i32 = arith.constant 0 : i32
    %c0_i32_0 = arith.constant 0 : i32
    %c0_i32_1 = arith.constant 0 : i32
    return %c0_i32, %c0_i32_0 : i32, i32
  }
  func.func @transform_3(%arg0: i32) -> (i32, i32) {
    %c0_i32 = arith.constant 0 : i32
    %c0_i32_0 = arith.constant 0 : i32
    %c0_i32_1 = arith.constant 0 : i32
    return %c0_i32, %c0_i32_0 : i32, i32
  }
  func.func @transform_4(%arg0: i32) -> (i32, i32) {
    %c0_i32 = arith.constant 0 : i32
    %c0_i32_0 = arith.constant 0 : i32
    %c0_i32_1 = arith.constant 0 : i32
    return %c0_i32, %c0_i32_0 : i32, i32
  }
  func.func @transform_5(%arg0: i32) -> (i32, i32) {
    %c0_i32 = arith.constant 0 : i32
    %c0_i32_0 = arith.constant 0 : i32
    %c0_i32_1 = arith.constant 0 : i32
    return %c0_i32, %c0_i32_0 : i32, i32
  }
  func.func @transform_6(%arg0: i32) -> (i32, i32) {
    %c0_i32 = arith.constant 0 : i32
    %c0_i32_0 = arith.constant 0 : i32
    %c0_i32_1 = arith.constant 0 : i32
    return %c0_i32, %c0_i32_0 : i32, i32
  }
  func.func @transform_7(%arg0: i32) -> (i32, i32) {
    %c0_i32 = arith.constant 0 : i32
    %c0_i32_0 = arith.constant 0 : i32
    return %c0_i32, %arg0 : i32, i32
  }
}

</mosaic_0001>

<sc_bundles>
// kernel: kernel.5.cloned.1.call-start
scs
__scs_entry_jumppad:
0x0: {  	(pc) =	sbr.rel $0x88, $3  }
0x1: {  	(tag) =	ssettag $0x0;
	lr =	simm.s32 $0x1  }
0x2: {  	[smem:$0x3F97] =	sst lr;
	_ =	strace $0xD0000000  }
0x3: {  	_ = 	snop  }
0x4: {  	_ = 	snop  }
0x5: {  	_ = 	snop  }
0x6: {  	_ = 	snop  }
0x7: {  	_ = 	snop  }
__scs_overlays_trampoline_lowered:
0x8: {  	[smem:$0x3FA6] =	sst s0  }
0x9: {  	[smem:$0x3FA7] =	sst s1  }
0xa: {  	[smem:$0x3FA8] =	sst s2  }
0xb: {  	[smem:$0x3FA9] =	sst s3  }
0xc: {  	[smem:$0x3FAA] =	sst s4  }
0xd: {  	[smem:$0x3FAB] =	sst s5  }
0xe: {  	[smem:$0x3FAC] =	sst s6  }
0xf: {  	[smem:$0x3FAD] =	sst s7  }
0x10: {  	[smem:$0x3FAE] =	sst s8  }
0x11: {  	[smem:$0x3FAF] =	sst s9;
	s0 =	simm.s32 @!p0 $0x0  }
0x12: {  	s1 =	sld [smem:$0x3F95];
	s0 =	simm.s32 @p0 $0x1  }
0x13: {  	[smem:$0x3FB0] =	sst s0;
	s0 =	simm.s32 @!p1 $0x0  }
0x14: {  	s2 =	sld [smem:$0x3F94];
	s0 =	simm.s32 @p1 $0x1  }
0x15: {  	[smem:$0x3FB1] =	sst s0;
	s0 =	simm.s32 @!p2 $0x0  }
0x16: {  	s3 =	sld [smem:$0x3FDB];
	s0 =	simm.s32 @p2 $0x1  }
0x17: {  	s4 =	simm.s32 $0x1BF5;
	[smem:$0x3FB3] =	sst s0  }
0x18: {  	s0 =	sld [smem:$0x3F96];
	_ =	swait.ge [sflag:s4], $0x0  }
0x19: {  	s7 =	sld [smem:$0x3F97]  }
0x1a: {  	s8 =	sadd.s32 $0xFFFFE003, lr  }
0x1b: {  	s9 =	sadd.s32 $0xFFFFFEF7, lr;
	s5 =	simm.s32 $0xFFFFFFFF;
	p2 =	slt.u32 s8, $0xFFFFF086  }
0x1c: {  	p1 =	slt.u32 s9, $0xF7A;
	s5 =	simm.s32 @!p2 $0x0  }
0x1d: {  	s5 =	simm.s32 @p1 $0x1;
	p0 =	seq.s32 s7, s2  }
0x1e: {  	s7 =	smul.u32 @!p0 $0xF7A, s2;
	p2 =	seq.s32 @!p0 s5, $0x0  }
0x1f: {  	s9 =	smul.u32 $0xF7A, s1;
	s8 =	simm.s32 @!p0 $0x1BF5;
	p2 =	por !p2, p0  }
0x20: {  	[sflag:s8] =	ssyncset.s32 @!p0 $0xFFFFF086;
	s6 =	sadd.s32 @!p0 s3, s7;
	s7 =	simm.s32 @!p0 $0x108  }
0x21: {  	s3 =	sadd.s32 s3, s9;
	s6 =	sadd.s32 @!p0 $0x88, s6;
	s7 =	simm.s32 @p2 $0x1082  }
0x22: {  	[simem:s7], [sflag:s8] =	dma.local @!p0 [hbm:s6], $0xF7A  }
0x23: {  	s9 =	sor.u32 $0xD0000000, s2;
	s6 =	simm.s32 $0x108;
	_ =	swait.ge @!p0 [sflag:s8], $0x0  }
0x24: {  	s3 =	sadd.s32 $0x88, s3;
	s6 =	simm.s32 @!p1 $0x1082;
	[sflag:s4] =	ssyncset.s32 $0xFFFFF086  }
0x25: {  	[simem:s6], [sflag:s4] =	dma.local [hbm:s3], $0xF7A  }
0x26: {  	[smem:$0x3F97] =	sst s1;
	(tag) =	ssettag s2;
	_ =	strace s9  }
0x27: {  	s1 =	sld [smem:$0x3FA7]  }
0x28: {  	s2 =	sld [smem:$0x3FA8]  }
0x29: {  	s4 =	sld [smem:$0x3FAA]  }
0x2a: {  	p0 =	seq.s32 s5, $0x0;
	s5 =	sld [smem:$0x3FAB]  }
0x2b: {  	s6 =	sld [smem:$0x3FAC]  }
0x2c: {  	s7 =	sld [smem:$0x3FAD]  }
0x2d: {  	s3 =	simm.s32 $0x108;
	s8 =	sld [smem:$0x3FAE]  }
0x2e: {  	s3 =	simm.s32 @!p0 $0x1082;
	s9 =	sld [smem:$0x3FAF]  }
0x2f: {  	lr =	sadd.s32 s0, s3;
	s0 =	sld [smem:$0x3FA6]  }
0x30: {  	s3 =	sld [smem:$0x3FA9]  }
0x31: {  	[smem:$0x3FB2] =	sst s10  }
0x32: {  	s10 =	sld [smem:$0x3FB0];
	_ =	sdelay $0x3  }
0x33: {  	p0 =	seq.s32 s10, $0x1;
	s10 =	sld [smem:$0x3FB2];
	_ =	sdelay $0x3  }
0x34: {  	[smem:$0x3FB2] =	sst s10  }
0x35: {  	s10 =	sld [smem:$0x3FB1];
	_ =	sdelay $0x3  }
0x36: {  	p1 =	seq.s32 s10, $0x1;
	s10 =	sld [smem:$0x3FB2];
	_ =	sdelay $0x3  }
0x37: {  	[smem:$0x3FB2] =	sst s10  }
0x38: {  	s10 =	sld [smem:$0x3FB3]  }
0x39: {  	_ = 	snop;
	(pc) =	sbr.ind lr, $3  }
0x3a: {  	_ = 	snop  }
0x3b: {  	_ = 	snop  }
0x3c: {  	p2 =	seq.s32 s10, $0x1;
	s10 =	sld [smem:$0x3FB2]  }
0x3d: {  	_ =	shalt  }
0x3e: {  	_ =	shalt  }
0x3f: {  	_ =	shalt  }
0x40: {  	_ =	shalt  }
0x41: {  	_ =	shalt  }
0x42: {  	_ =	shalt  }
0x43: {  	_ =	shalt  }
0x44: {  	_ =	shalt  }
0x45: {  	_ =	shalt  }
0x46: {  	_ =	shalt  }
0x47: {  	_ =	shalt  }
0x48: {  	_ =	shalt  }
0x49: {  	_ =	shalt  }
0x4a: {  	_ =	shalt  }
0x4b: {  	_ =	shalt  }
0x4c: {  	_ =	shalt  }
0x4d: {  	_ =	shalt  }
0x4e: {  	_ =	shalt  }
0x4f: {  	_ =	shalt  }
0x50: {  	_ =	shalt  }
0x51: {  	_ =	shalt  }
0x52: {  	_ =	shalt  }
0x53: {  	_ =	shalt  }
0x54: {  	_ =	shalt  }
0x55: {  	_ =	shalt  }
0x56: {  	_ =	shalt  }
0x57: {  	_ =	shalt  }
0x58: {  	_ =	shalt  }
0x59: {  	_ =	shalt  }
0x5a: {  	_ =	shalt  }
0x5b: {  	_ =	shalt  }
0x5c: {  	_ =	shalt  }
0x5d: {  	_ =	shalt  }
0x5e: {  	_ =	shalt  }
0x5f: {  	_ =	shalt  }
0x60: {  	_ =	shalt  }
0x61: {  	_ =	shalt  }
0x62: {  	_ =	shalt  }
0x63: {  	_ =	shalt  }
0x64: {  	_ =	shalt  }
0x65: {  	_ =	shalt  }
0x66: {  	_ =	shalt  }
0x67: {  	_ =	shalt  }
0x68: {  	_ =	shalt  }
0x69: {  	_ =	shalt  }
0x6a: {  	_ =	shalt  }
0x6b: {  	_ =	shalt  }
0x6c: {  	_ =	shalt  }
0x6d: {  	_ =	shalt  }
0x6e: {  	_ =	shalt  }
0x6f: {  	_ =	shalt  }
0x70: {  	_ =	shalt  }
0x71: {  	_ =	shalt  }
0x72: {  	_ =	shalt  }
0x73: {  	_ =	shalt  }
0x74: {  	_ =	shalt  }
0x75: {  	_ =	shalt  }
0x76: {  	_ =	shalt  }
0x77: {  	_ =	shalt  }
0x78: {  	_ =	shalt  }
0x79: {  	_ =	shalt  }
0x7a: {  	_ =	shalt  }
0x7b: {  	_ =	shalt  }
0x7c: {  	_ =	shalt  }
0x7d: {  	_ =	shalt  }
0x7e: {  	_ =	shalt  }
0x7f: {  	_ =	shalt  }
0x80: {  	_ =	shalt  }
0x81: {  	_ =	shalt  }
0x82: {  	_ =	shalt  }
0x83: {  	_ =	shalt  }
0x84: {  	_ =	shalt  }
0x85: {  	_ =	shalt  }
0x86: {  	_ =	shalt  }
0x87: {  	_ =	shalt  }
.Lfunc_end0:
.L_simem_size_0:
called_computation_lowered:
.L_overlay_start_0:
0x88: {  	s2 =	sld [smem:$0x3FD9]  }
0x89: {  	s3 =	sld [smem:$0x3FFE];
	_ =	sdelay $0x1  }
0x8a: {  	s1 =	srdreg.scid  }
0x8b: {  	s0 =	sand.u32 $0x1, s1  }
0x8c: {  	s17 =	sshll.u32 s0, $0xA;
	s2 =	sadd.s32 s3, s2  }
0x8d: {  	s2 =	sadd.s32 s2, s17  }
0x8e: {  	[smem:$0x3FBE] =	sst s2  }
0x8f: {  	_ = 	snop  }
0x90: {  	s2 =	sld [smem:$0x3FD0];
	(tm) =	ssettm $0x1  }
0x91: {  	s18 =	sld [smem:$0x3FFB];
	_ =	sdelay $0x3  }
0x92: {  	_ =	strace s18  }
0x93: {  	s3 =	sld [smem:$0x3FFC];
	_ =	sdelay $0x3  }
0x94: {  	_ =	strace s3  }
0x95: {  	s3 =	sld [smem:$0x3FFD];
	_ =	sdelay $0x3  }
0x96: {  	_ =	strace s3  }
0x97: {  	_ =	strace $0x8FFFFFFF  }
0x98: {  	s19 =	sld [smem:$0x3FDB];
	_ =	sdelay $0x1  }
0x99: {  	s4 =	simm.s32 $_scs_section_size  }
0x9a: {  	s5 =	simm.s32 $_size__tile_overlayer_lowered;
	s6 =	simm.s32 $_tile_overlayer_lowered  }
0x9b: {  	s22 =	simm.s32 $0x1BFF;
	s21 =	sshll.u32 s6, $0x1;
	s3 =	sadd.s32 s4, s19  }
0x9c: {  	s7 =	simm.s32 $0x0;
	s20 =	sshll.u32 s5, $0x1;
	s5 =	sadd.s32 s21, s3  }
0x9d: {  	[timem:s7], [sflag:s22] =	dma.local [hbm:s5], s20  }
0x9e: {  	_ =	swait.ge [sflag:s22], s20  }
0x9f: {  	s4 =	ssub.s32 $0x0, s20;
	[sflag:s22] =	ssyncset.done $0x0  }
0xa0: {  	[sflag:s22] =	ssyncadd.s32 s4;
	_ =	sdelay $0x1  }
0xa1: {  	s23 =	simm.s32 $0x1B8B  }
0xa2: {  	_ =	swait.ge [sflag:s23], $0x1  }
0xa3: {  	[sflag:s23] =	ssyncset.done $0x0  }
0xa4: {  	s25 =	simm.s32 $0x1B8E;
	s24 =	sld [smem:$0x3FFE];
	[sflag:s23] =	ssyncadd.s32 $0xFFFFFFFF  }
0xa5: {  	s26 =	simm.s32 $execute0_lowered;
	[smem:$0x3FD2] =	sst s25  }
0xa6: {  	s5 =	sshll.u32 s26, $0x1;
	_ =	strace $0x80000046;
	[dreg:$0x1] =	wrdreg $0xFFFFFFFF  }
0xa7: {  	s28 =	simm.s32 $_size_execute0_lowered;
	s3 =	sadd.s32 s3, s5;
	[dreg:$0x0] =	wrdreg $0x0  }
0xa8: {  	s5 =	sshll.u32 s28, $0x1;
	[dreg:$0x2] =	wrdreg s3  }
0xa9: {  	[dreg:$0x3] =	wrdreg s5  }
0xaa: {  	[dreg:$0x4] =	wrdreg $0xC0  }
0xab: {  	_ =	task [dreg:s7], $0x5FFFF  }
0xac: {  	[dreg:$0x1] =	wrdreg $0xFFFFFFFF  }
0xad: {  	[dreg:$0x0] =	wrdreg $0x60  }
0xae: {  	[dreg:$0x2] =	wrdreg s24  }
0xaf: {  	[dreg:$0x3] =	wrdreg s2  }
0xb0: {  	[dreg:$0x4] =	wrdreg $0x9  }
0xb1: {  	_ =	task.clear_ibuf [dreg:s7], $0x5FFFF;
	_ =	strace $0x90000046  }
0xb2: {  	s29 =	simm.s32 $0x9;
	_ =	strace $0x80000048  }
0xb3: {  	_ =	swait.ge [sflag:s29], $0x1  }
0xb4: {  	[sflag:s29] =	ssyncadd.s32 $0xFFFFFFFF  }
0xb5: {  	_ =	strace $0x90000048  }
0xb6: {  	_ =	sfence  }
0xb7: {  	s30 =	sld [smem:$0x0];
	_ =	sdelay $0x2  }
0xb8: {  	s31 =	sshll.u32 s1, $0xD;
	s1 =	sshrl.u32 s1, $0x2  }
0xb9: {  	s3 =	sand.u32 $0x4000, s31;
	s1 =	sadd.s32 s1, s30  }
0xba: {  	s0 =	sor.u32 s3, s0;
	s1 =	sshll.u32 s1, $0x11  }
0xbb: {  	s0 =	sor.u32 s1, s0  }
0xbc: {  	s0 =	sadd.s32 $0x8F2B, s0  }
0xbd: {  	[sflag:s0] =	ssyncadd.remote.s32 $0x1  }
0xbe: {  	_ =	sfence.sel $0xFFFF  }
0xbf: {  	[dreg:$0x0] =	wrdreg $0xFFFFFFFF;
	(pc) =	sbr.abs _section_cstart, $3  }
0xc0: {  	[dreg:$0x1] =	wrdreg $0xFFFFFFFF  }
0xc1: {  	_ =	task.clear_ibuf [dreg:s7], $0x2FFFF;
	_ =	strace $0x9FFFFFFF  }
0xc2: {  	(tm) =	ssettm $0x7FFFFFFF  }
0xc3: {  	_ =	shalt  }
tec
execute0_lowered:
.L_overlay_start_1:
0x0: {  	(tag) =	ssettag $0x1  }
0x1: {  	s0 =	srdreg.scid;
	s1 =	rddreg [dreg:$0x0]  }
0x2: {  	s2 =	stileid.u32;
	s5 =	rddreg [dreg:$0x1];
	s8 =	simm.s32 $0x80  }
0x3: {  	s10 =	simm.s32 $0x48;
	s13 =	simm.s32 $0x7088;
	s14 =	simm.s32 $0x148  }
0x4: {  	s15 =	simm.s32 $0x7888;
	s16 =	simm.s32 $0x190;
	s17 =	simm.s32 $0x7D08  }
0x5: {  	s18 =	simm.s32 $0x210;
	s19 =	simm.s32 $0x8508;
	s20 =	simm.s32 $0x258  }
0x6: {  	s21 =	simm.s32 $0x8988;
	s22 =	simm.s32 $0x2D8;
	s23 =	simm.s32 $0x9188  }
0x7: {  	s24 =	simm.s32 $0x1;
	s25 =	simm.s32 $0x2;
	s26 =	simm.s32 $0x3  }
0x8: {  	s28 =	simm.s32 $0x4;
	s0 =	sand.u32 $0x1, s0;
	s2 =	sshll.u32 s2, $0x1  }
0x9: {  	s29 =	simm.s32 $0x9608;
	s30 =	simm.s32 $0x0;
	s4 =	sor.u32 s0, s2  }
.Ltmp0:
0xa: {  	s2 =	simm.s32 $0x0;
	s0 =	ssub.s32 $0x2, s0;
	(pc) =	sbr.rel .LBB2_1-.Ltmp0, $4  }
0xb: {  	s3 =	smul.u32 $0xC80, s4;
	[smem:$0x7FF] =	sst s2;
	s31 =	sshrl.u32 s0, $0x1  }
0xc: {  	s7 =	sshll.u32 s4, $0x9;
	_ =	strace $0x80000047;
	s0 =	ssub.s32 s0, s31  }
0xd: {  	s5 =	sadd.s32 s5, s7;
	s7 =	simm.s32 $0x5;
	s6 =	sadd.s32 s3, s1  }
0xe: {  	vm0 =	vmmov $0xff;
	s3 =	sadd.s32 $0x1AE00, s1;
	s4 =	sadd.s32 $0x1E00, s6;
	s6 =	smax.u32 s0, $0x1  }
.LBB2_14:
0xf: {  	s30 =	sadd.s32 $0x1, s30  }
0x10: {  	p0 =	sne.s32 s30, s6  }
.Ltmp1:
0x11: {  	_ = 	snop;
	(pc) =	sbr.rel @!p0 .LBB2_15-.Ltmp1, $4  }
0x12: {  	[hbm4b:s5+s2] =	stream.linear.scatter [tilespmem:s29], [sflag:$0x5], $0x1000, $0x38;
	[tilespmem:$0xA608] =	vst v63  }
0x13: {  	_ =	swait.ge [sflag:s7], $0x1000  }
0x14: {  	[sflag:s7] =	ssyncset.done $0x0  }
0x15: {  	[sflag:s7] =	ssyncadd.s32 $0xFFFFF000  }
.LBB2_1:
0x16: {  	[tilespmem:s2], [sflag:$0x5] =	stream.linear.gather [hbm4b:s4+s2], $0x6400, $0x38;
	[tilespmem:$0xA608] =	vst v63  }
0x17: {  	_ =	swait.ge [sflag:s7], $0x6400  }
0x18: {  	[sflag:s7] =	ssyncset.done $0x0  }
0x19: {  	s0 =	simm.s32 $0x40;
	[sflag:s7] =	ssyncadd.s32 $0xFFFF9C00  }
0x1a: {  	v0 =	vld [tilespmem:s0+$0xFFFFFFC0]  }
0x1b: {  	v1 =	vld [tilespmem:s0+$0xFFFFFFD0]  }
0x1c: {  	v3 =	vld [tilespmem:s0+$0xFFFFFFE0]  }
0x1d: {  	v10 =	vld [tilespmem:s0+$0x10];
	_ =	sdelay $0x1  }
0x1e: {  	v4 =	vshll.u32 v0, $0x3;
	v5 =	vand.u32 $0xFFFFC000, v0  }
0x1f: {  	v2 =	vld [tilespmem:s0+$0xFFFFFFF0];
	v0 =	vshrl.u32 v0, $0xB;
	v6 =	vshll.u32 v1, $0x3;
	v8 =	vand.u32 $0xFFFFC000, v1  }
0x20: {  	v1 =	vshrl.u32 v1, $0xB;
	v9 =	vshll.u32 v3, $0x3;
	v11 =	vand.u32 $0xFFFFC000, v3  }
0x21: {  	v7 =	vld [tilespmem:s0+$0x0];
	v3 =	vshrl.u32 v3, $0xB;
	v12 =	vand.u32 $0xFFFFC000, v10;
	v4 =	vand.u32 $0x3FF8, v4  }
0x22: {  	v0 =	vand.u32 $0x7, v0;
	v6 =	vand.u32 $0x3FF8, v6;
	v1 =	vand.u32 $0x7, v1  }
0x23: {  	v9 =	vand.u32 $0x3FF8, v9;
	v3 =	vand.u32 $0x7, v3;
	v4 =	vor.u32 v5, v4  }
0x24: {  	v5 =	vshll.u32 v2, $0x3;
	v6 =	vor.u32 v8, v6;
	v8 =	vor.u32 v11, v9  }
0x25: {  	v9 =	vshll.u32 v10, $0x3;
	v10 =	vshrl.u32 v10, $0xB;
	v0 =	vor.u32 v0, v4;
	v4 =	vld [tilespmem:s0+$0x20]  }
0x26: {  	v11 =	vld [tilespmem:s0+$0x30];
	v1 =	vor.u32 v1, v6;
	v3 =	vor.u32 v3, v8;
	v6 =	vshll.u32 v7, $0x3  }
0x27: {  	v8 =	vand.u32 $0xFFFFC000, v7;
	v7 =	vshrl.u32 v7, $0xB;
	v9 =	vand.u32 $0x3FF8, v9  }
0x28: {  	v5 =	vand.u32 $0x3FF8, v5;
	v6 =	vand.u32 $0x3FF8, v6;
	v7 =	vand.u32 $0x7, v7  }
0x29: {  	[tilespmem:s0+$0xFFFFFFC0] =	vst v0;
	v0 =	vor.u32 v12, v9;
	v6 =	vor.u32 v8, v6;
	v8 =	vand.u32 $0x7, v10  }
0x2a: {  	s1 =	simm.s32 $0xC0;
	[tilespmem:s0+$0xFFFFFFD0] =	vst v1;
	v6 =	vor.u32 v7, v6;
	v0 =	vor.u32 v8, v0;
	v9 =	vshll.u32 v4, $0x3  }
0x2b: {  	v8 =	vand.u32 $0xFFFFC000, v11;
	v1 =	vand.u32 $0xFFFFC000, v4;
	v7 =	vand.u32 $0x3FF8, v9;
	v9 =	vld [tilespmem:s1+$0xFFFFFFC0]  }
0x2c: {  	v4 =	vshrl.u32 v4, $0xB;
	[tilespmem:s0+$0xFFFFFFE0] =	vst v3;
	v3 =	vor.u32 v1, v7;
	v7 =	vshll.u32 v11, $0x3  }
0x2d: {  	v4 =	vand.u32 $0x7, v4;
	v1 =	vld [tilespmem:s1+$0xFFFFFFF0];
	[tilespmem:s0+$0x0] =	vst v6;
	v6 =	vand.u32 $0x3FF8, v7;
	v7 =	vshrl.u32 v11, $0xB  }
0x2e: {  	[tilespmem:s0+$0x10] =	vst v0;
	v3 =	vor.u32 v4, v3;
	v0 =	vor.u32 v8, v6;
	v4 =	vand.u32 $0x7, v7;
	v6 =	vld [tilespmem:s1+$0xFFFFFFD0]  }
0x2f: {  	v7 =	vand.u32 $0xFFFFC000, v2;
	v8 =	vld [tilespmem:s1+$0xFFFFFFE0];
	v2 =	vshrl.u32 v2, $0xB;
	v4 =	vor.u32 v4, v0  }
0x30: {  	v0 =	vor.u32 v7, v5;
	v2 =	vand.u32 $0x7, v2;
	v5 =	vshll.u32 v9, $0x3  }
0x31: {  	[tilespmem:s0+$0x20] =	vst v3;
	v3 =	vand.u32 $0xFFFFC000, v9;
	v7 =	vshrl.u32 v9, $0xB;
	v5 =	vand.u32 $0x3FF8, v5  }
0x32: {  	[tilespmem:s0+$0x30] =	vst v4;
	v4 =	vor.u32 v3, v5;
	v5 =	vand.u32 $0x7, v7;
	v3 =	vshll.u32 v1, $0x3  }
0x33: {  	v10 =	vld [tilespmem:s1+$0x0];
	v7 =	vand.u32 $0xFFFFC000, v6;
	v9 =	vshll.u32 v6, $0x3;
	v6 =	vshrl.u32 v6, $0xB  }
0x34: {  	v62 =	vld [tilespmem:s1+$0x10];
	v11 =	vshll.u32 v8, $0x3;
	v13 =	vand.u32 $0xFFFFC000, v8;
	v8 =	vshrl.u32 v8, $0xB  }
0x35: {  	v9 =	vand.u32 $0x3FF8, v9;
	v6 =	vand.u32 $0x7, v6;
	v11 =	vand.u32 $0x3FF8, v11  }
0x36: {  	v8 =	vand.u32 $0x7, v8;
	v7 =	vor.u32 v7, v9;
	v9 =	vor.u32 v13, v11  }
0x37: {  	v5 =	vor.u32 v5, v4;
	v11 =	vor.u32 v6, v7;
	v4 =	vor.u32 v8, v9;
	v9 =	vld [tilespmem:s1+$0x20]  }
0x38: {  	v6 =	vand.u32 $0xFFFFC000, v10;
	v7 =	vshll.u32 v10, $0x3;
	v8 =	vshrl.u32 v10, $0xB  }
0x39: {  	[tilespmem:s1+$0xFFFFFFC0] =	vst v5;
	v5 =	vld [tilespmem:s1+$0x30];
	v10 =	vshll.u32 v62, $0x3;
	v63 =	vand.u32 $0xFFFFC000, v62;
	v12 =	vshrl.u32 v62, $0xB  }
0x3a: {  	v7 =	vand.u32 $0x3FF8, v7;
	v8 =	vand.u32 $0x7, v8;
	v10 =	vand.u32 $0x3FF8, v10  }
0x3b: {  	v12 =	vand.u32 $0x7, v12;
	v6 =	vor.u32 v6, v7;
	v10 =	vor.u32 v63, v10  }
0x3c: {  	v7 =	vor.u32 v8, v6;
	v6 =	vor.u32 v12, v10;
	v10 =	vshll.u32 v9, $0x3  }
0x3d: {  	s9 =	simm.s32 $0x8;
	s31 =	simm.s32 $0x140;
	[tilespmem:s1+$0xFFFFFFD0] =	vst v11;
	v8 =	vand.u32 $0xFFFFC000, v9;
	v9 =	vshrl.u32 v9, $0xB;
	v10 =	vand.u32 $0x3FF8, v10  }
.LBB2_2:
0x3e: {  	v11 =	vld [tilespmem:s31+$0xFFFFFFC0];
	[tilespmem:s1+$0xFFFFFFE0] =	vst v4;
	v4 =	vor.u32 v8, v10;
	v8 =	vand.u32 $0x7, v9;
	v9 =	vshll.u32 v5, $0x3  }
0x3f: {  	v10 =	vld [tilespmem:s31+$0xFFFFFFF0];
	[tilespmem:s1+$0x0] =	vst v7;
	v7 =	vand.u32 $0xFFFFC000, v5;
	v9 =	vand.u32 $0x3FF8, v9;
	v5 =	vshrl.u32 v5, $0xB  }
0x40: {  	v4 =	vor.u32 v8, v4;
	[tilespmem:s1+$0x10] =	vst v6;
	v6 =	vor.u32 v7, v9;
	v5 =	vand.u32 $0x7, v5  }
0x41: {  	v3 =	vand.u32 $0x3FF8, v3;
	v8 =	vand.u32 $0xFFFFC000, v1;
	v7 =	vld [tilespmem:s31+$0xFFFFFFD0];
	[tilespmem:s1+$0x20] =	vst v4;
	v4 =	vor.u32 v5, v6  }
0x42: {  	v9 =	vshrl.u32 v1, $0xB;
	v5 =	vld [tilespmem:s31+$0xFFFFFFE0];
	[tilespmem:s1+$0x30] =	vst v4;
	v4 =	vor.u32 v2, v0;
	v0 =	vor.u32 v8, v3  }
0x43: {  	v2 =	vand.u32 $0x7, v9;
	v3 =	vshll.u32 v11, $0x3;
	[tilespmem:s0+$0xFFFFFFF0] =	vst v4;
	s0 =	smov.u32 s1;
	s1 =	smov.u32 s31  }
0x44: {  	v4 =	vand.u32 $0xFFFFC000, v11;
	v6 =	vshrl.u32 v11, $0xB;
	v3 =	vand.u32 $0x3FF8, v3;
	v1 =	vmovc v10  }
0x45: {  	v6 =	vand.u32 $0x7, v6;
	v4 =	vor.u32 v4, v3;
	v3 =	vshll.u32 v1, $0x3  }
0x46: {  	v8 =	vand.u32 $0xFFFFC000, v7;
	v9 =	vshll.u32 v7, $0x3;
	v7 =	vshrl.u32 v7, $0xB;
	v10 =	vld [tilespmem:s31+$0x0]  }
0x47: {  	v9 =	vand.u32 $0x3FF8, v9;
	v7 =	vand.u32 $0x7, v7;
	v11 =	vshll.u32 v5, $0x3;
	v12 =	vld [tilespmem:s31+$0x10]  }
0x48: {  	v13 =	vand.u32 $0xFFFFC000, v5;
	v5 =	vshrl.u32 v5, $0xB;
	v11 =	vand.u32 $0x3FF8, v11  }
0x49: {  	v8 =	vor.u32 v8, v9;
	v5 =	vand.u32 $0x7, v5;
	v9 =	vor.u32 v13, v11  }
0x4a: {  	s9 =	sadd.s32 $0x8, s9;
	v6 =	vor.u32 v6, v4;
	v8 =	vor.u32 v7, v8;
	v4 =	vor.u32 v5, v9;
	v9 =	vld [tilespmem:s31+$0x20]  }
0x4b: {  	p0 =	slt.u32 s9, $0x638;
	v7 =	vand.u32 $0xFFFFC000, v10;
	v5 =	vshll.u32 v10, $0x3;
	v10 =	vshrl.u32 v10, $0xB  }
.Ltmp2:
0x4c: {  	v11 =	vand.u32 $0x3FF8, v5;
	v10 =	vand.u32 $0x7, v10;
	v13 =	vshll.u32 v12, $0x3;
	v5 =	vld [tilespmem:s31+$0x30];
	(pc) =	sbr.rel @p0 .LBB2_2-.Ltmp2, $4  }
0x4d: {  	v14 =	vand.u32 $0xFFFFC000, v12;
	v12 =	vshrl.u32 v12, $0xB;
	v13 =	vand.u32 $0x3FF8, v13  }
0x4e: {  	v7 =	vor.u32 v7, v11;
	v12 =	vand.u32 $0x7, v12;
	v11 =	vor.u32 v14, v13  }
0x4f: {  	v7 =	vor.u32 v10, v7;
	[tilespmem:s31+$0xFFFFFFC0] =	vst v6;
	v6 =	vor.u32 v12, v11;
	v10 =	vshll.u32 v9, $0x3  }
0x50: {  	s31 =	sadd.s32 $0x80, s31;
	[tilespmem:s1+$0xFFFFFFD0] =	vst v8;
	v8 =	vand.u32 $0xFFFFC000, v9;
	v10 =	vand.u32 $0x3FF8, v10;
	v9 =	vshrl.u32 v9, $0xB  }
0x51: {  	v8 =	vor.u32 v8, v10  }
0x52: {  	[tilespmem:s1+$0xFFFFFFE0] =	vst v4;
	v54 =	vand.u32 $0x7, v9;
	v55 =	vshll.u32 v5, $0x3;
	v56 =	vand.u32 $0xFFFFC000, v5  }
0x53: {  	[tilespmem:s1+$0x0] =	vst v7;
	v58 =	vshrl.u32 v5, $0xB;
	v60 =	vand.u32 $0xFFFFC000, v1;
	v3 =	vand.u32 $0x3FF8, v3  }
0x54: {  	[tilespmem:s1+$0x10] =	vst v6;
	v62 =	vshrl.u32 v1, $0xB;
	v57 =	vand.u32 $0x3FF8, v55;
	v4 =	vor.u32 v54, v8  }
0x55: {  	v0 =	vor.u32 v2, v0;
	v5 =	vand.u32 $0x7, v58;
	v59 =	vor.u32 v56, v57;
	[tilespmem:s1+$0x20] =	vst v4  }
0x56: {  	v3 =	vor.u32 v60, v3;
	v1 =	vand.u32 $0x7, v62;
	v61 =	vor.u32 v5, v59;
	[tilespmem:s0+$0xFFFFFFF0] =	vst v0  }
0x57: {  	v63 =	vor.u32 v1, v3;
	[tilespmem:s1+$0x30] =	vst v61  }
0x58: {  	s31 =	simm.s32 $0x0;
	s9 =	simm.s32 $0x6408;
	[tilespmem:s1+$0xFFFFFFF0] =	vst v63  }
0x59: {  	[tilespmem:s9], [sflag:$0x1] =	stream.indirect.gather [hbm4b:s3+s8], $0x10, s31, s8, $0xb8;
	[tilespmem:$0xA608] =	vst v63  }
0x5a: {  	s11 =	simm.s32 $0x6C08  }
0x5b: {  	[tilespmem:s11], [sflag:$0x1] =	stream.indirect.gather [hbm4b:s3+s10], $0x10, s8, s10, $0xb8;
	[tilespmem:$0xA608] =	vst v63  }
0x5c: {  	s12 =	simm.s32 $0xC8  }
0x5d: {  	[tilespmem:s13], [sflag:$0x2] =	stream.indirect.gather [hbm4b:s3+s8], $0x10, s12, s8, $0xb8;
	[tilespmem:$0xA608] =	vst v63  }
0x5e: {  	_ = 	snop  }
0x5f: {  	[tilespmem:s15], [sflag:$0x2] =	stream.indirect.gather [hbm4b:s3+s10], $0x10, s14, s10, $0xb8;
	[tilespmem:$0xA608] =	vst v63  }
0x60: {  	_ = 	snop  }
0x61: {  	[tilespmem:s17], [sflag:$0x3] =	stream.indirect.gather [hbm4b:s3+s8], $0x10, s16, s8, $0xb8;
	[tilespmem:$0xA608] =	vst v63  }
0x62: {  	_ = 	snop  }
0x63: {  	[tilespmem:s19], [sflag:$0x3] =	stream.indirect.gather [hbm4b:s3+s10], $0x10, s18, s10, $0xb8;
	[tilespmem:$0xA608] =	vst v63  }
0x64: {  	_ = 	snop  }
0x65: {  	[tilespmem:s21], [sflag:$0x4] =	stream.indirect.gather [hbm4b:s3+s8], $0x10, s20, s8, $0xb8;
	[tilespmem:$0xA608] =	vst v63  }
0x66: {  	_ = 	snop  }
0x67: {  	[tilespmem:s23], [sflag:$0x4] =	stream.indirect.gather [hbm4b:s3+s10], $0x10, s22, s10, $0xb8;
	[tilespmem:$0xA608] =	vst v63  }
.LBB2_4:
0x68: {  	_ =	swait.ge [sflag:s24], $0x800  }
0x69: {  	[sflag:s24] =	ssyncset.done $0x0  }
0x6a: {  	[sflag:s24] =	ssyncadd.s32 $0xFFFFF800  }
0x6b: {  	s0 =	smul.u32 $0xC80, s31;
	_ =	swait.ge [sflag:s24], $0x480  }
0x6c: {  	[sflag:s24] =	ssyncset.done $0x0  }
0x6d: {  	s1 =	sshra.s32 s0, $0x2;
	[sflag:s24] =	ssyncadd.s32 $0xFFFFFB80  }
0x6e: {  	v0 =	vld [tilespmem:s1+$0x0]  }
0x6f: {  	v1 =	vld [tilespmem:s1+$0x10]  }
0x70: {  	v2 =	vld [tilespmem:s1+$0x20]  }
0x71: {  	v3 =	vld [tilespmem:s1+$0x30]  }
0x72: {  	s9 =	simm.s32 $0x6448;
	v4 =	vld [tilespmem:s1+$0x40]  }
0x73: {  	v9 =	vld [tilespmem:s9+$0xFFFFFFC0]  }
0x74: {  	v5 =	vld [tilespmem:s1+$0x50]  }
0x75: {  	v6 =	vld [tilespmem:s1+$0x60]  }
0x76: {  	v15 =	vimm.f32 $0.0e+00;
	v8 =	vld [tilespmem:s1+$0x80];
	vm1 =	vgt.s32 v0, $0x0  }
0x77: {  	v10 =	vld [tilespmem:s1+$0x90];
	vm2 =	vgt.s32 v1, $0x0;
	v0 =	vmpcnt.ones.xlane vm1;
	vm1 =	vgt.s32 v2, $0x0  }
0x78: {  	v7 =	vld [tilespmem:s1+$0x70];
	v16 =	vand.u32 $0xFFFF0000, v9;
	v2 =	vmpcnt.ones.xlane vm1;
	vm1 =	vgt.s32 v3, $0x0  }
0x79: {  	v11 =	vld [tilespmem:s9+$0xFFFFFFD0];
	v1 =	vmpcnt.ones.xlane vm2;
	v3 =	vmpcnt.ones.xlane vm1;
	vm1 =	vgt.s32 v5, $0x0  }
0x7a: {  	v12 =	vld [tilespmem:s1+$0xA0];
	vm2 =	vgt.s32 v4, $0x0;
	v5 =	vmpcnt.ones.xlane vm1;
	vm1 =	vgt.s32 v6, $0x0  }
0x7b: {  	v13 =	vld [tilespmem:s9+$0xFFFFFFE0];
	v16 =	vadd.f32 v16, v15;
	v6 =	vmpcnt.ones.xlane vm1;
	vm1 =	vgt.s32 v8, $0x0  }
0x7c: {  	v14 =	vld [tilespmem:s1+$0xB0];
	v8 =	vmpcnt.ones.xlane vm1;
	vm1 =	vgt.s32 v10, $0x0;
	v10 =	vshll.u32 v9, $0x10  }
0x7d: {  	v17 =	vld [tilespmem:s9+$0xFFFFFFF0];
	v4 =	vmpcnt.ones.xlane vm2;
	vm2 =	vgt.s32 v7, $0x0;
	v15 =	vadd.f32 v10, v15  }
0x7e: {  	v18 =	vld [tilespmem:s1+$0xC0];
	v9 =	vmpcnt.ones.xlane vm1;
	v10 =	vand.u32 $0xFFFF0000, v11;
	v11 =	vshll.u32 v11, $0x10  }
0x7f: {  	vm1 =	vgt.s32 v12, $0x0;
	v12 =	vadd.f32 v10, v16;
	v16 =	vld [tilespmem:s9+$0x0];
	v15 =	vadd.f32 v11, v15  }
0x80: {  	v7 =	vmpcnt.ones.xlane vm2;
	v11 =	vand.u32 $0xFFFF0000, v13;
	v13 =	vshll.u32 v13, $0x10  }
0x81: {  	v19 =	vld [tilespmem:s9+$0x10];
	v10 =	vmpcnt.ones.xlane vm1;
	v12 =	vadd.f32 v11, v12;
	v13 =	vadd.f32 v13, v15  }
0x82: {  	vm1 =	vgt.s32 v14, $0x0;
	v14 =	vand.u32 $0xFFFF0000, v17;
	v15 =	vshll.u32 v17, $0x10  }
0x83: {  	v11 =	vmpcnt.ones.xlane vm1;
	v14 =	vadd.f32 v14, v12;
	v17 =	vadd.f32 v15, v13;
	v13 =	vld [tilespmem:s9+$0x20]  }
0x84: {  	vm1 =	vgt.s32 v18, $0x0;
	v15 =	vand.u32 $0xFFFF0000, v16;
	v16 =	vshll.u32 v16, $0x10  }
0x85: {  	vm1 =	vmand vm1, vm0;
	v15 =	vadd.f32 v15, v14;
	v14 =	vld [tilespmem:s9+$0x30];
	v16 =	vadd.f32 v16, v17  }
0x86: {  	s0 =	simm.s32 $0x0;
	v18 =	vshll.u32 v19, $0x10;
	v12 =	vmpcnt.ones.xlane vm1;
	s9 =	simm.s32 $0x64C8;
	v17 =	vand.u32 $0xFFFF0000, v19  }
.LBB2_5:
0x87: {  	v19 =	vld [tilespmem:s9+$0xFFFFFFC0];
	s0 =	sadd.s32 $0x8, s0;
	v15 =	vadd.f32 v17, v15;
	v16 =	vadd.f32 v18, v16  }
0x88: {  	p0 =	slt.u32 s0, $0xC0;
	v17 =	vand.u32 $0xFFFF0000, v13;
	v13 =	vshll.u32 v13, $0x10  }
0x89: {  	v18 =	vld [tilespmem:s9+$0xFFFFFFD0];
	v15 =	vadd.f32 v17, v15;
	v13 =	vadd.f32 v13, v16  }
0x8a: {  	v16 =	vand.u32 $0xFFFF0000, v14;
	v14 =	vshll.u32 v14, $0x10  }
0x8b: {  	v17 =	vld [tilespmem:s9+$0xFFFFFFE0];
	v15 =	vadd.f32 v16, v15;
	v13 =	vadd.f32 v14, v13  }
0x8c: {  	v14 =	vand.u32 $0xFFFF0000, v19;
	v16 =	vshll.u32 v19, $0x10  }
0x8d: {  	v14 =	vadd.f32 v14, v15;
	v13 =	vadd.f32 v16, v13;
	v15 =	vld [tilespmem:s9+$0xFFFFFFF0]  }
0x8e: {  	v16 =	vand.u32 $0xFFFF0000, v18;
	v18 =	vshll.u32 v18, $0x10  }
0x8f: {  	v14 =	vadd.f32 v16, v14;
	v13 =	vadd.f32 v18, v13;
	v16 =	vld [tilespmem:s9+$0x0]  }
0x90: {  	v18 =	vand.u32 $0xFFFF0000, v17;
	v17 =	vshll.u32 v17, $0x10  }
0x91: {  	v14 =	vadd.f32 v18, v14;
	v13 =	vadd.f32 v17, v13;
	v18 =	vld [tilespmem:s9+$0x10]  }
.Ltmp3:
0x92: {  	v17 =	vand.u32 $0xFFFF0000, v15;
	v15 =	vshll.u32 v15, $0x10;
	(pc) =	sbr.rel @p0 .LBB2_5-.Ltmp3, $4  }
0x93: {  	v14 =	vadd.f32 v17, v14;
	v17 =	vadd.f32 v15, v13;
	v13 =	vld [tilespmem:s9+$0x20]  }
0x94: {  	v15 =	vand.u32 $0xFFFF0000, v16;
	v16 =	vshll.u32 v16, $0x10  }
0x95: {  	v15 =	vadd.f32 v15, v14;
	v16 =	vadd.f32 v16, v17;
	v14 =	vld [tilespmem:s9+$0x30]  }
0x96: {  	s9 =	sadd.s32 $0x80, s9;
	v17 =	vand.u32 $0xFFFF0000, v18;
	v18 =	vshll.u32 v18, $0x10  }
0x97: {  	v0 =	vadd.s32 v0, v1  }
0x98: {  	v0 =	vadd.s32 v2, v0  }
0x99: {  	v0 =	vadd.s32 v3, v0  }
0x9a: {  	v0 =	vadd.s32 v4, v0  }
0x9b: {  	v0 =	vadd.s32 v5, v0  }
0x9c: {  	v0 =	vadd.s32 v6, v0  }
0x9d: {  	v0 =	vadd.s32 v7, v0  }
0x9e: {  	v0 =	vadd.s32 v8, v0  }
0x9f: {  	v0 =	vadd.s32 v9, v0  }
0xa0: {  	v0 =	vadd.s32 v10, v0  }
0xa1: {  	v0 =	vadd.s32 v11, v0  }
0xa2: {  	v0 =	vadd.s32 v12, v0  }
0xa3: {  	v0 =	vcvt.s32.f32 v0;
	_ =	sdelay $0x1  }
0xa4: {  	v0 =	vmax.f32 v0, $1.000000000e+00  }
0xa5: {  	(erf) = vrcp.f32 v0;
	_ =	sdelay $0x3  }
0xa6: {  	v0 =	vadd.f32 v17, v15  }
0xa7: {  	v1 =	vadd.f32 v18, v16;
	v2 =	vand.u32 $0xFFFF0000, v13  }
0xa8: {  	v3 =	vshll.u32 v13, $0x10;
	v0 =	vadd.f32 v2, v0;
	v2 =	vand.u32 $0xFFFF0000, v14  }
0xa9: {  	v1 =	vadd.f32 v3, v1  }
0xaa: {  	v3 =	vshll.u32 v14, $0x10;
	v0 =	vadd.f32 v2, v0  }
0xab: {  	v1 =	vadd.f32 v3, v1;
	v2 =	vpop (erf)  }
0xac: {  	s0 =	sshll.u32 s31, $0x7;
	v0 =	vmul.f32 v0, v2  }
0xad: {  	s0 =	sand.u32 $0x3FFFFF80, s0;
	v1 =	vmul.f32 v1, v2  }
0xae: {  	p0 =	seq.s32 s31, $0x1F;
	[tilespmem:s0+$0x9608] =	vst v0  }
0xaf: {  	s9 =	simm.s32 @!p0 $0x80;
	s11 =	simm.s32 @!p0 $0x6408;
	[tilespmem:s0+$0x9618] =	vst v1;
	s0 =	sadd.s32 @!p0 $0x320, s1  }
0xb0: {  	[tilespmem:s11], [sflag:$0x1] =	stream.indirect.gather @!p0 [hbm4b:s3+s9], $0x10, s0, s9, $0xb8;
	[tilespmem:$0xA608] =	vst v63  }
0xb1: {  	s0 =	sadd.s32 @!p0 $0x3A0, s1;
	s9 =	simm.s32 @!p0 $0x48;
	s11 =	simm.s32 @!p0 $0x6C08  }
0xb2: {  	[tilespmem:s11], [sflag:$0x1] =	stream.indirect.gather @!p0 [hbm4b:s3+s9], $0x10, s0, s9, $0xb8;
	[tilespmem:$0xA608] =	vst v63  }
0xb3: {  	_ =	swait.ge [sflag:s25], $0x800  }
0xb4: {  	s0 =	sshll.u32 s31, $0x2;
	[sflag:s25] =	ssyncset.done $0x0  }
0xb5: {  	s9 =	sor.u32 $0x1, s0;
	[sflag:s25] =	ssyncadd.s32 $0xFFFFF800  }
0xb6: {  	s12 =	smul.u32 $0x320, s9;
	_ =	swait.ge [sflag:s25], $0x480  }
0xb7: {  	[sflag:s25] =	ssyncset.done $0x0  }
0xb8: {  	s11 =	sshra.s32 s12, $0x2;
	[sflag:s25] =	ssyncadd.s32 $0xFFFFFB80  }
0xb9: {  	v0 =	vld [tilespmem:s11+$0x0]  }
0xba: {  	v1 =	vld [tilespmem:s11+$0x10]  }
0xbb: {  	v2 =	vld [tilespmem:s11+$0x20]  }
0xbc: {  	v3 =	vld [tilespmem:s11+$0x30]  }
0xbd: {  	s12 =	simm.s32 $0x70F8;
	v4 =	vld [tilespmem:s11+$0x40]  }
0xbe: {  	v9 =	vld [tilespmem:s12+$0xFFFFFF90]  }
0xbf: {  	v5 =	vld [tilespmem:s11+$0x50]  }
0xc0: {  	v6 =	vld [tilespmem:s11+$0x60]  }
0xc1: {  	v15 =	vimm.f32 $0.0e+00;
	v8 =	vld [tilespmem:s11+$0x80];
	vm1 =	vgt.s32 v0, $0x0  }
0xc2: {  	v10 =	vld [tilespmem:s11+$0x90];
	vm2 =	vgt.s32 v1, $0x0;
	v0 =	vmpcnt.ones.xlane vm1;
	vm1 =	vgt.s32 v2, $0x0  }
0xc3: {  	v7 =	vld [tilespmem:s11+$0x70];
	v16 =	vand.u32 $0xFFFF0000, v9;
	v2 =	vmpcnt.ones.xlane vm1;
	vm1 =	vgt.s32 v3, $0x0  }
0xc4: {  	v11 =	vld [tilespmem:s12+$0xFFFFFFA0];
	v1 =	vmpcnt.ones.xlane vm2;
	v3 =	vmpcnt.ones.xlane vm1;
	vm1 =	vgt.s32 v5, $0x0  }
0xc5: {  	v12 =	vld [tilespmem:s11+$0xA0];
	vm2 =	vgt.s32 v4, $0x0;
	v5 =	vmpcnt.ones.xlane vm1;
	vm1 =	vgt.s32 v6, $0x0  }
0xc6: {  	v13 =	vld [tilespmem:s12+$0xFFFFFFB0];
	v16 =	vadd.f32 v16, v15;
	v6 =	vmpcnt.ones.xlane vm1;
	vm1 =	vgt.s32 v8, $0x0  }
0xc7: {  	v14 =	vld [tilespmem:s11+$0xB0];
	v8 =	vmpcnt.ones.xlane vm1;
	vm1 =	vgt.s32 v10, $0x0;
	v10 =	vshll.u32 v9, $0x10  }
0xc8: {  	v17 =	vld [tilespmem:s12+$0xFFFFFFC0];
	v4 =	vmpcnt.ones.xlane vm2;
	vm2 =	vgt.s32 v7, $0x0;
	v15 =	vadd.f32 v10, v15  }
0xc9: {  	v18 =	vld [tilespmem:s11+$0xC0];
	v9 =	vmpcnt.ones.xlane vm1;
	v10 =	vand.u32 $0xFFFF0000, v11;
	v11 =	vshll.u32 v11, $0x10  }
0xca: {  	vm1 =	vgt.s32 v12, $0x0;
	v12 =	vadd.f32 v10, v16;
	v16 =	vld [tilespmem:s12+$0xFFFFFFD0];
	v15 =	vadd.f32 v11, v15  }
0xcb: {  	v7 =	vmpcnt.ones.xlane vm2;
	v11 =	vand.u32 $0xFFFF0000, v13;
	v13 =	vshll.u32 v13, $0x10  }
0xcc: {  	v19 =	vld [tilespmem:s12+$0xFFFFFFE0];
	v10 =	vmpcnt.ones.xlane vm1;
	v12 =	vadd.f32 v11, v12;
	v13 =	vadd.f32 v13, v15  }
0xcd: {  	vm1 =	vgt.s32 v14, $0x0;
	v14 =	vand.u32 $0xFFFF0000, v17;
	v15 =	vshll.u32 v17, $0x10  }
0xce: {  	v11 =	vmpcnt.ones.xlane vm1;
	v14 =	vadd.f32 v14, v12;
	v17 =	vadd.f32 v15, v13;
	v13 =	vld [tilespmem:s12+$0xFFFFFFF0]  }
0xcf: {  	vm1 =	vgt.s32 v18, $0x0;
	v15 =	vand.u32 $0xFFFF0000, v16;
	v16 =	vshll.u32 v16, $0x10  }
0xd0: {  	vm1 =	vmand vm1, vm0;
	v15 =	vadd.f32 v15, v14;
	v14 =	vld [tilespmem:s12+$0x0];
	v16 =	vadd.f32 v16, v17  }
0xd1: {  	s11 =	simm.s32 $0x0;
	v18 =	vshll.u32 v19, $0x10;
	v12 =	vmpcnt.ones.xlane vm1;
	s12 =	simm.s32 $0x7178;
	v17 =	vand.u32 $0xFFFF0000, v19  }
.LBB2_7:
0xd2: {  	v19 =	vld [tilespmem:s12+$0xFFFFFF90];
	s11 =	sadd.s32 $0x8, s11;
	v15 =	vadd.f32 v17, v15;
	v16 =	vadd.f32 v18, v16  }
0xd3: {  	p1 =	slt.u32 s11, $0xC0;
	v17 =	vand.u32 $0xFFFF0000, v13;
	v13 =	vshll.u32 v13, $0x10  }
0xd4: {  	v18 =	vld [tilespmem:s12+$0xFFFFFFA0];
	v15 =	vadd.f32 v17, v15;
	v13 =	vadd.f32 v13, v16  }
0xd5: {  	v16 =	vand.u32 $0xFFFF0000, v14;
	v14 =	vshll.u32 v14, $0x10  }
0xd6: {  	v17 =	vld [tilespmem:s12+$0xFFFFFFB0];
	v15 =	vadd.f32 v16, v15;
	v13 =	vadd.f32 v14, v13  }
0xd7: {  	v14 =	vand.u32 $0xFFFF0000, v19;
	v16 =	vshll.u32 v19, $0x10  }
0xd8: {  	v14 =	vadd.f32 v14, v15;
	v13 =	vadd.f32 v16, v13;
	v15 =	vld [tilespmem:s12+$0xFFFFFFC0]  }
0xd9: {  	v16 =	vand.u32 $0xFFFF0000, v18;
	v18 =	vshll.u32 v18, $0x10  }
0xda: {  	v14 =	vadd.f32 v16, v14;
	v13 =	vadd.f32 v18, v13;
	v16 =	vld [tilespmem:s12+$0xFFFFFFD0]  }
0xdb: {  	v18 =	vand.u32 $0xFFFF0000, v17;
	v17 =	vshll.u32 v17, $0x10  }
0xdc: {  	v14 =	vadd.f32 v18, v14;
	v13 =	vadd.f32 v17, v13;
	v18 =	vld [tilespmem:s12+$0xFFFFFFE0]  }
.Ltmp4:
0xdd: {  	v17 =	vand.u32 $0xFFFF0000, v15;
	v15 =	vshll.u32 v15, $0x10;
	(pc) =	sbr.rel @p1 .LBB2_7-.Ltmp4, $4  }
0xde: {  	v14 =	vadd.f32 v17, v14;
	v17 =	vadd.f32 v15, v13;
	v13 =	vld [tilespmem:s12+$0xFFFFFFF0]  }
0xdf: {  	v15 =	vand.u32 $0xFFFF0000, v16;
	v16 =	vshll.u32 v16, $0x10  }
0xe0: {  	v15 =	vadd.f32 v15, v14;
	v16 =	vadd.f32 v16, v17;
	v14 =	vld [tilespmem:s12+$0x0]  }
0xe1: {  	s12 =	sadd.s32 $0x80, s12;
	v17 =	vand.u32 $0xFFFF0000, v18;
	v18 =	vshll.u32 v18, $0x10  }
0xe2: {  	v0 =	vadd.s32 v0, v1  }
0xe3: {  	v0 =	vadd.s32 v2, v0  }
0xe4: {  	v0 =	vadd.s32 v3, v0  }
0xe5: {  	v0 =	vadd.s32 v4, v0  }
0xe6: {  	v0 =	vadd.s32 v5, v0  }
0xe7: {  	v0 =	vadd.s32 v6, v0  }
0xe8: {  	v0 =	vadd.s32 v7, v0  }
0xe9: {  	v0 =	vadd.s32 v8, v0  }
0xea: {  	v0 =	vadd.s32 v9, v0  }
0xeb: {  	v0 =	vadd.s32 v10, v0  }
0xec: {  	v0 =	vadd.s32 v11, v0  }
0xed: {  	v0 =	vadd.s32 v12, v0  }
0xee: {  	v0 =	vcvt.s32.f32 v0;
	_ =	sdelay $0x1  }
0xef: {  	v0 =	vmax.f32 v0, $1.000000000e+00  }
0xf0: {  	(erf) = vrcp.f32 v0;
	_ =	sdelay $0x3  }
0xf1: {  	v0 =	vadd.f32 v17, v15  }
0xf2: {  	v1 =	vadd.f32 v18, v16;
	v2 =	vand.u32 $0xFFFF0000, v13  }
0xf3: {  	v3 =	vshll.u32 v13, $0x10;
	v0 =	vadd.f32 v2, v0;
	v2 =	vand.u32 $0xFFFF0000, v14  }
0xf4: {  	v1 =	vadd.f32 v3, v1  }
0xf5: {  	v3 =	vshll.u32 v14, $0x10;
	v0 =	vadd.f32 v2, v0  }
0xf6: {  	v1 =	vadd.f32 v3, v1;
	v2 =	vpop (erf)  }
0xf7: {  	s9 =	sshll.u32 s9, $0x5;
	v0 =	vmul.f32 v0, v2  }
0xf8: {  	s9 =	sand.u32 $0x3FFFFFE0, s9;
	v1 =	vmul.f32 v1, v2  }
0xf9: {  	[tilespmem:s9+$0x9608] =	vst v0  }
0xfa: {  	s11 =	simm.s32 @!p0 $0x80;
	s12 =	simm.s32 @!p0 $0x7088;
	[tilespmem:s9+$0x9618] =	vst v1;
	s9 =	sadd.s32 @!p0 $0x3E8, s1  }
0xfb: {  	[tilespmem:s12], [sflag:$0x2] =	stream.indirect.gather @!p0 [hbm4b:s3+s11], $0x10, s9, s11, $0xb8;
	[tilespmem:$0xA608] =	vst v63  }
0xfc: {  	s9 =	sadd.s32 @!p0 $0x468, s1;
	s11 =	simm.s32 @!p0 $0x48;
	s12 =	simm.s32 @!p0 $0x7888  }
0xfd: {  	[tilespmem:s12], [sflag:$0x2] =	stream.indirect.gather @!p0 [hbm4b:s3+s11], $0x10, s9, s11, $0xb8;
	[tilespmem:$0xA608] =	vst v63  }
0xfe: {  	_ =	swait.ge [sflag:s26], $0x800  }
0xff: {  	[sflag:s26] =	ssyncset.done $0x0  }
0x100: {  	s9 =	sor.u32 $0x2, s0;
	[sflag:s26] =	ssyncadd.s32 $0xFFFFF800  }
0x101: {  	s12 =	smul.u32 $0x320, s9;
	_ =	swait.ge [sflag:s26], $0x480  }
0x102: {  	[sflag:s26] =	ssyncset.done $0x0  }
0x103: {  	s11 =	sshra.s32 s12, $0x2;
	[sflag:s26] =	ssyncadd.s32 $0xFFFFFB80  }
0x104: {  	v0 =	vld [tilespmem:s11+$0x0]  }
0x105: {  	v1 =	vld [tilespmem:s11+$0x10]  }
0x106: {  	v2 =	vld [tilespmem:s11+$0x20]  }
0x107: {  	v3 =	vld [tilespmem:s11+$0x30]  }
0x108: {  	s12 =	simm.s32 $0x7D78;
	v4 =	vld [tilespmem:s11+$0x40]  }
0x109: {  	v9 =	vld [tilespmem:s12+$0xFFFFFF90]  }
0x10a: {  	v5 =	vld [tilespmem:s11+$0x50]  }
0x10b: {  	v6 =	vld [tilespmem:s11+$0x60]  }
0x10c: {  	v15 =	vimm.f32 $0.0e+00;
	v8 =	vld [tilespmem:s11+$0x80];
	vm1 =	vgt.s32 v0, $0x0  }
0x10d: {  	v10 =	vld [tilespmem:s11+$0x90];
	vm2 =	vgt.s32 v1, $0x0;
	v0 =	vmpcnt.ones.xlane vm1;
	vm1 =	vgt.s32 v2, $0x0  }
0x10e: {  	v7 =	vld [tilespmem:s11+$0x70];
	v16 =	vand.u32 $0xFFFF0000, v9;
	v2 =	vmpcnt.ones.xlane vm1;
	vm1 =	vgt.s32 v3, $0x0  }
0x10f: {  	v11 =	vld [tilespmem:s12+$0xFFFFFFA0];
	v1 =	vmpcnt.ones.xlane vm2;
	v3 =	vmpcnt.ones.xlane vm1;
	vm1 =	vgt.s32 v5, $0x0  }
0x110: {  	v12 =	vld [tilespmem:s11+$0xA0];
	vm2 =	vgt.s32 v4, $0x0;
	v5 =	vmpcnt.ones.xlane vm1;
	vm1 =	vgt.s32 v6, $0x0  }
0x111: {  	v13 =	vld [tilespmem:s12+$0xFFFFFFB0];
	v16 =	vadd.f32 v16, v15;
	v6 =	vmpcnt.ones.xlane vm1;
	vm1 =	vgt.s32 v8, $0x0  }
0x112: {  	v14 =	vld [tilespmem:s11+$0xB0];
	v8 =	vmpcnt.ones.xlane vm1;
	vm1 =	vgt.s32 v10, $0x0;
	v10 =	vshll.u32 v9, $0x10  }
0x113: {  	v17 =	vld [tilespmem:s12+$0xFFFFFFC0];
	v4 =	vmpcnt.ones.xlane vm2;
	vm2 =	vgt.s32 v7, $0x0;
	v15 =	vadd.f32 v10, v15  }
0x114: {  	v18 =	vld [tilespmem:s11+$0xC0];
	v9 =	vmpcnt.ones.xlane vm1;
	v10 =	vand.u32 $0xFFFF0000, v11;
	v11 =	vshll.u32 v11, $0x10  }
0x115: {  	vm1 =	vgt.s32 v12, $0x0;
	v12 =	vadd.f32 v10, v16;
	v16 =	vld [tilespmem:s12+$0xFFFFFFD0];
	v15 =	vadd.f32 v11, v15  }
0x116: {  	v7 =	vmpcnt.ones.xlane vm2;
	v11 =	vand.u32 $0xFFFF0000, v13;
	v13 =	vshll.u32 v13, $0x10  }
0x117: {  	v19 =	vld [tilespmem:s12+$0xFFFFFFE0];
	v10 =	vmpcnt.ones.xlane vm1;
	v12 =	vadd.f32 v11, v12;
	v13 =	vadd.f32 v13, v15  }
0x118: {  	vm1 =	vgt.s32 v14, $0x0;
	v14 =	vand.u32 $0xFFFF0000, v17;
	v15 =	vshll.u32 v17, $0x10  }
0x119: {  	v11 =	vmpcnt.ones.xlane vm1;
	v14 =	vadd.f32 v14, v12;
	v17 =	vadd.f32 v15, v13;
	v13 =	vld [tilespmem:s12+$0xFFFFFFF0]  }
0x11a: {  	vm1 =	vgt.s32 v18, $0x0;
	v15 =	vand.u32 $0xFFFF0000, v16;
	v16 =	vshll.u32 v16, $0x10  }
0x11b: {  	vm1 =	vmand vm1, vm0;
	v15 =	vadd.f32 v15, v14;
	v14 =	vld [tilespmem:s12+$0x0];
	v16 =	vadd.f32 v16, v17  }
0x11c: {  	s11 =	simm.s32 $0x0;
	v18 =	vshll.u32 v19, $0x10;
	v12 =	vmpcnt.ones.xlane vm1;
	s12 =	simm.s32 $0x7DF8;
	v17 =	vand.u32 $0xFFFF0000, v19  }
.LBB2_9:
0x11d: {  	v19 =	vld [tilespmem:s12+$0xFFFFFF90];
	s11 =	sadd.s32 $0x8, s11;
	v15 =	vadd.f32 v17, v15;
	v16 =	vadd.f32 v18, v16  }
0x11e: {  	p1 =	slt.u32 s11, $0xC0;
	v17 =	vand.u32 $0xFFFF0000, v13;
	v13 =	vshll.u32 v13, $0x10  }
0x11f: {  	v18 =	vld [tilespmem:s12+$0xFFFFFFA0];
	v15 =	vadd.f32 v17, v15;
	v13 =	vadd.f32 v13, v16  }
0x120: {  	v16 =	vand.u32 $0xFFFF0000, v14;
	v14 =	vshll.u32 v14, $0x10  }
0x121: {  	v17 =	vld [tilespmem:s12+$0xFFFFFFB0];
	v15 =	vadd.f32 v16, v15;
	v13 =	vadd.f32 v14, v13  }
0x122: {  	v14 =	vand.u32 $0xFFFF0000, v19;
	v16 =	vshll.u32 v19, $0x10  }
0x123: {  	v14 =	vadd.f32 v14, v15;
	v13 =	vadd.f32 v16, v13;
	v15 =	vld [tilespmem:s12+$0xFFFFFFC0]  }
0x124: {  	v16 =	vand.u32 $0xFFFF0000, v18;
	v18 =	vshll.u32 v18, $0x10  }
0x125: {  	v14 =	vadd.f32 v16, v14;
	v13 =	vadd.f32 v18, v13;
	v16 =	vld [tilespmem:s12+$0xFFFFFFD0]  }
0x126: {  	v18 =	vand.u32 $0xFFFF0000, v17;
	v17 =	vshll.u32 v17, $0x10  }
0x127: {  	v14 =	vadd.f32 v18, v14;
	v13 =	vadd.f32 v17, v13;
	v18 =	vld [tilespmem:s12+$0xFFFFFFE0]  }
.Ltmp5:
0x128: {  	v17 =	vand.u32 $0xFFFF0000, v15;
	v15 =	vshll.u32 v15, $0x10;
	(pc) =	sbr.rel @p1 .LBB2_9-.Ltmp5, $4  }
0x129: {  	v14 =	vadd.f32 v17, v14;
	v17 =	vadd.f32 v15, v13;
	v13 =	vld [tilespmem:s12+$0xFFFFFFF0]  }
0x12a: {  	v15 =	vand.u32 $0xFFFF0000, v16;
	v16 =	vshll.u32 v16, $0x10  }
0x12b: {  	v15 =	vadd.f32 v15, v14;
	v16 =	vadd.f32 v16, v17;
	v14 =	vld [tilespmem:s12+$0x0]  }
0x12c: {  	s12 =	sadd.s32 $0x80, s12;
	v17 =	vand.u32 $0xFFFF0000, v18;
	v18 =	vshll.u32 v18, $0x10  }
0x12d: {  	v0 =	vadd.s32 v0, v1  }
0x12e: {  	v0 =	vadd.s32 v2, v0  }
0x12f: {  	v0 =	vadd.s32 v3, v0  }
0x130: {  	v0 =	vadd.s32 v4, v0  }
0x131: {  	v0 =	vadd.s32 v5, v0  }
0x132: {  	v0 =	vadd.s32 v6, v0  }
0x133: {  	v0 =	vadd.s32 v7, v0  }
0x134: {  	v0 =	vadd.s32 v8, v0  }
0x135: {  	v0 =	vadd.s32 v9, v0  }
0x136: {  	v0 =	vadd.s32 v10, v0  }
0x137: {  	v0 =	vadd.s32 v11, v0  }
0x138: {  	v0 =	vadd.s32 v12, v0  }
0x139: {  	v0 =	vcvt.s32.f32 v0;
	_ =	sdelay $0x1  }
0x13a: {  	v0 =	vmax.f32 v0, $1.000000000e+00  }
0x13b: {  	(erf) = vrcp.f32 v0;
	_ =	sdelay $0x3  }
0x13c: {  	v0 =	vadd.f32 v17, v15  }
0x13d: {  	v1 =	vadd.f32 v18, v16;
	v2 =	vand.u32 $0xFFFF0000, v13  }
0x13e: {  	v3 =	vshll.u32 v13, $0x10;
	v0 =	vadd.f32 v2, v0;
	v2 =	vand.u32 $0xFFFF0000, v14  }
0x13f: {  	v1 =	vadd.f32 v3, v1  }
0x140: {  	v3 =	vshll.u32 v14, $0x10;
	v0 =	vadd.f32 v2, v0  }
0x141: {  	v1 =	vadd.f32 v3, v1;
	v2 =	vpop (erf)  }
0x142: {  	s9 =	sshll.u32 s9, $0x5;
	v0 =	vmul.f32 v0, v2  }
0x143: {  	s9 =	sand.u32 $0x3FFFFFE0, s9;
	v1 =	vmul.f32 v1, v2  }
0x144: {  	[tilespmem:s9+$0x9608] =	vst v0  }
0x145: {  	s11 =	simm.s32 @!p0 $0x80;
	s12 =	simm.s32 @!p0 $0x7D08;
	[tilespmem:s9+$0x9618] =	vst v1;
	s9 =	sadd.s32 @!p0 $0x4B0, s1  }
0x146: {  	[tilespmem:s12], [sflag:$0x3] =	stream.indirect.gather @!p0 [hbm4b:s3+s11], $0x10, s9, s11, $0xb8;
	[tilespmem:$0xA608] =	vst v63  }
0x147: {  	s9 =	sadd.s32 @!p0 $0x530, s1;
	s11 =	simm.s32 @!p0 $0x48;
	s12 =	simm.s32 @!p0 $0x8508  }
0x148: {  	[tilespmem:s12], [sflag:$0x3] =	stream.indirect.gather @!p0 [hbm4b:s3+s11], $0x10, s9, s11, $0xb8;
	[tilespmem:$0xA608] =	vst v63  }
0x149: {  	_ =	swait.ge [sflag:s28], $0x800  }
0x14a: {  	[sflag:s28] =	ssyncset.done $0x0  }
0x14b: {  	s0 =	sor.u32 $0x3, s0;
	[sflag:s28] =	ssyncadd.s32 $0xFFFFF800  }
0x14c: {  	s11 =	smul.u32 $0x320, s0;
	_ =	swait.ge [sflag:s28], $0x480  }
0x14d: {  	[sflag:s28] =	ssyncset.done $0x0  }
0x14e: {  	s9 =	sshra.s32 s11, $0x2;
	[sflag:s28] =	ssyncadd.s32 $0xFFFFFB80  }
0x14f: {  	v0 =	vld [tilespmem:s9+$0x0]  }
0x150: {  	v1 =	vld [tilespmem:s9+$0x10]  }
0x151: {  	v2 =	vld [tilespmem:s9+$0x20]  }
0x152: {  	v3 =	vld [tilespmem:s9+$0x30]  }
0x153: {  	s12 =	simm.s32 $0x89F8;
	v4 =	vld [tilespmem:s9+$0x40]  }
0x154: {  	v9 =	vld [tilespmem:s12+$0xFFFFFF90]  }
0x155: {  	v5 =	vld [tilespmem:s9+$0x50]  }
0x156: {  	v6 =	vld [tilespmem:s9+$0x60]  }
0x157: {  	v15 =	vimm.f32 $0.0e+00;
	v8 =	vld [tilespmem:s9+$0x80];
	vm1 =	vgt.s32 v0, $0x0  }
0x158: {  	v10 =	vld [tilespmem:s9+$0x90];
	vm2 =	vgt.s32 v1, $0x0;
	v0 =	vmpcnt.ones.xlane vm1;
	vm1 =	vgt.s32 v2, $0x0  }
0x159: {  	v7 =	vld [tilespmem:s9+$0x70];
	v16 =	vand.u32 $0xFFFF0000, v9;
	v2 =	vmpcnt.ones.xlane vm1;
	vm1 =	vgt.s32 v3, $0x0  }
0x15a: {  	v11 =	vld [tilespmem:s12+$0xFFFFFFA0];
	v1 =	vmpcnt.ones.xlane vm2;
	v3 =	vmpcnt.ones.xlane vm1;
	vm1 =	vgt.s32 v5, $0x0  }
0x15b: {  	v12 =	vld [tilespmem:s9+$0xA0];
	vm2 =	vgt.s32 v4, $0x0;
	v5 =	vmpcnt.ones.xlane vm1;
	vm1 =	vgt.s32 v6, $0x0  }
0x15c: {  	v13 =	vld [tilespmem:s12+$0xFFFFFFB0];
	v16 =	vadd.f32 v16, v15;
	v6 =	vmpcnt.ones.xlane vm1;
	vm1 =	vgt.s32 v8, $0x0  }
0x15d: {  	v14 =	vld [tilespmem:s9+$0xB0];
	v8 =	vmpcnt.ones.xlane vm1;
	vm1 =	vgt.s32 v10, $0x0;
	v10 =	vshll.u32 v9, $0x10  }
0x15e: {  	v17 =	vld [tilespmem:s12+$0xFFFFFFC0];
	v4 =	vmpcnt.ones.xlane vm2;
	vm2 =	vgt.s32 v7, $0x0;
	v15 =	vadd.f32 v10, v15  }
0x15f: {  	v18 =	vld [tilespmem:s9+$0xC0];
	v9 =	vmpcnt.ones.xlane vm1;
	v10 =	vand.u32 $0xFFFF0000, v11;
	v11 =	vshll.u32 v11, $0x10  }
0x160: {  	vm1 =	vgt.s32 v12, $0x0;
	v12 =	vadd.f32 v10, v16;
	v16 =	vld [tilespmem:s12+$0xFFFFFFD0];
	v15 =	vadd.f32 v11, v15  }
0x161: {  	v7 =	vmpcnt.ones.xlane vm2;
	v11 =	vand.u32 $0xFFFF0000, v13;
	v13 =	vshll.u32 v13, $0x10  }
0x162: {  	v19 =	vld [tilespmem:s12+$0xFFFFFFE0];
	v10 =	vmpcnt.ones.xlane vm1;
	v12 =	vadd.f32 v11, v12;
	v13 =	vadd.f32 v13, v15  }
0x163: {  	vm1 =	vgt.s32 v14, $0x0;
	v14 =	vand.u32 $0xFFFF0000, v17;
	v15 =	vshll.u32 v17, $0x10  }
0x164: {  	v11 =	vmpcnt.ones.xlane vm1;
	v14 =	vadd.f32 v14, v12;
	v17 =	vadd.f32 v15, v13;
	v13 =	vld [tilespmem:s12+$0xFFFFFFF0]  }
0x165: {  	vm1 =	vgt.s32 v18, $0x0;
	v15 =	vand.u32 $0xFFFF0000, v16;
	v16 =	vshll.u32 v16, $0x10  }
0x166: {  	vm1 =	vmand vm1, vm0;
	v15 =	vadd.f32 v15, v14;
	v14 =	vld [tilespmem:s12+$0x0];
	v16 =	vadd.f32 v16, v17  }
0x167: {  	s11 =	simm.s32 $0x8A78;
	s9 =	simm.s32 $0x0;
	v18 =	vshll.u32 v19, $0x10;
	v12 =	vmpcnt.ones.xlane vm1;
	v17 =	vand.u32 $0xFFFF0000, v19  }
.LBB2_11:
0x168: {  	v19 =	vld [tilespmem:s11+$0xFFFFFF90];
	s9 =	sadd.s32 $0x8, s9;
	v15 =	vadd.f32 v17, v15;
	v16 =	vadd.f32 v18, v16  }
0x169: {  	p1 =	slt.u32 s9, $0xC0;
	v17 =	vand.u32 $0xFFFF0000, v13;
	v13 =	vshll.u32 v13, $0x10  }
0x16a: {  	v18 =	vld [tilespmem:s11+$0xFFFFFFA0];
	v15 =	vadd.f32 v17, v15;
	v13 =	vadd.f32 v13, v16  }
0x16b: {  	v16 =	vand.u32 $0xFFFF0000, v14;
	v14 =	vshll.u32 v14, $0x10  }
0x16c: {  	v17 =	vld [tilespmem:s11+$0xFFFFFFB0];
	v15 =	vadd.f32 v16, v15;
	v13 =	vadd.f32 v14, v13  }
0x16d: {  	v14 =	vand.u32 $0xFFFF0000, v19;
	v16 =	vshll.u32 v19, $0x10  }
0x16e: {  	v14 =	vadd.f32 v14, v15;
	v13 =	vadd.f32 v16, v13;
	v15 =	vld [tilespmem:s11+$0xFFFFFFC0]  }
0x16f: {  	v16 =	vand.u32 $0xFFFF0000, v18;
	v18 =	vshll.u32 v18, $0x10  }
0x170: {  	v14 =	vadd.f32 v16, v14;
	v13 =	vadd.f32 v18, v13;
	v16 =	vld [tilespmem:s11+$0xFFFFFFD0]  }
0x171: {  	v18 =	vand.u32 $0xFFFF0000, v17;
	v17 =	vshll.u32 v17, $0x10  }
0x172: {  	v14 =	vadd.f32 v18, v14;
	v13 =	vadd.f32 v17, v13;
	v18 =	vld [tilespmem:s11+$0xFFFFFFE0]  }
.Ltmp6:
0x173: {  	v17 =	vand.u32 $0xFFFF0000, v15;
	v15 =	vshll.u32 v15, $0x10;
	(pc) =	sbr.rel @p1 .LBB2_11-.Ltmp6, $4  }
0x174: {  	v14 =	vadd.f32 v17, v14;
	v17 =	vadd.f32 v15, v13;
	v13 =	vld [tilespmem:s11+$0xFFFFFFF0]  }
0x175: {  	v15 =	vand.u32 $0xFFFF0000, v16;
	v16 =	vshll.u32 v16, $0x10  }
0x176: {  	v15 =	vadd.f32 v15, v14;
	v16 =	vadd.f32 v16, v17;
	v14 =	vld [tilespmem:s11+$0x0]  }
0x177: {  	s11 =	sadd.s32 $0x80, s11;
	v17 =	vand.u32 $0xFFFF0000, v18;
	v18 =	vshll.u32 v18, $0x10  }
0x178: {  	v0 =	vadd.s32 v0, v1  }
0x179: {  	v0 =	vadd.s32 v2, v0  }
0x17a: {  	v0 =	vadd.s32 v3, v0  }
0x17b: {  	v0 =	vadd.s32 v4, v0  }
0x17c: {  	v0 =	vadd.s32 v5, v0  }
0x17d: {  	v0 =	vadd.s32 v6, v0  }
0x17e: {  	v0 =	vadd.s32 v7, v0  }
0x17f: {  	v0 =	vadd.s32 v8, v0  }
0x180: {  	v0 =	vadd.s32 v9, v0  }
0x181: {  	v0 =	vadd.s32 v10, v0  }
0x182: {  	v0 =	vadd.s32 v11, v0  }
0x183: {  	v0 =	vadd.s32 v12, v0  }
0x184: {  	v0 =	vcvt.s32.f32 v0;
	_ =	sdelay $0x1  }
0x185: {  	v0 =	vmax.f32 v0, $1.000000000e+00  }
0x186: {  	(erf) = vrcp.f32 v0;
	_ =	sdelay $0x3  }
0x187: {  	v57 =	vadd.f32 v17, v15  }
0x188: {  	v58 =	vadd.f32 v18, v16;
	v59 =	vand.u32 $0xFFFF0000, v13  }
0x189: {  	v60 =	vshll.u32 v13, $0x10;
	v0 =	vadd.f32 v59, v57  }
0x18a: {  	v1 =	vadd.f32 v60, v58;
	v61 =	vand.u32 $0xFFFF0000, v14  }
0x18b: {  	v62 =	vshll.u32 v14, $0x10;
	v0 =	vadd.f32 v61, v0  }
.Ltmp7:
0x18c: {  	v1 =	vadd.f32 v62, v1;
	v63 =	vpop (erf);
	(pc) =	sbr.rel @p0 .LBB2_14-.Ltmp7, $4  }
0x18d: {  	s0 =	sshll.u32 s0, $0x5;
	v0 =	vmul.f32 v0, v63  }
0x18e: {  	s0 =	sand.u32 $0x3FFFFFE0, s0;
	v1 =	vmul.f32 v1, v63  }
0x18f: {  	[tilespmem:s0+$0x9608] =	vst v0  }
0x190: {  	[tilespmem:s0+$0x9618] =	vst v1  }
.Ltmp8:
0x191: {  	(pc) =	sbr.rel .LBB2_4-.Ltmp8, $4  }
0x192: {  	s0 =	sadd.s32 $0x578, s1  }
0x193: {  	[tilespmem:s21], [sflag:$0x4] =	stream.indirect.gather [hbm4b:s3+s8], $0x10, s0, s8, $0xb8;
	[tilespmem:$0xA608] =	vst v63  }
0x194: {  	s12 =	sadd.s32 $0x5F8, s1;
	s31 =	sadd.s32 $0x1, s31  }
0x195: {  	[tilespmem:s23], [sflag:$0x4] =	stream.indirect.gather [hbm4b:s3+s10], $0x10, s12, s10, $0xb8;
	[tilespmem:$0xA608] =	vst v63  }
.LBB2_15:
0x196: {  	_ =	sfence.sel $0x180000  }
0x197: {  	[bflag:$0x0] =	sbarrier.arrive $0xFFFF  }
0x198: {  	_ =	strace $0x90000047  }
0x199: {  	s0 =	stileid.u32;
	[bflag:$0x2] =	sbarrier.arrive $0xFFFF  }
0x19a: {  	p0 =	sne.s32 s0, $0x0;
	s0 =	rddreg [dreg:$0x2]  }
0x19b: {  	s0 =	sadd.s32 @!p0 $0x100000, s0  }
0x19c: {  	[sflag:s0] =	ssyncadd.tile.s32 @!p0 $0x1;
	_ =	shalt  }
.Lfunc_end2:
_tile_overlayer_lowered:
.L_overlay_start_2:
0x19d: {  	(tag) =	ssettag $0x2  }
0x19e: {  	s0 =	rddreg [dreg:$0x0];
	s2 =	stileid.u32  }
0x19f: {  	s1 =	rddreg [dreg:$0x1];
	p0 =	sne.s32 s2, $0x0  }
0x1a0: {  	s3 =	rddreg [dreg:$0x2];
	[bflag:$0x3] =	sbarrier.arrive $0xFFFF;
	s2 =	simm.s32 @!p0 $0x1C05  }
0x1a1: {  	[timem:s3], [sflag:s2] =	dma.local @!p0 [hbm:s0], s1  }
0x1a2: {  	s0 =	simm.s32 @!p0 $0x5  }
0x1a3: {  	_ =	swait.ge @!p0 [sflag:s0], s1  }
0x1a4: {  	s1 =	ssub.s32 @!p0 $0x0, s1;
	[sflag:s0] =	ssyncset.done @!p0 $0x0  }
0x1a5: {  	[sflag:s0] =	ssyncadd.s32 @!p0 s1  }
0x1a6: {  	[bflag:$0x3] =	sbarrier.arrive $0xFFFF  }
0x1a7: {  	_ =	shalt  }

</sc_bundles>
